<compile_context>
chip_gen: v7x
topology: tpu7x:2x2x1
jax: 0.10.2.dev20260603
libtpu: 0.0.44.dev20260713+nightly
codegen_flags: <defaults>
</compile_context>

<pallas_src>
import functools

import jax
import jax.numpy as jnp
from jax import lax
from jax.experimental import pallas as pl
from jax.experimental.pallas import tpu as pltpu
from jax.experimental.pallas import tpu_sc as plsc

N = 10000
E = 320000
D_NODE = 128
D_EDGE = 16
H = 64
L = 4
B = 16

NC, NS = 2, 16
NW = NC * NS
NPAD = 10240
E_PAD = 327680
EW = E_PAD // NW
CE = 128
NCH = EW // CE
RPT = NPAD // NS
CP = NPAD // NW

_mesh = plsc.VectorSubcoreMesh(core_axis_name="c", subcore_axis_name="s")


def _leaky(x):
    return jnp.maximum(x, 0.0) + 0.01 * jnp.minimum(x, 0.0)


def _embed_body(rn_ref, in_ref, wr_ref, wi_ref, wm_ref, h_ref, p_ref):
    h = jnp.dot(rn_ref[...], wr_ref[...], preferred_element_type=jnp.float32)
    h = h + in_ref[...] * wi_ref[0]
    h_ref[...] = h
    p_ref[...] = jnp.dot(h, wm_ref[...], preferred_element_type=jnp.float32)


_embed = pl.pallas_call(
    _embed_body,
    grid=(8,),
    in_specs=[
        pl.BlockSpec((1280, D_NODE), lambda i: (i, 0)),
        pl.BlockSpec((1280, 1), lambda i: (i, 0)),
        pl.BlockSpec((D_NODE, H), lambda i: (0, 0)),
        pl.BlockSpec((1, H), lambda i: (0, 0)),
        pl.BlockSpec((H, H), lambda i: (0, 0)),
    ],
    out_specs=[
        pl.BlockSpec((1280, H), lambda i: (i, 0)),
        pl.BlockSpec((1280, H), lambda i: (i, 0)),
    ],
    out_shape=[
        jax.ShapeDtypeStruct((NPAD, H), jnp.float32),
        jax.ShapeDtypeStruct((NPAD, H), jnp.float32),
    ],
)


def _q_body(re_ref, wre_ref, wm_ref, q_ref):
    re = re_ref[...]
    for l in range(L):
        wq = jnp.dot(wre_ref[...], wm_ref[l], preferred_element_type=jnp.float32)
        q_ref[l] = jnp.dot(re, wq, preferred_element_type=jnp.float32)


_qcall = pl.pallas_call(
    _q_body,
    grid=(E_PAD // 2048,),
    in_specs=[
        pl.BlockSpec((2048, D_EDGE), lambda i: (i, 0)),
        pl.BlockSpec((D_EDGE, H), lambda i: (0, 0)),
        pl.BlockSpec((L, H, H), lambda i: (0, 0, 0)),
    ],
    out_specs=pl.BlockSpec((L, 2048, H), lambda i: (0, i, 0)),
    out_shape=jax.ShapeDtypeStruct((L, E_PAD, H), jnp.float32),
)


def _update_mid_body(ag_ref, h_ref, ws_ref, wm_ref, hn_ref, p_ref):
    agg = ag_ref[0] + ag_ref[1]
    u = jnp.dot(agg, ws_ref[...], preferred_element_type=jnp.float32)
    hn = h_ref[...] + 0.1 * _leaky(u)
    hn_ref[...] = hn
    p_ref[...] = jnp.dot(hn, wm_ref[...], preferred_element_type=jnp.float32)


_update_mid = pl.pallas_call(
    _update_mid_body,
    grid=(8,),
    in_specs=[
        pl.BlockSpec((2, 1280, H), lambda i: (0, i, 0)),
        pl.BlockSpec((1280, H), lambda i: (i, 0)),
        pl.BlockSpec((H, H), lambda i: (0, 0)),
        pl.BlockSpec((H, H), lambda i: (0, 0)),
    ],
    out_specs=[
        pl.BlockSpec((1280, H), lambda i: (i, 0)),
        pl.BlockSpec((1280, H), lambda i: (i, 0)),
    ],
    out_shape=[
        jax.ShapeDtypeStruct((NPAD, H), jnp.float32),
        jax.ShapeDtypeStruct((NPAD, H), jnp.float32),
    ],
)


def _update_last_body(ag_ref, h_ref, ws_ref, de_ref, wo_ref, s_ref):
    agg = ag_ref[0] + ag_ref[1]
    u = jnp.dot(agg, ws_ref[...], preferred_element_type=jnp.float32)
    hn = h_ref[...] + 0.1 * _leaky(u)
    s_ref[...] = jnp.dot(hn * de_ref[...], wo_ref[...],
                         preferred_element_type=jnp.float32)


_update_last = pl.pallas_call(
    _update_last_body,
    grid=(8,),
    in_specs=[
        pl.BlockSpec((2, 1280, H), lambda i: (0, i, 0)),
        pl.BlockSpec((1280, H), lambda i: (i, 0)),
        pl.BlockSpec((H, H), lambda i: (0, 0)),
        pl.BlockSpec((1280, 1), lambda i: (i, 0)),
        pl.BlockSpec((H, 1), lambda i: (0, 0)),
    ],
    out_specs=pl.BlockSpec((1280, 1), lambda i: (i, 0)),
    out_shape=jax.ShapeDtypeStruct((NPAD, 1), jnp.float32),
)


def _edge_body(p_hbm, q_hbm, src_hbm, dst_hbm, out_hbm,
               srcv, dstv, prow, qrow, zrow, aggsh, sem_g):
    c = lax.axis_index("c")
    s = lax.axis_index("s")
    wid = s * NC + c

    def _zb(i, _):
        for j in range(H // 16):
            zrow[i, pl.ds(j * 16, 16)] = jnp.zeros((16,), jnp.float32)
        return _
    lax.fori_loop(0, CE, _zb, None)

    def _zs(t, _):
        pltpu.sync_copy(zrow, aggsh.at[pl.ds(s * RPT + t * CE, CE)])
        return _
    lax.fori_loop(0, RPT // CE, _zs, None)
    plsc.subcore_barrier()

    e_base = wid * EW

    def _chunk(k, _):
        e0 = e_base + k * CE
        pltpu.sync_copy(src_hbm.at[pl.ds(e0, CE)], srcv.at[0])
        pltpu.sync_copy(dst_hbm.at[pl.ds(e0, CE)], dstv.at[0])
        pltpu.sync_copy(q_hbm.at[pl.ds(e0, CE)], qrow.at[0])
        pltpu.async_copy(p_hbm.at[srcv.at[0]], prow.at[0], sem_g).wait()

        def _crow(r, _c):
            for j in range(H // 16):
                x = (prow[0, r, pl.ds(j * 16, 16)]
                     + qrow[0, r, pl.ds(j * 16, 16)])
                prow[0, r, pl.ds(j * 16, 16)] = _leaky(x)
            return _c
        lax.fori_loop(0, CE, _crow, None)
        pltpu.sync_copy(prow.at[0], aggsh.at[dstv.at[0]], add=True)
        return _
    lax.fori_loop(0, NCH, _chunk, None)

    plsc.subcore_barrier()
    pltpu.sync_copy(aggsh.at[pl.ds(s * RPT, RPT)],
                    out_hbm.at[c, pl.ds(s * RPT, RPT)])


_edge = functools.partial(
    pl.kernel,
    out_type=jax.ShapeDtypeStruct((NC, NPAD, H), jnp.float32),
    mesh=_mesh,
    compiler_params=pltpu.CompilerParams(use_tc_tiling_on_sc=False),
    scratch_types=[
        pltpu.VMEM((1, CE), jnp.int32),
        pltpu.VMEM((1, CE), jnp.int32),
        pltpu.VMEM((1, CE, H), jnp.float32),
        pltpu.VMEM((1, CE, H), jnp.float32),
        pltpu.VMEM((CE, H), jnp.float32),
        pltpu.VMEM_SHARED((NPAD, H), jnp.float32),
        pltpu.SemaphoreType.DMA,
    ],
)(_edge_body)


def _pool_body(seg_hbm, r2d_hbm, s_hbm, out_hbm, segv, idxv, sv, bins):
    c = lax.axis_index("c")
    s_ = lax.axis_index("s")
    wid = s_ * NC + c
    pltpu.sync_copy(seg_hbm, segv)
    pltpu.sync_copy(r2d_hbm.at[pl.ds(wid * CP, CP)], idxv)
    pltpu.sync_copy(s_hbm.at[pl.ds(wid * CP, CP)], sv)
    for i in range(B):
        bins[i] = jnp.zeros((16,), jnp.float32)
    lane = lax.iota(jnp.int32, 16)

    def _st(i, _):
        iv = idxv[pl.ds(i * 16, 16)]
        vals = sv[pl.ds(i * 16, 16)]
        gj = wid * CP + i * 16 + lane
        segs = plsc.load_gather(segv, [iv])
        plsc.addupdate_scatter(bins, [segs, lane], vals, mask=gj < N)
        return _
    lax.fori_loop(0, CP // 16, _st, None)
    pltpu.sync_copy(bins, out_hbm.at[wid])


_pool = functools.partial(
    pl.kernel,
    out_type=jax.ShapeDtypeStruct((NW, B, 16), jnp.float32),
    mesh=_mesh,
    compiler_params=pltpu.CompilerParams(use_tc_tiling_on_sc=False,
                                         needs_layout_passes=False),
    scratch_types=[
        pltpu.VMEM((NPAD,), jnp.int32),
        pltpu.VMEM((CP,), jnp.int32),
        pltpu.VMEM((CP,), jnp.float32),
        pltpu.VMEM((B, 16), jnp.float32),
    ],
)(_pool_body)


def _final_body(part_ref, g_ref, b_ref, lw_ref, lb_ref, o_ref):
    pooled = jnp.sum(jnp.sum(part_ref[...], axis=0), axis=1, keepdims=True)
    mu = jnp.mean(pooled, axis=-1, keepdims=True)
    var = jnp.mean((pooled - mu) ** 2, axis=-1, keepdims=True)
    normed = (pooled - mu) / jnp.sqrt(var + 1e-5) * g_ref[0, 0] + b_ref[0, 0]
    o_ref[...] = jnp.tanh(normed) * lw_ref[0, 0] + lb_ref[0, 0]


_final = pl.pallas_call(
    _final_body,
    out_shape=jax.ShapeDtypeStruct((B, 1), jnp.float32),
)


def kernel(r_node, i_node, r_edge, d_edge, edge_index, r2d_dst, d_segment_ids,
           W_rnode, W_inode, W_redge, W_msg, W_self, W_out,
           ln_gamma, ln_beta, lin_w, lin_b):
    f32 = jnp.float32
    pe = E_PAD - E
    pn = NPAD - N
    srcp = jnp.concatenate([edge_index[0], jnp.zeros((pe,), jnp.int32)])
    dstp = jnp.concatenate([edge_index[1], jnp.full((pe,), N, jnp.int32)])
    rep = jnp.pad(r_edge.astype(f32), ((0, pe), (0, 0)))
    rnp = jnp.pad(r_node.astype(f32), ((0, pn), (0, 0)))
    inp = jnp.pad(i_node.astype(f32), ((0, pn), (0, 0)))
    dep = jnp.pad(d_edge.astype(f32), ((0, pn), (0, 0)))
    r2dp = jnp.pad(r2d_dst, (0, pn))
    segp = jnp.pad(d_segment_ids, (0, pn))

    h, P = _embed(rnp, inp, W_rnode, W_inode, W_msg[0])
    Q = _qcall(rep, W_redge, W_msg)
    for l in range(L):
        aggp = _edge(P, Q[l], srcp, dstp)
        if l < L - 1:
            h, P = _update_mid(aggp, h, W_self[l], W_msg[l + 1])
        else:
            s = _update_last(aggp, h, W_self[l], dep, W_out)
    part = _pool(segp, r2dp, s.reshape(NPAD))
    return _final(part, ln_gamma.reshape(1, 1), ln_beta.reshape(1, 1),
                  lin_w, lin_b.reshape(1, 1))

# --- scband reference (transcript-rebuilt; emitter-appended) ---
"""Pipeline reference for scband-network-18820546691269 (READ-ONLY COPY).

The authoritative reference and input builder live on the scoring server;
editing this copy changes nothing except your own understanding.
"""

import jax, jax.numpy as jnp
import numpy as np

N = 10000      # r nodes (also i nodes one-to-one, and d nodes)
E = 320000     # r2r edges
D_NODE = 128
D_EDGE = 16
H = 64         # hidden_dim
L = 4          # conv_layers
B = 16         # batched graphs for SumPooling


def setup_inputs(seed: int = 0) -> dict:
    key = jax.random.key(seed)
    ks = jax.random.split(key, 20)
    inp = {}
    inp['r_node'] = jax.random.normal(ks[0], (N, D_NODE), dtype=jnp.float32)
    inp['i_node'] = jax.random.normal(ks[1], (N, 1), dtype=jnp.float32)
    inp['r_edge'] = jax.random.normal(ks[2], (E, D_EDGE), dtype=jnp.float32)
    inp['d_edge'] = jax.random.normal(ks[3], (N, 1), dtype=jnp.float32)
    inp['edge_index'] = jax.random.randint(ks[4], (2, E), 0, N, dtype=jnp.int32)
    inp['r2d_dst'] = jax.random.randint(ks[5], (N,), 0, N, dtype=jnp.int32)
    inp['d_segment_ids'] = jnp.sort(jax.random.randint(ks[6], (N,), 0, B, dtype=jnp.int32))
    # learned parameters
    inp['W_rnode'] = jax.random.normal(ks[7], (D_NODE, H), dtype=jnp.float32) / np.sqrt(D_NODE)
    inp['W_inode'] = jax.random.normal(ks[8], (1, H), dtype=jnp.float32)
    inp['W_redge'] = jax.random.normal(ks[9], (D_EDGE, H), dtype=jnp.float32) / np.sqrt(D_EDGE)
    inp['W_msg'] = jax.random.normal(ks[10], (L, H, H), dtype=jnp.float32) / np.sqrt(H)
    inp['W_self'] = jax.random.normal(ks[11], (L, H, H), dtype=jnp.float32) / np.sqrt(H)
    inp['W_out'] = jax.random.normal(ks[12], (H, 1), dtype=jnp.float32) / np.sqrt(H)
    inp['ln_gamma'] = jnp.ones((1,), dtype=jnp.float32)
    inp['ln_beta'] = jnp.zeros((1,), dtype=jnp.float32)
    inp['lin_w'] = jax.random.normal(ks[13], (1, 1), dtype=jnp.float32)
    inp['lin_b'] = jnp.zeros((1,), dtype=jnp.float32)
    return inp


def reference(r_node, i_node, r_edge, d_edge, edge_index, r2d_dst, d_segment_ids,
              W_rnode, W_inode, W_redge, W_msg, W_self, W_out,
              ln_gamma, ln_beta, lin_w, lin_b):
    leaky = lambda x: jax.nn.leaky_relu(x, 0.01)
    # input embeddings (Linear, no bias)
    r_h = r_node.astype(jnp.float32) @ W_rnode
    i_h = i_node.astype(jnp.float32) @ W_inode
    e_h = r_edge.astype(jnp.float32) @ W_redge
    src = edge_index[0]
    dst = edge_index[1]
    # GCconvolution: L rounds of edge message passing with residual (alpha=0.1)
    h = r_h + i_h
    for l in range(L):
        m = leaky((h[src] + e_h) @ W_msg[l])
        agg = jax.ops.segment_sum(m, dst, num_segments=N)
        h = h + 0.1 * leaky(agg @ W_self[l])
    # project to per-dot-node score via d_edge-weighted scatter (r2d mapping)
    score = jax.ops.segment_sum((h * d_edge) @ W_out, r2d_dst, num_segments=N)
    # SumPooling over dot-node subgraph (per batched graph)
    pooled = jax.ops.segment_sum(score, d_segment_ids, num_segments=B)
    # LayerNorm(1)
    mu = jnp.mean(pooled, axis=-1, keepdims=True)
    var = jnp.var(pooled, axis=-1, keepdims=True)
    normed = (pooled - mu) / jnp.sqrt(var + 1e-5) * ln_gamma + ln_beta
    # func_f (Tanh) then final Linear(1,1)
    out = jnp.tanh(normed) @ lin_w + lin_b
    return out

if __name__ == "__main__":
    import jax
    _d = setup_inputs()
    print(jax.jit(kernel)(*tuple(_d.values())))

</pallas_src>

<mosaic_0001>
#map = affine_map<(d0, d1) -> (0, 0)>
#map1 = affine_map<(d0, d1) -> (0)>
#map2 = affine_map<(d0, d1) -> (0, 0, 0)>
module attributes {stable_mosaic.version = 14 : i64} {
  func.func @_edge_body(%arg0: i32, %arg1: i32, %arg2: memref<10240x64xf32, #tpu.memory_space<hbm>>, %arg3: memref<327680x64xf32, #tpu.memory_space<hbm>>, %arg4: memref<327680xi32, #tpu.memory_space<hbm>>, %arg5: memref<327680xi32, #tpu.memory_space<hbm>>, %arg6: memref<2x10240x64xf32, #tpu.memory_space<hbm>>, %arg7: memref<1x128xi32, #tpu.memory_space<vmem>>, %arg8: memref<1x128xi32, #tpu.memory_space<vmem>>, %arg9: memref<1x128x64xf32, #tpu.memory_space<vmem>>, %arg10: memref<1x128x64xf32, #tpu.memory_space<vmem>>, %arg11: memref<128x64xf32, #tpu.memory_space<vmem>>, %arg12: memref<10240x64xf32, #tpu.memory_space<vmem_shared>>, %arg13: memref<!tpu.dma_semaphore, #tpu.memory_space<semaphore_mem>>) attributes {dimension_semantics = [#tpu.dimension_semantics<core_parallel>, #tpu.dimension_semantics<subcore_parallel>], iteration_bounds = array<i64: 2, 16>, scalar_prefetch = 0 : i64, scratch_operands = 7 : i64, tpu.core_type = #tpu.core_type<sc_vector_subcore>, window_params = [{transform_indices = #map}, {transform_indices = #map}, {transform_indices = #map1}, {transform_indices = #map1}, {transform_indices = #map2}]} {
    %mul3A = arith.constant 2 : i32
    %mul3A_0 = arith.muli %arg1, %mul3A : i32
    %add3A = arith.addi %mul3A_0, %arg0 : i32
    %scan3A = arith.constant 0 : i32
    %scan3A_1 = arith.constant 128 : i32
    %scan3A_2 = arith.addi %scan3A, %scan3A_1 : i32
    %scan3A_3 = arith.constant 1 : i32
    scf.for %scan3A_22 = %scan3A to %scan3A_2 step %scan3A_3  : i32 {
      %broadcast_in_dim3A = arith.constant 0.000000e+00 : f32
      %broadcast_in_dim3A_23 = vector.broadcast %broadcast_in_dim3A : f32 to vector<16xf32>
      %swap3A = arith.index_cast %scan3A_22 : i32 to index
      %swap3A_24 = arith.constant 0 : index
      %swap3A_25 = tpu.vector_load %arg11[%swap3A, %swap3A_24] {strides = array<i32>} : memref<128x64xf32, #tpu.memory_space<vmem>>, vector<1x16xf32>,
      %swap3A_26 = vector.shape_cast %swap3A_25 : vector<1x16xf32> to vector<16xf32>
      %swap3A_27 = vector.shape_cast %broadcast_in_dim3A_23 : vector<16xf32> to vector<1x16xf32>
      tpu.vector_store %arg11[%swap3A, %swap3A_24], %swap3A_27 {strides = array<i32>} : memref<128x64xf32, #tpu.memory_space<vmem>>, vector<1x16xf32>,
      %broadcast_in_dim3A_28 = arith.constant 0.000000e+00 : f32
      %broadcast_in_dim3A_29 = vector.broadcast %broadcast_in_dim3A_28 : f32 to vector<16xf32>
      %swap3A_30 = arith.index_cast %scan3A_22 : i32 to index
      %swap3A_31 = arith.constant 16 : index
      %swap3A_32 = tpu.vector_load %arg11[%swap3A_30, %swap3A_31] {strides = array<i32>} : memref<128x64xf32, #tpu.memory_space<vmem>>, vector<1x16xf32>,
      %swap3A_33 = vector.shape_cast %swap3A_32 : vector<1x16xf32> to vector<16xf32>
      %swap3A_34 = vector.shape_cast %broadcast_in_dim3A_29 : vector<16xf32> to vector<1x16xf32>
      tpu.vector_store %arg11[%swap3A_30, %swap3A_31], %swap3A_34 {strides = array<i32>} : memref<128x64xf32, #tpu.memory_space<vmem>>, vector<1x16xf32>,
      %broadcast_in_dim3A_35 = arith.constant 0.000000e+00 : f32
      %broadcast_in_dim3A_36 = vector.broadcast %broadcast_in_dim3A_35 : f32 to vector<16xf32>
      %swap3A_37 = arith.index_cast %scan3A_22 : i32 to index
      %swap3A_38 = arith.constant 32 : index
      %swap3A_39 = tpu.vector_load %arg11[%swap3A_37, %swap3A_38] {strides = array<i32>} : memref<128x64xf32, #tpu.memory_space<vmem>>, vector<1x16xf32>,
      %swap3A_40 = vector.shape_cast %swap3A_39 : vector<1x16xf32> to vector<16xf32>
      %swap3A_41 = vector.shape_cast %broadcast_in_dim3A_36 : vector<16xf32> to vector<1x16xf32>
      tpu.vector_store %arg11[%swap3A_37, %swap3A_38], %swap3A_41 {strides = array<i32>} : memref<128x64xf32, #tpu.memory_space<vmem>>, vector<1x16xf32>,
      %broadcast_in_dim3A_42 = arith.constant 0.000000e+00 : f32
      %broadcast_in_dim3A_43 = vector.broadcast %broadcast_in_dim3A_42 : f32 to vector<16xf32>
      %swap3A_44 = arith.index_cast %scan3A_22 : i32 to index
      %swap3A_45 = arith.constant 48 : index
      %swap3A_46 = tpu.vector_load %arg11[%swap3A_44, %swap3A_45] {strides = array<i32>} : memref<128x64xf32, #tpu.memory_space<vmem>>, vector<1x16xf32>,
      %swap3A_47 = vector.shape_cast %swap3A_46 : vector<1x16xf32> to vector<16xf32>
      %swap3A_48 = vector.shape_cast %broadcast_in_dim3A_43 : vector<16xf32> to vector<1x16xf32>
      tpu.vector_store %arg11[%swap3A_44, %swap3A_45], %swap3A_48 {strides = array<i32>} : memref<128x64xf32, #tpu.memory_space<vmem>>, vector<1x16xf32>,
    }
    %scan3A_4 = arith.constant 128 : i32
    %scan3A_5 = arith.constant 0 : i32
    %scan3A_6 = arith.constant 5 : i32
    %scan3A_7 = arith.addi %scan3A_5, %scan3A_6 : i32
    %scan3A_8 = arith.constant 1 : i32
    scf.for %scan3A_22 = %scan3A_5 to %scan3A_7 step %scan3A_8  : i32 {
      %mul3A_23 = arith.constant 640 : i32
      %mul3A_24 = arith.muli %arg1, %mul3A_23 : i32
      %mul3A_25 = arith.constant 128 : i32
      %mul3A_26 = arith.muli %scan3A_22, %mul3A_25 : i32
      %add3A_27 = arith.addi %mul3A_24, %mul3A_26 : i32
      "tpu.region"() ({
        %run_scoped3A = tpu.sem_alloc : memref<!tpu.dma_semaphore, #tpu.memory_space<semaphore_mem>>
        %dma_start3A = arith.constant 0 : i32
        %dma_start3A_28 = tpu.memref_slice %arg12[%add3A_27, %dma_start3A] : memref<10240x64xf32, #tpu.memory_space<vmem_shared>> -> memref<128x64xf32, #tpu.memory_space<vmem_shared>>
        %dma_start3A_29 = arith.constant 0 : i32
        %dma_start3A_30 = tpu.memref_slice %arg12[%add3A_27, %dma_start3A_29] : memref<10240x64xf32, #tpu.memory_space<vmem_shared>> -> memref<128x64xf32, #tpu.memory_space<vmem_shared>>
        tpu.enqueue_dma source(%arg11 : memref<128x64xf32, #tpu.memory_space<vmem>>) target(%dma_start3A_30 : memref<128x64xf32, #tpu.memory_space<vmem_shared>>) target_semaphore(%run_scoped3A : memref<!tpu.dma_semaphore, #tpu.memory_space<semaphore_mem>>)
        %dma_wait3A = arith.constant 0 : i32
        %dma_wait3A_31 = tpu.memref_slice %arg12[%add3A_27, %dma_wait3A] : memref<10240x64xf32, #tpu.memory_space<vmem_shared>> -> memref<128x64xf32, #tpu.memory_space<vmem_shared>>
        %dma_wait3A_32 = arith.constant 0 : i32
        %dma_wait3A_33 = tpu.memref_slice %arg12[%add3A_27, %dma_wait3A_32] : memref<10240x64xf32, #tpu.memory_space<vmem_shared>> -> memref<128x64xf32, #tpu.memory_space<vmem_shared>>
        tpu.wait_dma2 semaphore(%run_scoped3A : memref<!tpu.dma_semaphore, #tpu.memory_space<semaphore_mem>>) src(%arg11 : memref<128x64xf32, #tpu.memory_space<vmem>>) dst(%dma_wait3A_33 : memref<128x64xf32, #tpu.memory_space<vmem_shared>>)
        tpu.yield
      }) : () -> ()
    }
    %scan3A_9 = arith.constant 5 : i32
    %barrier3A = arith.constant 0 : index
    tpu.barrier barrier_id(%barrier3A)
    %mul3A_10 = arith.constant 10240 : i32
    %mul3A_11 = arith.muli %add3A, %mul3A_10 : i32
    %scan3A_12 = arith.constant 0 : i32
    %scan3A_13 = arith.constant 80 : i32
    %scan3A_14 = arith.addi %scan3A_12, %scan3A_13 : i32
    %scan3A_15 = arith.constant 1 : i32
    scf.for %scan3A_22 = %scan3A_12 to %scan3A_14 step %scan3A_15  : i32 {
      %mul3A_23 = arith.constant 128 : i32
      %mul3A_24 = arith.muli %scan3A_22, %mul3A_23 : i32
      %add3A_25 = arith.addi %mul3A_11, %mul3A_24 : i32
      %run_scoped3A = arith.constant 0 : i32
      "tpu.region"() ({
        %run_scoped3A_57 = tpu.sem_alloc : memref<!tpu.dma_semaphore, #tpu.memory_space<semaphore_mem>>
        %dma_start3A_58 = arith.constant 0 : i32
        %dma_start3A_59 = tpu.memref_slice %arg7[%run_scoped3A, %dma_start3A_58] : memref<1x128xi32, #tpu.memory_space<vmem>> -> memref<1x128xi32, #tpu.memory_space<vmem>>
        %dma_start3A_60 = tpu.memref_squeeze %dma_start3A_59 : memref<1x128xi32, #tpu.memory_space<vmem>> -> memref<128xi32, #tpu.memory_space<vmem>>
        %dma_start3A_61 = tpu.memref_slice %arg4[%add3A_25] : memref<327680xi32, #tpu.memory_space<hbm>> -> memref<128xi32, #tpu.memory_space<hbm>>
        %dma_start3A_62 = arith.constant 0 : i32
        %dma_start3A_63 = tpu.memref_slice %arg7[%run_scoped3A, %dma_start3A_62] : memref<1x128xi32, #tpu.memory_space<vmem>> -> memref<1x128xi32, #tpu.memory_space<vmem>>
        %dma_start3A_64 = tpu.memref_squeeze %dma_start3A_63 : memref<1x128xi32, #tpu.memory_space<vmem>> -> memref<128xi32, #tpu.memory_space<vmem>>
        %dma_start3A_65 = tpu.memref_slice %arg4[%add3A_25] : memref<327680xi32, #tpu.memory_space<hbm>> -> memref<128xi32, #tpu.memory_space<hbm>>
        tpu.enqueue_dma source(%dma_start3A_65 : memref<128xi32, #tpu.memory_space<hbm>>) target(%dma_start3A_64 : memref<128xi32, #tpu.memory_space<vmem>>) target_semaphore(%run_scoped3A_57 : memref<!tpu.dma_semaphore, #tpu.memory_space<semaphore_mem>>)
        %dma_wait3A_66 = arith.constant 0 : i32
        %dma_wait3A_67 = tpu.memref_slice %arg7[%run_scoped3A, %dma_wait3A_66] : memref<1x128xi32, #tpu.memory_space<vmem>> -> memref<1x128xi32, #tpu.memory_space<vmem>>
        %dma_wait3A_68 = tpu.memref_squeeze %dma_wait3A_67 : memref<1x128xi32, #tpu.memory_space<vmem>> -> memref<128xi32, #tpu.memory_space<vmem>>
        %dma_wait3A_69 = tpu.memref_slice %arg4[%add3A_25] : memref<327680xi32, #tpu.memory_space<hbm>> -> memref<128xi32, #tpu.memory_space<hbm>>
        %dma_wait3A_70 = arith.constant 0 : i32
        %dma_wait3A_71 = tpu.memref_slice %arg7[%run_scoped3A, %dma_wait3A_70] : memref<1x128xi32, #tpu.memory_space<vmem>> -> memref<1x128xi32, #tpu.memory_space<vmem>>
        %dma_wait3A_72 = tpu.memref_squeeze %dma_wait3A_71 : memref<1x128xi32, #tpu.memory_space<vmem>> -> memref<128xi32, #tpu.memory_space<vmem>>
        %dma_wait3A_73 = tpu.memref_slice %arg4[%add3A_25] : memref<327680xi32, #tpu.memory_space<hbm>> -> memref<128xi32, #tpu.memory_space<hbm>>
        tpu.wait_dma2 semaphore(%run_scoped3A_57 : memref<!tpu.dma_semaphore, #tpu.memory_space<semaphore_mem>>) src(%dma_wait3A_73 : memref<128xi32, #tpu.memory_space<hbm>>) dst(%dma_wait3A_72 : memref<128xi32, #tpu.memory_space<vmem>>)
        tpu.yield
      }) : () -> ()
      %run_scoped3A_26 = arith.constant 0 : i32
      "tpu.region"() ({
        %run_scoped3A_57 = tpu.sem_alloc : memref<!tpu.dma_semaphore, #tpu.memory_space<semaphore_mem>>
        %dma_start3A_58 = arith.constant 0 : i32
        %dma_start3A_59 = tpu.memref_slice %arg8[%run_scoped3A_26, %dma_start3A_58] : memref<1x128xi32, #tpu.memory_space<vmem>> -> memref<1x128xi32, #tpu.memory_space<vmem>>
        %dma_start3A_60 = tpu.memref_squeeze %dma_start3A_59 : memref<1x128xi32, #tpu.memory_space<vmem>> -> memref<128xi32, #tpu.memory_space<vmem>>
        %dma_start3A_61 = tpu.memref_slice %arg5[%add3A_25] : memref<327680xi32, #tpu.memory_space<hbm>> -> memref<128xi32, #tpu.memory_space<hbm>>
        %dma_start3A_62 = arith.constant 0 : i32
        %dma_start3A_63 = tpu.memref_slice %arg8[%run_scoped3A_26, %dma_start3A_62] : memref<1x128xi32, #tpu.memory_space<vmem>> -> memref<1x128xi32, #tpu.memory_space<vmem>>
        %dma_start3A_64 = tpu.memref_squeeze %dma_start3A_63 : memref<1x128xi32, #tpu.memory_space<vmem>> -> memref<128xi32, #tpu.memory_space<vmem>>
        %dma_start3A_65 = tpu.memref_slice %arg5[%add3A_25] : memref<327680xi32, #tpu.memory_space<hbm>> -> memref<128xi32, #tpu.memory_space<hbm>>
        tpu.enqueue_dma source(%dma_start3A_65 : memref<128xi32, #tpu.memory_space<hbm>>) target(%dma_start3A_64 : memref<128xi32, #tpu.memory_space<vmem>>) target_semaphore(%run_scoped3A_57 : memref<!tpu.dma_semaphore, #tpu.memory_space<semaphore_mem>>)
        %dma_wait3A_66 = arith.constant 0 : i32
        %dma_wait3A_67 = tpu.memref_slice %arg8[%run_scoped3A_26, %dma_wait3A_66] : memref<1x128xi32, #tpu.memory_space<vmem>> -> memref<1x128xi32, #tpu.memory_space<vmem>>
        %dma_wait3A_68 = tpu.memref_squeeze %dma_wait3A_67 : memref<1x128xi32, #tpu.memory_space<vmem>> -> memref<128xi32, #tpu.memory_space<vmem>>
        %dma_wait3A_69 = tpu.memref_slice %arg5[%add3A_25] : memref<327680xi32, #tpu.memory_space<hbm>> -> memref<128xi32, #tpu.memory_space<hbm>>
        %dma_wait3A_70 = arith.constant 0 : i32
        %dma_wait3A_71 = tpu.memref_slice %arg8[%run_scoped3A_26, %dma_wait3A_70] : memref<1x128xi32, #tpu.memory_space<vmem>> -> memref<1x128xi32, #tpu.memory_space<vmem>>
        %dma_wait3A_72 = tpu.memref_squeeze %dma_wait3A_71 : memref<1x128xi32, #tpu.memory_space<vmem>> -> memref<128xi32, #tpu.memory_space<vmem>>
        %dma_wait3A_73 = tpu.memref_slice %arg5[%add3A_25] : memref<327680xi32, #tpu.memory_space<hbm>> -> memref<128xi32, #tpu.memory_space<hbm>>
        tpu.wait_dma2 semaphore(%run_scoped3A_57 : memref<!tpu.dma_semaphore, #tpu.memory_space<semaphore_mem>>) src(%dma_wait3A_73 : memref<128xi32, #tpu.memory_space<hbm>>) dst(%dma_wait3A_72 : memref<128xi32, #tpu.memory_space<vmem>>)
        tpu.yield
      }) : () -> ()
      %run_scoped3A_27 = arith.constant 0 : i32
      "tpu.region"() ({
        %run_scoped3A_57 = tpu.sem_alloc : memref<!tpu.dma_semaphore, #tpu.memory_space<semaphore_mem>>
        %dma_start3A_58 = arith.constant 0 : i32
        %dma_start3A_59 = arith.constant 0 : i32
        %dma_start3A_60 = tpu.memref_slice %arg10[%run_scoped3A_27, %dma_start3A_58, %dma_start3A_59] : memref<1x128x64xf32, #tpu.memory_space<vmem>> -> memref<1x128x64xf32, #tpu.memory_space<vmem>>
        %dma_start3A_61 = tpu.memref_squeeze %dma_start3A_60 : memref<1x128x64xf32, #tpu.memory_space<vmem>> -> memref<128x64xf32, #tpu.memory_space<vmem>>
        %dma_start3A_62 = arith.constant 0 : i32
        %dma_start3A_63 = tpu.memref_slice %arg3[%add3A_25, %dma_start3A_62] : memref<327680x64xf32, #tpu.memory_space<hbm>> -> memref<128x64xf32, #tpu.memory_space<hbm>>
        %dma_start3A_64 = arith.constant 0 : i32
        %dma_start3A_65 = arith.constant 0 : i32
        %dma_start3A_66 = tpu.memref_slice %arg10[%run_scoped3A_27, %dma_start3A_64, %dma_start3A_65] : memref<1x128x64xf32, #tpu.memory_space<vmem>> -> memref<1x128x64xf32, #tpu.memory_space<vmem>>
        %dma_start3A_67 = tpu.memref_squeeze %dma_start3A_66 : memref<1x128x64xf32, #tpu.memory_space<vmem>> -> memref<128x64xf32, #tpu.memory_space<vmem>>
        %dma_start3A_68 = arith.constant 0 : i32
        %dma_start3A_69 = tpu.memref_slice %arg3[%add3A_25, %dma_start3A_68] : memref<327680x64xf32, #tpu.memory_space<hbm>> -> memref<128x64xf32, #tpu.memory_space<hbm>>
        tpu.enqueue_dma source(%dma_start3A_69 : memref<128x64xf32, #tpu.memory_space<hbm>>) target(%dma_start3A_67 : memref<128x64xf32, #tpu.memory_space<vmem>>) target_semaphore(%run_scoped3A_57 : memref<!tpu.dma_semaphore, #tpu.memory_space<semaphore_mem>>)
        %dma_wait3A_70 = arith.constant 0 : i32
        %dma_wait3A_71 = arith.constant 0 : i32
        %dma_wait3A_72 = tpu.memref_slice %arg10[%run_scoped3A_27, %dma_wait3A_70, %dma_wait3A_71] : memref<1x128x64xf32, #tpu.memory_space<vmem>> -> memref<1x128x64xf32, #tpu.memory_space<vmem>>
        %dma_wait3A_73 = tpu.memref_squeeze %dma_wait3A_72 : memref<1x128x64xf32, #tpu.memory_space<vmem>> -> memref<128x64xf32, #tpu.memory_space<vmem>>
        %dma_wait3A_74 = arith.constant 0 : i32
        %dma_wait3A_75 = tpu.memref_slice %arg3[%add3A_25, %dma_wait3A_74] : memref<327680x64xf32, #tpu.memory_space<hbm>> -> memref<128x64xf32, #tpu.memory_space<hbm>>
        %dma_wait3A_76 = arith.constant 0 : i32
        %dma_wait3A_77 = arith.constant 0 : i32
        %dma_wait3A_78 = tpu.memref_slice %arg10[%run_scoped3A_27, %dma_wait3A_76, %dma_wait3A_77] : memref<1x128x64xf32, #tpu.memory_space<vmem>> -> memref<1x128x64xf32, #tpu.memory_space<vmem>>
        %dma_wait3A_79 = tpu.memref_squeeze %dma_wait3A_78 : memref<1x128x64xf32, #tpu.memory_space<vmem>> -> memref<128x64xf32, #tpu.memory_space<vmem>>
        %dma_wait3A_80 = arith.constant 0 : i32
        %dma_wait3A_81 = tpu.memref_slice %arg3[%add3A_25, %dma_wait3A_80] : memref<327680x64xf32, #tpu.memory_space<hbm>> -> memref<128x64xf32, #tpu.memory_space<hbm>>
        tpu.wait_dma2 semaphore(%run_scoped3A_57 : memref<!tpu.dma_semaphore, #tpu.memory_space<semaphore_mem>>) src(%dma_wait3A_81 : memref<128x64xf32, #tpu.memory_space<hbm>>) dst(%dma_wait3A_79 : memref<128x64xf32, #tpu.memory_space<vmem>>)
        tpu.yield
      }) : () -> ()
      %dma_start3A = arith.constant 0 : i32
      %dma_start3A_28 = arith.constant 0 : i32
      %dma_start3A_29 = arith.constant 0 : i32
      %dma_start3A_30 = arith.constant 0 : i32
      %dma_start3A_31 = tpu.memref_slice %arg9[%dma_start3A_28, %dma_start3A_29, %dma_start3A_30] : memref<1x128x64xf32, #tpu.memory_space<vmem>> -> memref<1x128x64xf32, #tpu.memory_space<vmem>>
      %dma_start3A_32 = tpu.memref_squeeze %dma_start3A_31 : memref<1x128x64xf32, #tpu.memory_space<vmem>> -> memref<128x64xf32, #tpu.memory_space<vmem>>
      %dma_start3A_33 = arith.constant 0 : i32
      %dma_start3A_34 = tpu.memref_slice %arg7[%dma_start3A, %dma_start3A_33] : memref<1x128xi32, #tpu.memory_space<vmem>> -> memref<1x128xi32, #tpu.memory_space<vmem>>
      %dma_start3A_35 = tpu.memref_squeeze %dma_start3A_34 : memref<1x128xi32, #tpu.memory_space<vmem>> -> memref<128xi32, #tpu.memory_space<vmem>>
      %dma_start3A_36 = arith.constant 0 : i32
      %dma_start3A_37 = arith.constant 0 : i32
      %dma_start3A_38 = tpu.memref_slice %arg2[%dma_start3A_36, %dma_start3A_37] : memref<10240x64xf32, #tpu.memory_space<hbm>> -> memref<10240x64xf32, #tpu.memory_space<hbm>>
      tpu.enqueue_indirect_dma source(%dma_start3A_38 : memref<10240x64xf32, #tpu.memory_space<hbm>>) target(%dma_start3A_32 : memref<128x64xf32, #tpu.memory_space<vmem>>) offsets(%dma_start3A_35 : memref<128xi32, #tpu.memory_space<vmem>>) semaphore(%arg13 : memref<!tpu.dma_semaphore, #tpu.memory_space<semaphore_mem>>)
      %dma_wait3A = arith.constant 0 : i32
      %dma_wait3A_39 = arith.constant 0 : i32
      %dma_wait3A_40 = arith.constant 0 : i32
      %dma_wait3A_41 = arith.constant 0 : i32
      %dma_wait3A_42 = tpu.memref_slice %arg9[%dma_wait3A_39, %dma_wait3A_40, %dma_wait3A_41] : memref<1x128x64xf32, #tpu.memory_space<vmem>> -> memref<1x128x64xf32, #tpu.memory_space<vmem>>
      %dma_wait3A_43 = tpu.memref_squeeze %dma_wait3A_42 : memref<1x128x64xf32, #tpu.memory_space<vmem>> -> memref<128x64xf32, #tpu.memory_space<vmem>>
      %dma_wait3A_44 = arith.constant 0 : i32
      %dma_wait3A_45 = tpu.memref_slice %arg7[%dma_wait3A, %dma_wait3A_44] : memref<1x128xi32, #tpu.memory_space<vmem>> -> memref<1x128xi32, #tpu.memory_space<vmem>>
      %dma_wait3A_46 = tpu.memref_squeeze %dma_wait3A_45 : memref<1x128xi32, #tpu.memory_space<vmem>> -> memref<128xi32, #tpu.memory_space<vmem>>
      %dma_wait3A_47 = arith.constant 0 : i32
      %dma_wait3A_48 = arith.constant 0 : i32
      %dma_wait3A_49 = tpu.memref_slice %arg2[%dma_wait3A_47, %dma_wait3A_48] : memref<10240x64xf32, #tpu.memory_space<hbm>> -> memref<10240x64xf32, #tpu.memory_space<hbm>>
      tpu.wait_indirect_dma semaphore(%arg13 : memref<!tpu.dma_semaphore, #tpu.memory_space<semaphore_mem>>) src(%dma_wait3A_49 : memref<10240x64xf32, #tpu.memory_space<hbm>>) dst(%dma_wait3A_43 : memref<128x64xf32, #tpu.memory_space<vmem>>)
      %scan3A_50 = arith.constant 0 : i32
      %scan3A_51 = arith.constant 128 : i32
      %scan3A_52 = arith.addi %scan3A_50, %scan3A_51 : i32
      %scan3A_53 = arith.constant 1 : i32
      scf.for %scan3A_57 = %scan3A_50 to %scan3A_52 step %scan3A_53  : i32 {
        %get3A = arith.constant 0 : i32
        %get3A_58 = arith.index_cast %get3A : i32 to index
        %get3A_59 = arith.index_cast %scan3A_57 : i32 to index
        %get3A_60 = arith.constant 0 : index
        %get3A_61 = tpu.vector_load %arg9[%get3A_58, %get3A_59, %get3A_60] {strides = array<i32>} : memref<1x128x64xf32, #tpu.memory_space<vmem>>, vector<1x1x16xf32>,
        %get3A_62 = vector.shape_cast %get3A_61 : vector<1x1x16xf32> to vector<16xf32>
        %get3A_63 = arith.constant 0 : i32
        %get3A_64 = arith.index_cast %get3A_63 : i32 to index
        %get3A_65 = arith.index_cast %scan3A_57 : i32 to index
        %get3A_66 = arith.constant 0 : index
        %get3A_67 = tpu.vector_load %arg10[%get3A_64, %get3A_65, %get3A_66] {strides = array<i32>} : memref<1x128x64xf32, #tpu.memory_space<vmem>>, vector<1x1x16xf32>,
        %get3A_68 = vector.shape_cast %get3A_67 : vector<1x1x16xf32> to vector<16xf32>
        %add3A_69 = arith.addf %get3A_62, %get3A_68 : vector<16xf32>
        %max3A = arith.constant 0.000000e+00 : f32
        %max3A_70 = vector.broadcast %max3A : f32 to vector<16xf32>
        %max3A_71 = arith.maximumf %add3A_69, %max3A_70 : vector<16xf32>
        %min3A = arith.constant 0.000000e+00 : f32
        %min3A_72 = vector.broadcast %min3A : f32 to vector<16xf32>
        %min3A_73 = arith.minimumf %add3A_69, %min3A_72 : vector<16xf32>
        %mul3A_74 = arith.constant 0.00999999977 : f32
        %mul3A_75 = vector.broadcast %mul3A_74 : f32 to vector<16xf32>
        %mul3A_76 = arith.mulf %mul3A_75, %min3A_73 : vector<16xf32>
        %add3A_77 = arith.addf %max3A_71, %mul3A_76 : vector<16xf32>
        %swap3A = arith.constant 0 : i32
        %swap3A_78 = arith.index_cast %swap3A : i32 to index
        %swap3A_79 = arith.index_cast %scan3A_57 : i32 to index
        %swap3A_80 = arith.constant 0 : index
        %swap3A_81 = tpu.vector_load %arg9[%swap3A_78, %swap3A_79, %swap3A_80] {strides = array<i32>} : memref<1x128x64xf32, #tpu.memory_space<vmem>>, vector<1x1x16xf32>,
        %swap3A_82 = vector.shape_cast %swap3A_81 : vector<1x1x16xf32> to vector<16xf32>
        %swap3A_83 = vector.shape_cast %add3A_77 : vector<16xf32> to vector<1x1x16xf32>
        tpu.vector_store %arg9[%swap3A_78, %swap3A_79, %swap3A_80], %swap3A_83 {strides = array<i32>} : memref<1x128x64xf32, #tpu.memory_space<vmem>>, vector<1x1x16xf32>,
        %get3A_84 = arith.constant 0 : i32
        %get3A_85 = arith.index_cast %get3A_84 : i32 to index
        %get3A_86 = arith.index_cast %scan3A_57 : i32 to index
        %get3A_87 = arith.constant 16 : index
        %get3A_88 = tpu.vector_load %arg9[%get3A_85, %get3A_86, %get3A_87] {strides = array<i32>} : memref<1x128x64xf32, #tpu.memory_space<vmem>>, vector<1x1x16xf32>,
        %get3A_89 = vector.shape_cast %get3A_88 : vector<1x1x16xf32> to vector<16xf32>
        %get3A_90 = arith.constant 0 : i32
        %get3A_91 = arith.index_cast %get3A_90 : i32 to index
        %get3A_92 = arith.index_cast %scan3A_57 : i32 to index
        %get3A_93 = arith.constant 16 : index
        %get3A_94 = tpu.vector_load %arg10[%get3A_91, %get3A_92, %get3A_93] {strides = array<i32>} : memref<1x128x64xf32, #tpu.memory_space<vmem>>, vector<1x1x16xf32>,
        %get3A_95 = vector.shape_cast %get3A_94 : vector<1x1x16xf32> to vector<16xf32>
        %add3A_96 = arith.addf %get3A_89, %get3A_95 : vector<16xf32>
        %max3A_97 = arith.constant 0.000000e+00 : f32
        %max3A_98 = vector.broadcast %max3A_97 : f32 to vector<16xf32>
        %max3A_99 = arith.maximumf %add3A_96, %max3A_98 : vector<16xf32>
        %min3A_100 = arith.constant 0.000000e+00 : f32
        %min3A_101 = vector.broadcast %min3A_100 : f32 to vector<16xf32>
        %min3A_102 = arith.minimumf %add3A_96, %min3A_101 : vector<16xf32>
        %mul3A_103 = arith.constant 0.00999999977 : f32
        %mul3A_104 = vector.broadcast %mul3A_103 : f32 to vector<16xf32>
        %mul3A_105 = arith.mulf %mul3A_104, %min3A_102 : vector<16xf32>
        %add3A_106 = arith.addf %max3A_99, %mul3A_105 : vector<16xf32>
        %swap3A_107 = arith.constant 0 : i32
        %swap3A_108 = arith.index_cast %swap3A_107 : i32 to index
        %swap3A_109 = arith.index_cast %scan3A_57 : i32 to index
        %swap3A_110 = arith.constant 16 : index
        %swap3A_111 = tpu.vector_load %arg9[%swap3A_108, %swap3A_109, %swap3A_110] {strides = array<i32>} : memref<1x128x64xf32, #tpu.memory_space<vmem>>, vector<1x1x16xf32>,
        %swap3A_112 = vector.shape_cast %swap3A_111 : vector<1x1x16xf32> to vector<16xf32>
        %swap3A_113 = vector.shape_cast %add3A_106 : vector<16xf32> to vector<1x1x16xf32>
        tpu.vector_store %arg9[%swap3A_108, %swap3A_109, %swap3A_110], %swap3A_113 {strides = array<i32>} : memref<1x128x64xf32, #tpu.memory_space<vmem>>, vector<1x1x16xf32>,
        %get3A_114 = arith.constant 0 : i32
        %get3A_115 = arith.index_cast %get3A_114 : i32 to index
        %get3A_116 = arith.index_cast %scan3A_57 : i32 to index
        %get3A_117 = arith.constant 32 : index
        %get3A_118 = tpu.vector_load %arg9[%get3A_115, %get3A_116, %get3A_117] {strides = array<i32>} : memref<1x128x64xf32, #tpu.memory_space<vmem>>, vector<1x1x16xf32>,
        %get3A_119 = vector.shape_cast %get3A_118 : vector<1x1x16xf32> to vector<16xf32>
        %get3A_120 = arith.constant 0 : i32
        %get3A_121 = arith.index_cast %get3A_120 : i32 to index
        %get3A_122 = arith.index_cast %scan3A_57 : i32 to index
        %get3A_123 = arith.constant 32 : index
        %get3A_124 = tpu.vector_load %arg10[%get3A_121, %get3A_122, %get3A_123] {strides = array<i32>} : memref<1x128x64xf32, #tpu.memory_space<vmem>>, vector<1x1x16xf32>,
        %get3A_125 = vector.shape_cast %get3A_124 : vector<1x1x16xf32> to vector<16xf32>
        %add3A_126 = arith.addf %get3A_119, %get3A_125 : vector<16xf32>
        %max3A_127 = arith.constant 0.000000e+00 : f32
        %max3A_128 = vector.broadcast %max3A_127 : f32 to vector<16xf32>
        %max3A_129 = arith.maximumf %add3A_126, %max3A_128 : vector<16xf32>
        %min3A_130 = arith.constant 0.000000e+00 : f32
        %min3A_131 = vector.broadcast %min3A_130 : f32 to vector<16xf32>
        %min3A_132 = arith.minimumf %add3A_126, %min3A_131 : vector<16xf32>
        %mul3A_133 = arith.constant 0.00999999977 : f32
        %mul3A_134 = vector.broadcast %mul3A_133 : f32 to vector<16xf32>
        %mul3A_135 = arith.mulf %mul3A_134, %min3A_132 : vector<16xf32>
        %add3A_136 = arith.addf %max3A_129, %mul3A_135 : vector<16xf32>
        %swap3A_137 = arith.constant 0 : i32
        %swap3A_138 = arith.index_cast %swap3A_137 : i32 to index
        %swap3A_139 = arith.index_cast %scan3A_57 : i32 to index
        %swap3A_140 = arith.constant 32 : index
        %swap3A_141 = tpu.vector_load %arg9[%swap3A_138, %swap3A_139, %swap3A_140] {strides = array<i32>} : memref<1x128x64xf32, #tpu.memory_space<vmem>>, vector<1x1x16xf32>,
        %swap3A_142 = vector.shape_cast %swap3A_141 : vector<1x1x16xf32> to vector<16xf32>
        %swap3A_143 = vector.shape_cast %add3A_136 : vector<16xf32> to vector<1x1x16xf32>
        tpu.vector_store %arg9[%swap3A_138, %swap3A_139, %swap3A_140], %swap3A_143 {strides = array<i32>} : memref<1x128x64xf32, #tpu.memory_space<vmem>>, vector<1x1x16xf32>,
        %get3A_144 = arith.constant 0 : i32
        %get3A_145 = arith.index_cast %get3A_144 : i32 to index
        %get3A_146 = arith.index_cast %scan3A_57 : i32 to index
        %get3A_147 = arith.constant 48 : index
        %get3A_148 = tpu.vector_load %arg9[%get3A_145, %get3A_146, %get3A_147] {strides = array<i32>} : memref<1x128x64xf32, #tpu.memory_space<vmem>>, vector<1x1x16xf32>,
        %get3A_149 = vector.shape_cast %get3A_148 : vector<1x1x16xf32> to vector<16xf32>
        %get3A_150 = arith.constant 0 : i32
        %get3A_151 = arith.index_cast %get3A_150 : i32 to index
        %get3A_152 = arith.index_cast %scan3A_57 : i32 to index
        %get3A_153 = arith.constant 48 : index
        %get3A_154 = tpu.vector_load %arg10[%get3A_151, %get3A_152, %get3A_153] {strides = array<i32>} : memref<1x128x64xf32, #tpu.memory_space<vmem>>, vector<1x1x16xf32>,
        %get3A_155 = vector.shape_cast %get3A_154 : vector<1x1x16xf32> to vector<16xf32>
        %add3A_156 = arith.addf %get3A_149, %get3A_155 : vector<16xf32>
        %max3A_157 = arith.constant 0.000000e+00 : f32
        %max3A_158 = vector.broadcast %max3A_157 : f32 to vector<16xf32>
        %max3A_159 = arith.maximumf %add3A_156, %max3A_158 : vector<16xf32>
        %min3A_160 = arith.constant 0.000000e+00 : f32
        %min3A_161 = vector.broadcast %min3A_160 : f32 to vector<16xf32>
        %min3A_162 = arith.minimumf %add3A_156, %min3A_161 : vector<16xf32>
        %mul3A_163 = arith.constant 0.00999999977 : f32
        %mul3A_164 = vector.broadcast %mul3A_163 : f32 to vector<16xf32>
        %mul3A_165 = arith.mulf %mul3A_164, %min3A_162 : vector<16xf32>
        %add3A_166 = arith.addf %max3A_159, %mul3A_165 : vector<16xf32>
        %swap3A_167 = arith.constant 0 : i32
        %swap3A_168 = arith.index_cast %swap3A_167 : i32 to index
        %swap3A_169 = arith.index_cast %scan3A_57 : i32 to index
        %swap3A_170 = arith.constant 48 : index
        %swap3A_171 = tpu.vector_load %arg9[%swap3A_168, %swap3A_169, %swap3A_170] {strides = array<i32>} : memref<1x128x64xf32, #tpu.memory_space<vmem>>, vector<1x1x16xf32>,
        %swap3A_172 = vector.shape_cast %swap3A_171 : vector<1x1x16xf32> to vector<16xf32>
        %swap3A_173 = vector.shape_cast %add3A_166 : vector<16xf32> to vector<1x1x16xf32>
        tpu.vector_store %arg9[%swap3A_168, %swap3A_169, %swap3A_170], %swap3A_173 {strides = array<i32>} : memref<1x128x64xf32, #tpu.memory_space<vmem>>, vector<1x1x16xf32>,
      }
      %scan3A_54 = arith.constant 128 : i32
      %run_scoped3A_55 = arith.constant 0 : i32
      %run_scoped3A_56 = arith.constant 0 : i32
      "tpu.region"() ({
        %run_scoped3A_57 = tpu.sem_alloc : memref<!tpu.dma_semaphore, #tpu.memory_space<semaphore_mem>>
        %dma_start3A_58 = arith.constant 0 : i32
        %dma_start3A_59 = arith.constant 0 : i32
        %dma_start3A_60 = tpu.memref_slice %arg9[%run_scoped3A_55, %dma_start3A_58, %dma_start3A_59] : memref<1x128x64xf32, #tpu.memory_space<vmem>> -> memref<1x128x64xf32, #tpu.memory_space<vmem>>
        %dma_start3A_61 = tpu.memref_squeeze %dma_start3A_60 : memref<1x128x64xf32, #tpu.memory_space<vmem>> -> memref<128x64xf32, #tpu.memory_space<vmem>>
        %dma_start3A_62 = arith.constant 0 : i32
        %dma_start3A_63 = tpu.memref_slice %arg8[%run_scoped3A_56, %dma_start3A_62] : memref<1x128xi32, #tpu.memory_space<vmem>> -> memref<1x128xi32, #tpu.memory_space<vmem>>
        %dma_start3A_64 = tpu.memref_squeeze %dma_start3A_63 : memref<1x128xi32, #tpu.memory_space<vmem>> -> memref<128xi32, #tpu.memory_space<vmem>>
        %dma_start3A_65 = arith.constant 0 : i32
        %dma_start3A_66 = arith.constant 0 : i32
        %dma_start3A_67 = tpu.memref_slice %arg12[%dma_start3A_65, %dma_start3A_66] : memref<10240x64xf32, #tpu.memory_space<vmem_shared>> -> memref<10240x64xf32, #tpu.memory_space<vmem_shared>>
        tpu.enqueue_indirect_dma source(%dma_start3A_61 : memref<128x64xf32, #tpu.memory_space<vmem>>) target(%dma_start3A_67 : memref<10240x64xf32, #tpu.memory_space<vmem_shared>>) offsets(%dma_start3A_64 : memref<128xi32, #tpu.memory_space<vmem>>) semaphore(%run_scoped3A_57 : memref<!tpu.dma_semaphore, #tpu.memory_space<semaphore_mem>>) {add = true}
        %dma_wait3A_68 = arith.constant 0 : i32
        %dma_wait3A_69 = arith.constant 0 : i32
        %dma_wait3A_70 = tpu.memref_slice %arg9[%run_scoped3A_55, %dma_wait3A_68, %dma_wait3A_69] : memref<1x128x64xf32, #tpu.memory_space<vmem>> -> memref<1x128x64xf32, #tpu.memory_space<vmem>>
        %dma_wait3A_71 = tpu.memref_squeeze %dma_wait3A_70 : memref<1x128x64xf32, #tpu.memory_space<vmem>> -> memref<128x64xf32, #tpu.memory_space<vmem>>
        %dma_wait3A_72 = arith.constant 0 : i32
        %dma_wait3A_73 = tpu.memref_slice %arg8[%run_scoped3A_56, %dma_wait3A_72] : memref<1x128xi32, #tpu.memory_space<vmem>> -> memref<1x128xi32, #tpu.memory_space<vmem>>
        %dma_wait3A_74 = tpu.memref_squeeze %dma_wait3A_73 : memref<1x128xi32, #tpu.memory_space<vmem>> -> memref<128xi32, #tpu.memory_space<vmem>>
        %dma_wait3A_75 = arith.constant 0 : i32
        %dma_wait3A_76 = arith.constant 0 : i32
        %dma_wait3A_77 = tpu.memref_slice %arg12[%dma_wait3A_75, %dma_wait3A_76] : memref<10240x64xf32, #tpu.memory_space<vmem_shared>> -> memref<10240x64xf32, #tpu.memory_space<vmem_shared>>
        tpu.wait_indirect_dma semaphore(%run_scoped3A_57 : memref<!tpu.dma_semaphore, #tpu.memory_space<semaphore_mem>>) src(%dma_wait3A_71 : memref<128x64xf32, #tpu.memory_space<vmem>>) dst(%dma_wait3A_77 : memref<10240x64xf32, #tpu.memory_space<vmem_shared>>)
        tpu.yield
      }) : () -> ()
    }
    %scan3A_16 = arith.constant 80 : i32
    %barrier3A_17 = arith.constant 0 : index
    tpu.barrier barrier_id(%barrier3A_17)
    %mul3A_18 = arith.constant 640 : i32
    %mul3A_19 = arith.muli %arg1, %mul3A_18 : i32
    %mul3A_20 = arith.constant 640 : i32
    %mul3A_21 = arith.muli %arg1, %mul3A_20 : i32
    "tpu.region"() ({
      %run_scoped3A = tpu.sem_alloc : memref<!tpu.dma_semaphore, #tpu.memory_space<semaphore_mem>>
      %dma_start3A = arith.constant 0 : i32
      %dma_start3A_22 = tpu.memref_slice %arg6[%arg0, %mul3A_21, %dma_start3A] : memref<2x10240x64xf32, #tpu.memory_space<hbm>> -> memref<1x640x64xf32, #tpu.memory_space<hbm>>
      %dma_start3A_23 = tpu.memref_squeeze %dma_start3A_22 : memref<1x640x64xf32, #tpu.memory_space<hbm>> -> memref<640x64xf32, #tpu.memory_space<hbm>>
      %dma_start3A_24 = arith.constant 0 : i32
      %dma_start3A_25 = tpu.memref_slice %arg12[%mul3A_19, %dma_start3A_24] : memref<10240x64xf32, #tpu.memory_space<vmem_shared>> -> memref<640x64xf32, #tpu.memory_space<vmem_shared>>
      tpu.enqueue_dma source(%dma_start3A_25 : memref<640x64xf32, #tpu.memory_space<vmem_shared>>) target(%dma_start3A_23 : memref<640x64xf32, #tpu.memory_space<hbm>>) target_semaphore(%run_scoped3A : memref<!tpu.dma_semaphore, #tpu.memory_space<semaphore_mem>>)
      %dma_wait3A = arith.constant 0 : i32
      %dma_wait3A_26 = tpu.memref_slice %arg6[%arg0, %mul3A_21, %dma_wait3A] : memref<2x10240x64xf32, #tpu.memory_space<hbm>> -> memref<1x640x64xf32, #tpu.memory_space<hbm>>
      %dma_wait3A_27 = tpu.memref_squeeze %dma_wait3A_26 : memref<1x640x64xf32, #tpu.memory_space<hbm>> -> memref<640x64xf32, #tpu.memory_space<hbm>>
      %dma_wait3A_28 = arith.constant 0 : i32
      %dma_wait3A_29 = tpu.memref_slice %arg12[%mul3A_19, %dma_wait3A_28] : memref<10240x64xf32, #tpu.memory_space<vmem_shared>> -> memref<640x64xf32, #tpu.memory_space<vmem_shared>>
      tpu.wait_dma2 semaphore(%run_scoped3A : memref<!tpu.dma_semaphore, #tpu.memory_space<semaphore_mem>>) src(%dma_wait3A_29 : memref<640x64xf32, #tpu.memory_space<vmem_shared>>) dst(%dma_wait3A_27 : memref<640x64xf32, #tpu.memory_space<hbm>>)
      tpu.yield
    }) : () -> ()
    return
  }
}

#map = affine_map<(d0, d1) -> (0, 0)>
#map1 = affine_map<(d0, d1) -> (0)>
#map2 = affine_map<(d0, d1) -> (0, 0, 0)>
module attributes {stable_mosaic.version = 14 : i64} {
  func.func @_edge_body(%arg0: i32, %arg1: i32, %arg2: memref<10240x64xf32, #tpu.memory_space<hbm>>, %arg3: memref<327680x64xf32, #tpu.memory_space<hbm>>, %arg4: memref<327680xi32, #tpu.memory_space<hbm>>, %arg5: memref<327680xi32, #tpu.memory_space<hbm>>, %arg6: memref<2x10240x64xf32, #tpu.memory_space<hbm>>, %arg7: memref<1x128xi32, #tpu.memory_space<vmem>>, %arg8: memref<1x128xi32, #tpu.memory_space<vmem>>, %arg9: memref<1x128x64xf32, #tpu.memory_space<vmem>>, %arg10: memref<1x128x64xf32, #tpu.memory_space<vmem>>, %arg11: memref<128x64xf32, #tpu.memory_space<vmem>>, %arg12: memref<10240x64xf32, #tpu.memory_space<vmem_shared>>, %arg13: memref<!tpu.dma_semaphore, #tpu.memory_space<semaphore_mem>>) attributes {dimension_semantics = [#tpu.dimension_semantics<core_parallel>, #tpu.dimension_semantics<subcore_parallel>], iteration_bounds = array<i64: 2, 16>, scalar_prefetch = 0 : i64, scratch_operands = 7 : i64, tpu.core_type = #tpu.core_type<sc_vector_subcore>, window_params = [{transform_indices = #map}, {transform_indices = #map}, {transform_indices = #map1}, {transform_indices = #map1}, {transform_indices = #map2}]} {
    %mul3A = arith.constant 2 : i32
    %mul3A_0 = arith.muli %arg1, %mul3A : i32
    %add3A = arith.addi %mul3A_0, %arg0 : i32
    %scan3A = arith.constant 0 : i32
    %scan3A_1 = arith.constant 128 : i32
    %scan3A_2 = arith.addi %scan3A, %scan3A_1 : i32
    %scan3A_3 = arith.constant 1 : i32
    scf.for %scan3A_22 = %scan3A to %scan3A_2 step %scan3A_3  : i32 {
      %broadcast_in_dim3A = arith.constant 0.000000e+00 : f32
      %broadcast_in_dim3A_23 = vector.broadcast %broadcast_in_dim3A : f32 to vector<16xf32>
      %swap3A = arith.index_cast %scan3A_22 : i32 to index
      %swap3A_24 = arith.constant 0 : index
      %swap3A_25 = tpu.vector_load %arg11[%swap3A, %swap3A_24] {strides = array<i32>} : memref<128x64xf32, #tpu.memory_space<vmem>>, vector<1x16xf32>,
      %swap3A_26 = vector.shape_cast %swap3A_25 : vector<1x16xf32> to vector<16xf32>
      %swap3A_27 = vector.shape_cast %broadcast_in_dim3A_23 : vector<16xf32> to vector<1x16xf32>
      tpu.vector_store %arg11[%swap3A, %swap3A_24], %swap3A_27 {strides = array<i32>} : memref<128x64xf32, #tpu.memory_space<vmem>>, vector<1x16xf32>,
      %broadcast_in_dim3A_28 = arith.constant 0.000000e+00 : f32
      %broadcast_in_dim3A_29 = vector.broadcast %broadcast_in_dim3A_28 : f32 to vector<16xf32>
      %swap3A_30 = arith.index_cast %scan3A_22 : i32 to index
      %swap3A_31 = arith.constant 16 : index
      %swap3A_32 = tpu.vector_load %arg11[%swap3A_30, %swap3A_31] {strides = array<i32>} : memref<128x64xf32, #tpu.memory_space<vmem>>, vector<1x16xf32>,
      %swap3A_33 = vector.shape_cast %swap3A_32 : vector<1x16xf32> to vector<16xf32>
      %swap3A_34 = vector.shape_cast %broadcast_in_dim3A_29 : vector<16xf32> to vector<1x16xf32>
      tpu.vector_store %arg11[%swap3A_30, %swap3A_31], %swap3A_34 {strides = array<i32>} : memref<128x64xf32, #tpu.memory_space<vmem>>, vector<1x16xf32>,
      %broadcast_in_dim3A_35 = arith.constant 0.000000e+00 : f32
      %broadcast_in_dim3A_36 = vector.broadcast %broadcast_in_dim3A_35 : f32 to vector<16xf32>
      %swap3A_37 = arith.index_cast %scan3A_22 : i32 to index
      %swap3A_38 = arith.constant 32 : index
      %swap3A_39 = tpu.vector_load %arg11[%swap3A_37, %swap3A_38] {strides = array<i32>} : memref<128x64xf32, #tpu.memory_space<vmem>>, vector<1x16xf32>,
      %swap3A_40 = vector.shape_cast %swap3A_39 : vector<1x16xf32> to vector<16xf32>
      %swap3A_41 = vector.shape_cast %broadcast_in_dim3A_36 : vector<16xf32> to vector<1x16xf32>
      tpu.vector_store %arg11[%swap3A_37, %swap3A_38], %swap3A_41 {strides = array<i32>} : memref<128x64xf32, #tpu.memory_space<vmem>>, vector<1x16xf32>,
      %broadcast_in_dim3A_42 = arith.constant 0.000000e+00 : f32
      %broadcast_in_dim3A_43 = vector.broadcast %broadcast_in_dim3A_42 : f32 to vector<16xf32>
      %swap3A_44 = arith.index_cast %scan3A_22 : i32 to index
      %swap3A_45 = arith.constant 48 : index
      %swap3A_46 = tpu.vector_load %arg11[%swap3A_44, %swap3A_45] {strides = array<i32>} : memref<128x64xf32, #tpu.memory_space<vmem>>, vector<1x16xf32>,
      %swap3A_47 = vector.shape_cast %swap3A_46 : vector<1x16xf32> to vector<16xf32>
      %swap3A_48 = vector.shape_cast %broadcast_in_dim3A_43 : vector<16xf32> to vector<1x16xf32>
      tpu.vector_store %arg11[%swap3A_44, %swap3A_45], %swap3A_48 {strides = array<i32>} : memref<128x64xf32, #tpu.memory_space<vmem>>, vector<1x16xf32>,
    }
    %scan3A_4 = arith.constant 128 : i32
    %scan3A_5 = arith.constant 0 : i32
    %scan3A_6 = arith.constant 5 : i32
    %scan3A_7 = arith.addi %scan3A_5, %scan3A_6 : i32
    %scan3A_8 = arith.constant 1 : i32
    scf.for %scan3A_22 = %scan3A_5 to %scan3A_7 step %scan3A_8  : i32 {
      %mul3A_23 = arith.constant 640 : i32
      %mul3A_24 = arith.muli %arg1, %mul3A_23 : i32
      %mul3A_25 = arith.constant 128 : i32
      %mul3A_26 = arith.muli %scan3A_22, %mul3A_25 : i32
      %add3A_27 = arith.addi %mul3A_24, %mul3A_26 : i32
      "tpu.region"() ({
        %run_scoped3A = tpu.sem_alloc : memref<!tpu.dma_semaphore, #tpu.memory_space<semaphore_mem>>
        %dma_start3A = arith.constant 0 : i32
        %dma_start3A_28 = tpu.memref_slice %arg12[%add3A_27, %dma_start3A] : memref<10240x64xf32, #tpu.memory_space<vmem_shared>> -> memref<128x64xf32, #tpu.memory_space<vmem_shared>>
        %dma_start3A_29 = arith.constant 0 : i32
        %dma_start3A_30 = tpu.memref_slice %arg12[%add3A_27, %dma_start3A_29] : memref<10240x64xf32, #tpu.memory_space<vmem_shared>> -> memref<128x64xf32, #tpu.memory_space<vmem_shared>>
        tpu.enqueue_dma source(%arg11 : memref<128x64xf32, #tpu.memory_space<vmem>>) target(%dma_start3A_30 : memref<128x64xf32, #tpu.memory_space<vmem_shared>>) target_semaphore(%run_scoped3A : memref<!tpu.dma_semaphore, #tpu.memory_space<semaphore_mem>>)
        %dma_wait3A = arith.constant 0 : i32
        %dma_wait3A_31 = tpu.memref_slice %arg12[%add3A_27, %dma_wait3A] : memref<10240x64xf32, #tpu.memory_space<vmem_shared>> -> memref<128x64xf32, #tpu.memory_space<vmem_shared>>
        %dma_wait3A_32 = arith.constant 0 : i32
        %dma_wait3A_33 = tpu.memref_slice %arg12[%add3A_27, %dma_wait3A_32] : memref<10240x64xf32, #tpu.memory_space<vmem_shared>> -> memref<128x64xf32, #tpu.memory_space<vmem_shared>>
        tpu.wait_dma2 semaphore(%run_scoped3A : memref<!tpu.dma_semaphore, #tpu.memory_space<semaphore_mem>>) src(%arg11 : memref<128x64xf32, #tpu.memory_space<vmem>>) dst(%dma_wait3A_33 : memref<128x64xf32, #tpu.memory_space<vmem_shared>>)
        tpu.yield
      }) : () -> ()
    }
    %scan3A_9 = arith.constant 5 : i32
    %barrier3A = arith.constant 0 : index
    tpu.barrier barrier_id(%barrier3A)
    %mul3A_10 = arith.constant 10240 : i32
    %mul3A_11 = arith.muli %add3A, %mul3A_10 : i32
    %scan3A_12 = arith.constant 0 : i32
    %scan3A_13 = arith.constant 80 : i32
    %scan3A_14 = arith.addi %scan3A_12, %scan3A_13 : i32
    %scan3A_15 = arith.constant 1 : i32
    scf.for %scan3A_22 = %scan3A_12 to %scan3A_14 step %scan3A_15  : i32 {
      %mul3A_23 = arith.constant 128 : i32
      %mul3A_24 = arith.muli %scan3A_22, %mul3A_23 : i32
      %add3A_25 = arith.addi %mul3A_11, %mul3A_24 : i32
      %run_scoped3A = arith.constant 0 : i32
      "tpu.region"() ({
        %run_scoped3A_57 = tpu.sem_alloc : memref<!tpu.dma_semaphore, #tpu.memory_space<semaphore_mem>>
        %dma_start3A_58 = arith.constant 0 : i32
        %dma_start3A_59 = tpu.memref_slice %arg7[%run_scoped3A, %dma_start3A_58] : memref<1x128xi32, #tpu.memory_space<vmem>> -> memref<1x128xi32, #tpu.memory_space<vmem>>
        %dma_start3A_60 = tpu.memref_squeeze %dma_start3A_59 : memref<1x128xi32, #tpu.memory_space<vmem>> -> memref<128xi32, #tpu.memory_space<vmem>>
        %dma_start3A_61 = tpu.memref_slice %arg4[%add3A_25] : memref<327680xi32, #tpu.memory_space<hbm>> -> memref<128xi32, #tpu.memory_space<hbm>>
        %dma_start3A_62 = arith.constant 0 : i32
        %dma_start3A_63 = tpu.memref_slice %arg7[%run_scoped3A, %dma_start3A_62] : memref<1x128xi32, #tpu.memory_space<vmem>> -> memref<1x128xi32, #tpu.memory_space<vmem>>
        %dma_start3A_64 = tpu.memref_squeeze %dma_start3A_63 : memref<1x128xi32, #tpu.memory_space<vmem>> -> memref<128xi32, #tpu.memory_space<vmem>>
        %dma_start3A_65 = tpu.memref_slice %arg4[%add3A_25] : memref<327680xi32, #tpu.memory_space<hbm>> -> memref<128xi32, #tpu.memory_space<hbm>>
        tpu.enqueue_dma source(%dma_start3A_65 : memref<128xi32, #tpu.memory_space<hbm>>) target(%dma_start3A_64 : memref<128xi32, #tpu.memory_space<vmem>>) target_semaphore(%run_scoped3A_57 : memref<!tpu.dma_semaphore, #tpu.memory_space<semaphore_mem>>)
        %dma_wait3A_66 = arith.constant 0 : i32
        %dma_wait3A_67 = tpu.memref_slice %arg7[%run_scoped3A, %dma_wait3A_66] : memref<1x128xi32, #tpu.memory_space<vmem>> -> memref<1x128xi32, #tpu.memory_space<vmem>>
        %dma_wait3A_68 = tpu.memref_squeeze %dma_wait3A_67 : memref<1x128xi32, #tpu.memory_space<vmem>> -> memref<128xi32, #tpu.memory_space<vmem>>
        %dma_wait3A_69 = tpu.memref_slice %arg4[%add3A_25] : memref<327680xi32, #tpu.memory_space<hbm>> -> memref<128xi32, #tpu.memory_space<hbm>>
        %dma_wait3A_70 = arith.constant 0 : i32
        %dma_wait3A_71 = tpu.memref_slice %arg7[%run_scoped3A, %dma_wait3A_70] : memref<1x128xi32, #tpu.memory_space<vmem>> -> memref<1x128xi32, #tpu.memory_space<vmem>>
        %dma_wait3A_72 = tpu.memref_squeeze %dma_wait3A_71 : memref<1x128xi32, #tpu.memory_space<vmem>> -> memref<128xi32, #tpu.memory_space<vmem>>
        %dma_wait3A_73 = tpu.memref_slice %arg4[%add3A_25] : memref<327680xi32, #tpu.memory_space<hbm>> -> memref<128xi32, #tpu.memory_space<hbm>>
        tpu.wait_dma2 semaphore(%run_scoped3A_57 : memref<!tpu.dma_semaphore, #tpu.memory_space<semaphore_mem>>) src(%dma_wait3A_73 : memref<128xi32, #tpu.memory_space<hbm>>) dst(%dma_wait3A_72 : memref<128xi32, #tpu.memory_space<vmem>>)
        tpu.yield
      }) : () -> ()
      %run_scoped3A_26 = arith.constant 0 : i32
      "tpu.region"() ({
        %run_scoped3A_57 = tpu.sem_alloc : memref<!tpu.dma_semaphore, #tpu.memory_space<semaphore_mem>>
        %dma_start3A_58 = arith.constant 0 : i32
        %dma_start3A_59 = tpu.memref_slice %arg8[%run_scoped3A_26, %dma_start3A_58] : memref<1x128xi32, #tpu.memory_space<vmem>> -> memref<1x128xi32, #tpu.memory_space<vmem>>
        %dma_start3A_60 = tpu.memref_squeeze %dma_start3A_59 : memref<1x128xi32, #tpu.memory_space<vmem>> -> memref<128xi32, #tpu.memory_space<vmem>>
        %dma_start3A_61 = tpu.memref_slice %arg5[%add3A_25] : memref<327680xi32, #tpu.memory_space<hbm>> -> memref<128xi32, #tpu.memory_space<hbm>>
        %dma_start3A_62 = arith.constant 0 : i32
        %dma_start3A_63 = tpu.memref_slice %arg8[%run_scoped3A_26, %dma_start3A_62] : memref<1x128xi32, #tpu.memory_space<vmem>> -> memref<1x128xi32, #tpu.memory_space<vmem>>
        %dma_start3A_64 = tpu.memref_squeeze %dma_start3A_63 : memref<1x128xi32, #tpu.memory_space<vmem>> -> memref<128xi32, #tpu.memory_space<vmem>>
        %dma_start3A_65 = tpu.memref_slice %arg5[%add3A_25] : memref<327680xi32, #tpu.memory_space<hbm>> -> memref<128xi32, #tpu.memory_space<hbm>>
        tpu.enqueue_dma source(%dma_start3A_65 : memref<128xi32, #tpu.memory_space<hbm>>) target(%dma_start3A_64 : memref<128xi32, #tpu.memory_space<vmem>>) target_semaphore(%run_scoped3A_57 : memref<!tpu.dma_semaphore, #tpu.memory_space<semaphore_mem>>)
        %dma_wait3A_66 = arith.constant 0 : i32
        %dma_wait3A_67 = tpu.memref_slice %arg8[%run_scoped3A_26, %dma_wait3A_66] : memref<1x128xi32, #tpu.memory_space<vmem>> -> memref<1x128xi32, #tpu.memory_space<vmem>>
        %dma_wait3A_68 = tpu.memref_squeeze %dma_wait3A_67 : memref<1x128xi32, #tpu.memory_space<vmem>> -> memref<128xi32, #tpu.memory_space<vmem>>
        %dma_wait3A_69 = tpu.memref_slice %arg5[%add3A_25] : memref<327680xi32, #tpu.memory_space<hbm>> -> memref<128xi32, #tpu.memory_space<hbm>>
        %dma_wait3A_70 = arith.constant 0 : i32
        %dma_wait3A_71 = tpu.memref_slice %arg8[%run_scoped3A_26, %dma_wait3A_70] : memref<1x128xi32, #tpu.memory_space<vmem>> -> memref<1x128xi32, #tpu.memory_space<vmem>>
        %dma_wait3A_72 = tpu.memref_squeeze %dma_wait3A_71 : memref<1x128xi32, #tpu.memory_space<vmem>> -> memref<128xi32, #tpu.memory_space<vmem>>
        %dma_wait3A_73 = tpu.memref_slice %arg5[%add3A_25] : memref<327680xi32, #tpu.memory_space<hbm>> -> memref<128xi32, #tpu.memory_space<hbm>>
        tpu.wait_dma2 semaphore(%run_scoped3A_57 : memref<!tpu.dma_semaphore, #tpu.memory_space<semaphore_mem>>) src(%dma_wait3A_73 : memref<128xi32, #tpu.memory_space<hbm>>) dst(%dma_wait3A_72 : memref<128xi32, #tpu.memory_space<vmem>>)
        tpu.yield
      }) : () -> ()
      %run_scoped3A_27 = arith.constant 0 : i32
      "tpu.region"() ({
        %run_scoped3A_57 = tpu.sem_alloc : memref<!tpu.dma_semaphore, #tpu.memory_space<semaphore_mem>>
        %dma_start3A_58 = arith.constant 0 : i32
        %dma_start3A_59 = arith.constant 0 : i32
        %dma_start3A_60 = tpu.memref_slice %arg10[%run_scoped3A_27, %dma_start3A_58, %dma_start3A_59] : memref<1x128x64xf32, #tpu.memory_space<vmem>> -> memref<1x128x64xf32, #tpu.memory_space<vmem>>
        %dma_start3A_61 = tpu.memref_squeeze %dma_start3A_60 : memref<1x128x64xf32, #tpu.memory_space<vmem>> -> memref<128x64xf32, #tpu.memory_space<vmem>>
        %dma_start3A_62 = arith.constant 0 : i32
        %dma_start3A_63 = tpu.memref_slice %arg3[%add3A_25, %dma_start3A_62] : memref<327680x64xf32, #tpu.memory_space<hbm>> -> memref<128x64xf32, #tpu.memory_space<hbm>>
        %dma_start3A_64 = arith.constant 0 : i32
        %dma_start3A_65 = arith.constant 0 : i32
        %dma_start3A_66 = tpu.memref_slice %arg10[%run_scoped3A_27, %dma_start3A_64, %dma_start3A_65] : memref<1x128x64xf32, #tpu.memory_space<vmem>> -> memref<1x128x64xf32, #tpu.memory_space<vmem>>
        %dma_start3A_67 = tpu.memref_squeeze %dma_start3A_66 : memref<1x128x64xf32, #tpu.memory_space<vmem>> -> memref<128x64xf32, #tpu.memory_space<vmem>>
        %dma_start3A_68 = arith.constant 0 : i32
        %dma_start3A_69 = tpu.memref_slice %arg3[%add3A_25, %dma_start3A_68] : memref<327680x64xf32, #tpu.memory_space<hbm>> -> memref<128x64xf32, #tpu.memory_space<hbm>>
        tpu.enqueue_dma source(%dma_start3A_69 : memref<128x64xf32, #tpu.memory_space<hbm>>) target(%dma_start3A_67 : memref<128x64xf32, #tpu.memory_space<vmem>>) target_semaphore(%run_scoped3A_57 : memref<!tpu.dma_semaphore, #tpu.memory_space<semaphore_mem>>)
        %dma_wait3A_70 = arith.constant 0 : i32
        %dma_wait3A_71 = arith.constant 0 : i32
        %dma_wait3A_72 = tpu.memref_slice %arg10[%run_scoped3A_27, %dma_wait3A_70, %dma_wait3A_71] : memref<1x128x64xf32, #tpu.memory_space<vmem>> -> memref<1x128x64xf32, #tpu.memory_space<vmem>>
        %dma_wait3A_73 = tpu.memref_squeeze %dma_wait3A_72 : memref<1x128x64xf32, #tpu.memory_space<vmem>> -> memref<128x64xf32, #tpu.memory_space<vmem>>
        %dma_wait3A_74 = arith.constant 0 : i32
        %dma_wait3A_75 = tpu.memref_slice %arg3[%add3A_25, %dma_wait3A_74] : memref<327680x64xf32, #tpu.memory_space<hbm>> -> memref<128x64xf32, #tpu.memory_space<hbm>>
        %dma_wait3A_76 = arith.constant 0 : i32
        %dma_wait3A_77 = arith.constant 0 : i32
        %dma_wait3A_78 = tpu.memref_slice %arg10[%run_scoped3A_27, %dma_wait3A_76, %dma_wait3A_77] : memref<1x128x64xf32, #tpu.memory_space<vmem>> -> memref<1x128x64xf32, #tpu.memory_space<vmem>>
        %dma_wait3A_79 = tpu.memref_squeeze %dma_wait3A_78 : memref<1x128x64xf32, #tpu.memory_space<vmem>> -> memref<128x64xf32, #tpu.memory_space<vmem>>
        %dma_wait3A_80 = arith.constant 0 : i32
        %dma_wait3A_81 = tpu.memref_slice %arg3[%add3A_25, %dma_wait3A_80] : memref<327680x64xf32, #tpu.memory_space<hbm>> -> memref<128x64xf32, #tpu.memory_space<hbm>>
        tpu.wait_dma2 semaphore(%run_scoped3A_57 : memref<!tpu.dma_semaphore, #tpu.memory_space<semaphore_mem>>) src(%dma_wait3A_81 : memref<128x64xf32, #tpu.memory_space<hbm>>) dst(%dma_wait3A_79 : memref<128x64xf32, #tpu.memory_space<vmem>>)
        tpu.yield
      }) : () -> ()
      %dma_start3A = arith.constant 0 : i32
      %dma_start3A_28 = arith.constant 0 : i32
      %dma_start3A_29 = arith.constant 0 : i32
      %dma_start3A_30 = arith.constant 0 : i32
      %dma_start3A_31 = tpu.memref_slice %arg9[%dma_start3A_28, %dma_start3A_29, %dma_start3A_30] : memref<1x128x64xf32, #tpu.memory_space<vmem>> -> memref<1x128x64xf32, #tpu.memory_space<vmem>>
      %dma_start3A_32 = tpu.memref_squeeze %dma_start3A_31 : memref<1x128x64xf32, #tpu.memory_space<vmem>> -> memref<128x64xf32, #tpu.memory_space<vmem>>
      %dma_start3A_33 = arith.constant 0 : i32
      %dma_start3A_34 = tpu.memref_slice %arg7[%dma_start3A, %dma_start3A_33] : memref<1x128xi32, #tpu.memory_space<vmem>> -> memref<1x128xi32, #tpu.memory_space<vmem>>
      %dma_start3A_35 = tpu.memref_squeeze %dma_start3A_34 : memref<1x128xi32, #tpu.memory_space<vmem>> -> memref<128xi32, #tpu.memory_space<vmem>>
      %dma_start3A_36 = arith.constant 0 : i32
      %dma_start3A_37 = arith.constant 0 : i32
      %dma_start3A_38 = tpu.memref_slice %arg2[%dma_start3A_36, %dma_start3A_37] : memref<10240x64xf32, #tpu.memory_space<hbm>> -> memref<10240x64xf32, #tpu.memory_space<hbm>>
      tpu.enqueue_indirect_dma source(%dma_start3A_38 : memref<10240x64xf32, #tpu.memory_space<hbm>>) target(%dma_start3A_32 : memref<128x64xf32, #tpu.memory_space<vmem>>) offsets(%dma_start3A_35 : memref<128xi32, #tpu.memory_space<vmem>>) semaphore(%arg13 : memref<!tpu.dma_semaphore, #tpu.memory_space<semaphore_mem>>)
      %dma_wait3A = arith.constant 0 : i32
      %dma_wait3A_39 = arith.constant 0 : i32
      %dma_wait3A_40 = arith.constant 0 : i32
      %dma_wait3A_41 = arith.constant 0 : i32
      %dma_wait3A_42 = tpu.memref_slice %arg9[%dma_wait3A_39, %dma_wait3A_40, %dma_wait3A_41] : memref<1x128x64xf32, #tpu.memory_space<vmem>> -> memref<1x128x64xf32, #tpu.memory_space<vmem>>
      %dma_wait3A_43 = tpu.memref_squeeze %dma_wait3A_42 : memref<1x128x64xf32, #tpu.memory_space<vmem>> -> memref<128x64xf32, #tpu.memory_space<vmem>>
      %dma_wait3A_44 = arith.constant 0 : i32
      %dma_wait3A_45 = tpu.memref_slice %arg7[%dma_wait3A, %dma_wait3A_44] : memref<1x128xi32, #tpu.memory_space<vmem>> -> memref<1x128xi32, #tpu.memory_space<vmem>>
      %dma_wait3A_46 = tpu.memref_squeeze %dma_wait3A_45 : memref<1x128xi32, #tpu.memory_space<vmem>> -> memref<128xi32, #tpu.memory_space<vmem>>
      %dma_wait3A_47 = arith.constant 0 : i32
      %dma_wait3A_48 = arith.constant 0 : i32
      %dma_wait3A_49 = tpu.memref_slice %arg2[%dma_wait3A_47, %dma_wait3A_48] : memref<10240x64xf32, #tpu.memory_space<hbm>> -> memref<10240x64xf32, #tpu.memory_space<hbm>>
      tpu.wait_indirect_dma semaphore(%arg13 : memref<!tpu.dma_semaphore, #tpu.memory_space<semaphore_mem>>) src(%dma_wait3A_49 : memref<10240x64xf32, #tpu.memory_space<hbm>>) dst(%dma_wait3A_43 : memref<128x64xf32, #tpu.memory_space<vmem>>)
      %scan3A_50 = arith.constant 0 : i32
      %scan3A_51 = arith.constant 128 : i32
      %scan3A_52 = arith.addi %scan3A_50, %scan3A_51 : i32
      %scan3A_53 = arith.constant 1 : i32
      scf.for %scan3A_57 = %scan3A_50 to %scan3A_52 step %scan3A_53  : i32 {
        %get3A = arith.constant 0 : i32
        %get3A_58 = arith.index_cast %get3A : i32 to index
        %get3A_59 = arith.index_cast %scan3A_57 : i32 to index
        %get3A_60 = arith.constant 0 : index
        %get3A_61 = tpu.vector_load %arg9[%get3A_58, %get3A_59, %get3A_60] {strides = array<i32>} : memref<1x128x64xf32, #tpu.memory_space<vmem>>, vector<1x1x16xf32>,
        %get3A_62 = vector.shape_cast %get3A_61 : vector<1x1x16xf32> to vector<16xf32>
        %get3A_63 = arith.constant 0 : i32
        %get3A_64 = arith.index_cast %get3A_63 : i32 to index
        %get3A_65 = arith.index_cast %scan3A_57 : i32 to index
        %get3A_66 = arith.constant 0 : index
        %get3A_67 = tpu.vector_load %arg10[%get3A_64, %get3A_65, %get3A_66] {strides = array<i32>} : memref<1x128x64xf32, #tpu.memory_space<vmem>>, vector<1x1x16xf32>,
        %get3A_68 = vector.shape_cast %get3A_67 : vector<1x1x16xf32> to vector<16xf32>
        %add3A_69 = arith.addf %get3A_62, %get3A_68 : vector<16xf32>
        %max3A = arith.constant 0.000000e+00 : f32
        %max3A_70 = vector.broadcast %max3A : f32 to vector<16xf32>
        %max3A_71 = arith.maximumf %add3A_69, %max3A_70 : vector<16xf32>
        %min3A = arith.constant 0.000000e+00 : f32
        %min3A_72 = vector.broadcast %min3A : f32 to vector<16xf32>
        %min3A_73 = arith.minimumf %add3A_69, %min3A_72 : vector<16xf32>
        %mul3A_74 = arith.constant 0.00999999977 : f32
        %mul3A_75 = vector.broadcast %mul3A_74 : f32 to vector<16xf32>
        %mul3A_76 = arith.mulf %mul3A_75, %min3A_73 : vector<16xf32>
        %add3A_77 = arith.addf %max3A_71, %mul3A_76 : vector<16xf32>
        %swap3A = arith.constant 0 : i32
        %swap3A_78 = arith.index_cast %swap3A : i32 to index
        %swap3A_79 = arith.index_cast %scan3A_57 : i32 to index
        %swap3A_80 = arith.constant 0 : index
        %swap3A_81 = tpu.vector_load %arg9[%swap3A_78, %swap3A_79, %swap3A_80] {strides = array<i32>} : memref<1x128x64xf32, #tpu.memory_space<vmem>>, vector<1x1x16xf32>,
        %swap3A_82 = vector.shape_cast %swap3A_81 : vector<1x1x16xf32> to vector<16xf32>
        %swap3A_83 = vector.shape_cast %add3A_77 : vector<16xf32> to vector<1x1x16xf32>
        tpu.vector_store %arg9[%swap3A_78, %swap3A_79, %swap3A_80], %swap3A_83 {strides = array<i32>} : memref<1x128x64xf32, #tpu.memory_space<vmem>>, vector<1x1x16xf32>,
        %get3A_84 = arith.constant 0 : i32
        %get3A_85 = arith.index_cast %get3A_84 : i32 to index
        %get3A_86 = arith.index_cast %scan3A_57 : i32 to index
        %get3A_87 = arith.constant 16 : index
        %get3A_88 = tpu.vector_load %arg9[%get3A_85, %get3A_86, %get3A_87] {strides = array<i32>} : memref<1x128x64xf32, #tpu.memory_space<vmem>>, vector<1x1x16xf32>,
        %get3A_89 = vector.shape_cast %get3A_88 : vector<1x1x16xf32> to vector<16xf32>
        %get3A_90 = arith.constant 0 : i32
        %get3A_91 = arith.index_cast %get3A_90 : i32 to index
        %get3A_92 = arith.index_cast %scan3A_57 : i32 to index
        %get3A_93 = arith.constant 16 : index
        %get3A_94 = tpu.vector_load %arg10[%get3A_91, %get3A_92, %get3A_93] {strides = array<i32>} : memref<1x128x64xf32, #tpu.memory_space<vmem>>, vector<1x1x16xf32>,
        %get3A_95 = vector.shape_cast %get3A_94 : vector<1x1x16xf32> to vector<16xf32>
        %add3A_96 = arith.addf %get3A_89, %get3A_95 : vector<16xf32>
        %max3A_97 = arith.constant 0.000000e+00 : f32
        %max3A_98 = vector.broadcast %max3A_97 : f32 to vector<16xf32>
        %max3A_99 = arith.maximumf %add3A_96, %max3A_98 : vector<16xf32>
        %min3A_100 = arith.constant 0.000000e+00 : f32
        %min3A_101 = vector.broadcast %min3A_100 : f32 to vector<16xf32>
        %min3A_102 = arith.minimumf %add3A_96, %min3A_101 : vector<16xf32>
        %mul3A_103 = arith.constant 0.00999999977 : f32
        %mul3A_104 = vector.broadcast %mul3A_103 : f32 to vector<16xf32>
        %mul3A_105 = arith.mulf %mul3A_104, %min3A_102 : vector<16xf32>
        %add3A_106 = arith.addf %max3A_99, %mul3A_105 : vector<16xf32>
        %swap3A_107 = arith.constant 0 : i32
        %swap3A_108 = arith.index_cast %swap3A_107 : i32 to index
        %swap3A_109 = arith.index_cast %scan3A_57 : i32 to index
        %swap3A_110 = arith.constant 16 : index
        %swap3A_111 = tpu.vector_load %arg9[%swap3A_108, %swap3A_109, %swap3A_110] {strides = array<i32>} : memref<1x128x64xf32, #tpu.memory_space<vmem>>, vector<1x1x16xf32>,
        %swap3A_112 = vector.shape_cast %swap3A_111 : vector<1x1x16xf32> to vector<16xf32>
        %swap3A_113 = vector.shape_cast %add3A_106 : vector<16xf32> to vector<1x1x16xf32>
        tpu.vector_store %arg9[%swap3A_108, %swap3A_109, %swap3A_110], %swap3A_113 {strides = array<i32>} : memref<1x128x64xf32, #tpu.memory_space<vmem>>, vector<1x1x16xf32>,
        %get3A_114 = arith.constant 0 : i32
        %get3A_115 = arith.index_cast %get3A_114 : i32 to index
        %get3A_116 = arith.index_cast %scan3A_57 : i32 to index
        %get3A_117 = arith.constant 32 : index
        %get3A_118 = tpu.vector_load %arg9[%get3A_115, %get3A_116, %get3A_117] {strides = array<i32>} : memref<1x128x64xf32, #tpu.memory_space<vmem>>, vector<1x1x16xf32>,
        %get3A_119 = vector.shape_cast %get3A_118 : vector<1x1x16xf32> to vector<16xf32>
        %get3A_120 = arith.constant 0 : i32
        %get3A_121 = arith.index_cast %get3A_120 : i32 to index
        %get3A_122 = arith.index_cast %scan3A_57 : i32 to index
        %get3A_123 = arith.constant 32 : index
        %get3A_124 = tpu.vector_load %arg10[%get3A_121, %get3A_122, %get3A_123] {strides = array<i32>} : memref<1x128x64xf32, #tpu.memory_space<vmem>>, vector<1x1x16xf32>,
        %get3A_125 = vector.shape_cast %get3A_124 : vector<1x1x16xf32> to vector<16xf32>
        %add3A_126 = arith.addf %get3A_119, %get3A_125 : vector<16xf32>
        %max3A_127 = arith.constant 0.000000e+00 : f32
        %max3A_128 = vector.broadcast %max3A_127 : f32 to vector<16xf32>
        %max3A_129 = arith.maximumf %add3A_126, %max3A_128 : vector<16xf32>
        %min3A_130 = arith.constant 0.000000e+00 : f32
        %min3A_131 = vector.broadcast %min3A_130 : f32 to vector<16xf32>
        %min3A_132 = arith.minimumf %add3A_126, %min3A_131 : vector<16xf32>
        %mul3A_133 = arith.constant 0.00999999977 : f32
        %mul3A_134 = vector.broadcast %mul3A_133 : f32 to vector<16xf32>
        %mul3A_135 = arith.mulf %mul3A_134, %min3A_132 : vector<16xf32>
        %add3A_136 = arith.addf %max3A_129, %mul3A_135 : vector<16xf32>
        %swap3A_137 = arith.constant 0 : i32
        %swap3A_138 = arith.index_cast %swap3A_137 : i32 to index
        %swap3A_139 = arith.index_cast %scan3A_57 : i32 to index
        %swap3A_140 = arith.constant 32 : index
        %swap3A_141 = tpu.vector_load %arg9[%swap3A_138, %swap3A_139, %swap3A_140] {strides = array<i32>} : memref<1x128x64xf32, #tpu.memory_space<vmem>>, vector<1x1x16xf32>,
        %swap3A_142 = vector.shape_cast %swap3A_141 : vector<1x1x16xf32> to vector<16xf32>
        %swap3A_143 = vector.shape_cast %add3A_136 : vector<16xf32> to vector<1x1x16xf32>
        tpu.vector_store %arg9[%swap3A_138, %swap3A_139, %swap3A_140], %swap3A_143 {strides = array<i32>} : memref<1x128x64xf32, #tpu.memory_space<vmem>>, vector<1x1x16xf32>,
        %get3A_144 = arith.constant 0 : i32
        %get3A_145 = arith.index_cast %get3A_144 : i32 to index
        %get3A_146 = arith.index_cast %scan3A_57 : i32 to index
        %get3A_147 = arith.constant 48 : index
        %get3A_148 = tpu.vector_load %arg9[%get3A_145, %get3A_146, %get3A_147] {strides = array<i32>} : memref<1x128x64xf32, #tpu.memory_space<vmem>>, vector<1x1x16xf32>,
        %get3A_149 = vector.shape_cast %get3A_148 : vector<1x1x16xf32> to vector<16xf32>
        %get3A_150 = arith.constant 0 : i32
        %get3A_151 = arith.index_cast %get3A_150 : i32 to index
        %get3A_152 = arith.index_cast %scan3A_57 : i32 to index
        %get3A_153 = arith.constant 48 : index
        %get3A_154 = tpu.vector_load %arg10[%get3A_151, %get3A_152, %get3A_153] {strides = array<i32>} : memref<1x128x64xf32, #tpu.memory_space<vmem>>, vector<1x1x16xf32>,
        %get3A_155 = vector.shape_cast %get3A_154 : vector<1x1x16xf32> to vector<16xf32>
        %add3A_156 = arith.addf %get3A_149, %get3A_155 : vector<16xf32>
        %max3A_157 = arith.constant 0.000000e+00 : f32
        %max3A_158 = vector.broadcast %max3A_157 : f32 to vector<16xf32>
        %max3A_159 = arith.maximumf %add3A_156, %max3A_158 : vector<16xf32>
        %min3A_160 = arith.constant 0.000000e+00 : f32
        %min3A_161 = vector.broadcast %min3A_160 : f32 to vector<16xf32>
        %min3A_162 = arith.minimumf %add3A_156, %min3A_161 : vector<16xf32>
        %mul3A_163 = arith.constant 0.00999999977 : f32
        %mul3A_164 = vector.broadcast %mul3A_163 : f32 to vector<16xf32>
        %mul3A_165 = arith.mulf %mul3A_164, %min3A_162 : vector<16xf32>
        %add3A_166 = arith.addf %max3A_159, %mul3A_165 : vector<16xf32>
        %swap3A_167 = arith.constant 0 : i32
        %swap3A_168 = arith.index_cast %swap3A_167 : i32 to index
        %swap3A_169 = arith.index_cast %scan3A_57 : i32 to index
        %swap3A_170 = arith.constant 48 : index
        %swap3A_171 = tpu.vector_load %arg9[%swap3A_168, %swap3A_169, %swap3A_170] {strides = array<i32>} : memref<1x128x64xf32, #tpu.memory_space<vmem>>, vector<1x1x16xf32>,
        %swap3A_172 = vector.shape_cast %swap3A_171 : vector<1x1x16xf32> to vector<16xf32>
        %swap3A_173 = vector.shape_cast %add3A_166 : vector<16xf32> to vector<1x1x16xf32>
        tpu.vector_store %arg9[%swap3A_168, %swap3A_169, %swap3A_170], %swap3A_173 {strides = array<i32>} : memref<1x128x64xf32, #tpu.memory_space<vmem>>, vector<1x1x16xf32>,
      }
      %scan3A_54 = arith.constant 128 : i32
      %run_scoped3A_55 = arith.constant 0 : i32
      %run_scoped3A_56 = arith.constant 0 : i32
      "tpu.region"() ({
        %run_scoped3A_57 = tpu.sem_alloc : memref<!tpu.dma_semaphore, #tpu.memory_space<semaphore_mem>>
        %dma_start3A_58 = arith.constant 0 : i32
        %dma_start3A_59 = arith.constant 0 : i32
        %dma_start3A_60 = tpu.memref_slice %arg9[%run_scoped3A_55, %dma_start3A_58, %dma_start3A_59] : memref<1x128x64xf32, #tpu.memory_space<vmem>> -> memref<1x128x64xf32, #tpu.memory_space<vmem>>
        %dma_start3A_61 = tpu.memref_squeeze %dma_start3A_60 : memref<1x128x64xf32, #tpu.memory_space<vmem>> -> memref<128x64xf32, #tpu.memory_space<vmem>>
        %dma_start3A_62 = arith.constant 0 : i32
        %dma_start3A_63 = tpu.memref_slice %arg8[%run_scoped3A_56, %dma_start3A_62] : memref<1x128xi32, #tpu.memory_space<vmem>> -> memref<1x128xi32, #tpu.memory_space<vmem>>
        %dma_start3A_64 = tpu.memref_squeeze %dma_start3A_63 : memref<1x128xi32, #tpu.memory_space<vmem>> -> memref<128xi32, #tpu.memory_space<vmem>>
        %dma_start3A_65 = arith.constant 0 : i32
        %dma_start3A_66 = arith.constant 0 : i32
        %dma_start3A_67 = tpu.memref_slice %arg12[%dma_start3A_65, %dma_start3A_66] : memref<10240x64xf32, #tpu.memory_space<vmem_shared>> -> memref<10240x64xf32, #tpu.memory_space<vmem_shared>>
        tpu.enqueue_indirect_dma source(%dma_start3A_61 : memref<128x64xf32, #tpu.memory_space<vmem>>) target(%dma_start3A_67 : memref<10240x64xf32, #tpu.memory_space<vmem_shared>>) offsets(%dma_start3A_64 : memref<128xi32, #tpu.memory_space<vmem>>) semaphore(%run_scoped3A_57 : memref<!tpu.dma_semaphore, #tpu.memory_space<semaphore_mem>>) {add = true}
        %dma_wait3A_68 = arith.constant 0 : i32
        %dma_wait3A_69 = arith.constant 0 : i32
        %dma_wait3A_70 = tpu.memref_slice %arg9[%run_scoped3A_55, %dma_wait3A_68, %dma_wait3A_69] : memref<1x128x64xf32, #tpu.memory_space<vmem>> -> memref<1x128x64xf32, #tpu.memory_space<vmem>>
        %dma_wait3A_71 = tpu.memref_squeeze %dma_wait3A_70 : memref<1x128x64xf32, #tpu.memory_space<vmem>> -> memref<128x64xf32, #tpu.memory_space<vmem>>
        %dma_wait3A_72 = arith.constant 0 : i32
        %dma_wait3A_73 = tpu.memref_slice %arg8[%run_scoped3A_56, %dma_wait3A_72] : memref<1x128xi32, #tpu.memory_space<vmem>> -> memref<1x128xi32, #tpu.memory_space<vmem>>
        %dma_wait3A_74 = tpu.memref_squeeze %dma_wait3A_73 : memref<1x128xi32, #tpu.memory_space<vmem>> -> memref<128xi32, #tpu.memory_space<vmem>>
        %dma_wait3A_75 = arith.constant 0 : i32
        %dma_wait3A_76 = arith.constant 0 : i32
        %dma_wait3A_77 = tpu.memref_slice %arg12[%dma_wait3A_75, %dma_wait3A_76] : memref<10240x64xf32, #tpu.memory_space<vmem_shared>> -> memref<10240x64xf32, #tpu.memory_space<vmem_shared>>
        tpu.wait_indirect_dma semaphore(%run_scoped3A_57 : memref<!tpu.dma_semaphore, #tpu.memory_space<semaphore_mem>>) src(%dma_wait3A_71 : memref<128x64xf32, #tpu.memory_space<vmem>>) dst(%dma_wait3A_77 : memref<10240x64xf32, #tpu.memory_space<vmem_shared>>)
        tpu.yield
      }) : () -> ()
    }
    %scan3A_16 = arith.constant 80 : i32
    %barrier3A_17 = arith.constant 0 : index
    tpu.barrier barrier_id(%barrier3A_17)
    %mul3A_18 = arith.constant 640 : i32
    %mul3A_19 = arith.muli %arg1, %mul3A_18 : i32
    %mul3A_20 = arith.constant 640 : i32
    %mul3A_21 = arith.muli %arg1, %mul3A_20 : i32
    "tpu.region"() ({
      %run_scoped3A = tpu.sem_alloc : memref<!tpu.dma_semaphore, #tpu.memory_space<semaphore_mem>>
      %dma_start3A = arith.constant 0 : i32
      %dma_start3A_22 = tpu.memref_slice %arg6[%arg0, %mul3A_21, %dma_start3A] : memref<2x10240x64xf32, #tpu.memory_space<hbm>> -> memref<1x640x64xf32, #tpu.memory_space<hbm>>
      %dma_start3A_23 = tpu.memref_squeeze %dma_start3A_22 : memref<1x640x64xf32, #tpu.memory_space<hbm>> -> memref<640x64xf32, #tpu.memory_space<hbm>>
      %dma_start3A_24 = arith.constant 0 : i32
      %dma_start3A_25 = tpu.memref_slice %arg12[%mul3A_19, %dma_start3A_24] : memref<10240x64xf32, #tpu.memory_space<vmem_shared>> -> memref<640x64xf32, #tpu.memory_space<vmem_shared>>
      tpu.enqueue_dma source(%dma_start3A_25 : memref<640x64xf32, #tpu.memory_space<vmem_shared>>) target(%dma_start3A_23 : memref<640x64xf32, #tpu.memory_space<hbm>>) target_semaphore(%run_scoped3A : memref<!tpu.dma_semaphore, #tpu.memory_space<semaphore_mem>>)
      %dma_wait3A = arith.constant 0 : i32
      %dma_wait3A_26 = tpu.memref_slice %arg6[%arg0, %mul3A_21, %dma_wait3A] : memref<2x10240x64xf32, #tpu.memory_space<hbm>> -> memref<1x640x64xf32, #tpu.memory_space<hbm>>
      %dma_wait3A_27 = tpu.memref_squeeze %dma_wait3A_26 : memref<1x640x64xf32, #tpu.memory_space<hbm>> -> memref<640x64xf32, #tpu.memory_space<hbm>>
      %dma_wait3A_28 = arith.constant 0 : i32
      %dma_wait3A_29 = tpu.memref_slice %arg12[%mul3A_19, %dma_wait3A_28] : memref<10240x64xf32, #tpu.memory_space<vmem_shared>> -> memref<640x64xf32, #tpu.memory_space<vmem_shared>>
      tpu.wait_dma2 semaphore(%run_scoped3A : memref<!tpu.dma_semaphore, #tpu.memory_space<semaphore_mem>>) src(%dma_wait3A_29 : memref<640x64xf32, #tpu.memory_space<vmem_shared>>) dst(%dma_wait3A_27 : memref<640x64xf32, #tpu.memory_space<hbm>>)
      tpu.yield
    }) : () -> ()
    return
  }
}

#map = affine_map<(d0, d1) -> (0, 0)>
#map1 = affine_map<(d0, d1) -> (0)>
#map2 = affine_map<(d0, d1) -> (0, 0, 0)>
module attributes {stable_mosaic.version = 14 : i64} {
  func.func @_edge_body(%arg0: i32, %arg1: i32, %arg2: memref<10240x64xf32, #tpu.memory_space<hbm>>, %arg3: memref<327680x64xf32, #tpu.memory_space<hbm>>, %arg4: memref<327680xi32, #tpu.memory_space<hbm>>, %arg5: memref<327680xi32, #tpu.memory_space<hbm>>, %arg6: memref<2x10240x64xf32, #tpu.memory_space<hbm>>, %arg7: memref<1x128xi32, #tpu.memory_space<vmem>>, %arg8: memref<1x128xi32, #tpu.memory_space<vmem>>, %arg9: memref<1x128x64xf32, #tpu.memory_space<vmem>>, %arg10: memref<1x128x64xf32, #tpu.memory_space<vmem>>, %arg11: memref<128x64xf32, #tpu.memory_space<vmem>>, %arg12: memref<10240x64xf32, #tpu.memory_space<vmem_shared>>, %arg13: memref<!tpu.dma_semaphore, #tpu.memory_space<semaphore_mem>>) attributes {dimension_semantics = [#tpu.dimension_semantics<core_parallel>, #tpu.dimension_semantics<subcore_parallel>], iteration_bounds = array<i64: 2, 16>, scalar_prefetch = 0 : i64, scratch_operands = 7 : i64, tpu.core_type = #tpu.core_type<sc_vector_subcore>, window_params = [{transform_indices = #map}, {transform_indices = #map}, {transform_indices = #map1}, {transform_indices = #map1}, {transform_indices = #map2}]} {
    %mul3A = arith.constant 2 : i32
    %mul3A_0 = arith.muli %arg1, %mul3A : i32
    %add3A = arith.addi %mul3A_0, %arg0 : i32
    %scan3A = arith.constant 0 : i32
    %scan3A_1 = arith.constant 128 : i32
    %scan3A_2 = arith.addi %scan3A, %scan3A_1 : i32
    %scan3A_3 = arith.constant 1 : i32
    scf.for %scan3A_22 = %scan3A to %scan3A_2 step %scan3A_3  : i32 {
      %broadcast_in_dim3A = arith.constant 0.000000e+00 : f32
      %broadcast_in_dim3A_23 = vector.broadcast %broadcast_in_dim3A : f32 to vector<16xf32>
      %swap3A = arith.index_cast %scan3A_22 : i32 to index
      %swap3A_24 = arith.constant 0 : index
      %swap3A_25 = tpu.vector_load %arg11[%swap3A, %swap3A_24] {strides = array<i32>} : memref<128x64xf32, #tpu.memory_space<vmem>>, vector<1x16xf32>,
      %swap3A_26 = vector.shape_cast %swap3A_25 : vector<1x16xf32> to vector<16xf32>
      %swap3A_27 = vector.shape_cast %broadcast_in_dim3A_23 : vector<16xf32> to vector<1x16xf32>
      tpu.vector_store %arg11[%swap3A, %swap3A_24], %swap3A_27 {strides = array<i32>} : memref<128x64xf32, #tpu.memory_space<vmem>>, vector<1x16xf32>,
      %broadcast_in_dim3A_28 = arith.constant 0.000000e+00 : f32
      %broadcast_in_dim3A_29 = vector.broadcast %broadcast_in_dim3A_28 : f32 to vector<16xf32>
      %swap3A_30 = arith.index_cast %scan3A_22 : i32 to index
      %swap3A_31 = arith.constant 16 : index
      %swap3A_32 = tpu.vector_load %arg11[%swap3A_30, %swap3A_31] {strides = array<i32>} : memref<128x64xf32, #tpu.memory_space<vmem>>, vector<1x16xf32>,
      %swap3A_33 = vector.shape_cast %swap3A_32 : vector<1x16xf32> to vector<16xf32>
      %swap3A_34 = vector.shape_cast %broadcast_in_dim3A_29 : vector<16xf32> to vector<1x16xf32>
      tpu.vector_store %arg11[%swap3A_30, %swap3A_31], %swap3A_34 {strides = array<i32>} : memref<128x64xf32, #tpu.memory_space<vmem>>, vector<1x16xf32>,
      %broadcast_in_dim3A_35 = arith.constant 0.000000e+00 : f32
      %broadcast_in_dim3A_36 = vector.broadcast %broadcast_in_dim3A_35 : f32 to vector<16xf32>
      %swap3A_37 = arith.index_cast %scan3A_22 : i32 to index
      %swap3A_38 = arith.constant 32 : index
      %swap3A_39 = tpu.vector_load %arg11[%swap3A_37, %swap3A_38] {strides = array<i32>} : memref<128x64xf32, #tpu.memory_space<vmem>>, vector<1x16xf32>,
      %swap3A_40 = vector.shape_cast %swap3A_39 : vector<1x16xf32> to vector<16xf32>
      %swap3A_41 = vector.shape_cast %broadcast_in_dim3A_36 : vector<16xf32> to vector<1x16xf32>
      tpu.vector_store %arg11[%swap3A_37, %swap3A_38], %swap3A_41 {strides = array<i32>} : memref<128x64xf32, #tpu.memory_space<vmem>>, vector<1x16xf32>,
      %broadcast_in_dim3A_42 = arith.constant 0.000000e+00 : f32
      %broadcast_in_dim3A_43 = vector.broadcast %broadcast_in_dim3A_42 : f32 to vector<16xf32>
      %swap3A_44 = arith.index_cast %scan3A_22 : i32 to index
      %swap3A_45 = arith.constant 48 : index
      %swap3A_46 = tpu.vector_load %arg11[%swap3A_44, %swap3A_45] {strides = array<i32>} : memref<128x64xf32, #tpu.memory_space<vmem>>, vector<1x16xf32>,
      %swap3A_47 = vector.shape_cast %swap3A_46 : vector<1x16xf32> to vector<16xf32>
      %swap3A_48 = vector.shape_cast %broadcast_in_dim3A_43 : vector<16xf32> to vector<1x16xf32>
      tpu.vector_store %arg11[%swap3A_44, %swap3A_45], %swap3A_48 {strides = array<i32>} : memref<128x64xf32, #tpu.memory_space<vmem>>, vector<1x16xf32>,
    }
    %scan3A_4 = arith.constant 128 : i32
    %scan3A_5 = arith.constant 0 : i32
    %scan3A_6 = arith.constant 5 : i32
    %scan3A_7 = arith.addi %scan3A_5, %scan3A_6 : i32
    %scan3A_8 = arith.constant 1 : i32
    scf.for %scan3A_22 = %scan3A_5 to %scan3A_7 step %scan3A_8  : i32 {
      %mul3A_23 = arith.constant 640 : i32
      %mul3A_24 = arith.muli %arg1, %mul3A_23 : i32
      %mul3A_25 = arith.constant 128 : i32
      %mul3A_26 = arith.muli %scan3A_22, %mul3A_25 : i32
      %add3A_27 = arith.addi %mul3A_24, %mul3A_26 : i32
      "tpu.region"() ({
        %run_scoped3A = tpu.sem_alloc : memref<!tpu.dma_semaphore, #tpu.memory_space<semaphore_mem>>
        %dma_start3A = arith.constant 0 : i32
        %dma_start3A_28 = tpu.memref_slice %arg12[%add3A_27, %dma_start3A] : memref<10240x64xf32, #tpu.memory_space<vmem_shared>> -> memref<128x64xf32, #tpu.memory_space<vmem_shared>>
        %dma_start3A_29 = arith.constant 0 : i32
        %dma_start3A_30 = tpu.memref_slice %arg12[%add3A_27, %dma_start3A_29] : memref<10240x64xf32, #tpu.memory_space<vmem_shared>> -> memref<128x64xf32, #tpu.memory_space<vmem_shared>>
        tpu.enqueue_dma source(%arg11 : memref<128x64xf32, #tpu.memory_space<vmem>>) target(%dma_start3A_30 : memref<128x64xf32, #tpu.memory_space<vmem_shared>>) target_semaphore(%run_scoped3A : memref<!tpu.dma_semaphore, #tpu.memory_space<semaphore_mem>>)
        %dma_wait3A = arith.constant 0 : i32
        %dma_wait3A_31 = tpu.memref_slice %arg12[%add3A_27, %dma_wait3A] : memref<10240x64xf32, #tpu.memory_space<vmem_shared>> -> memref<128x64xf32, #tpu.memory_space<vmem_shared>>
        %dma_wait3A_32 = arith.constant 0 : i32
        %dma_wait3A_33 = tpu.memref_slice %arg12[%add3A_27, %dma_wait3A_32] : memref<10240x64xf32, #tpu.memory_space<vmem_shared>> -> memref<128x64xf32, #tpu.memory_space<vmem_shared>>
        tpu.wait_dma2 semaphore(%run_scoped3A : memref<!tpu.dma_semaphore, #tpu.memory_space<semaphore_mem>>) src(%arg11 : memref<128x64xf32, #tpu.memory_space<vmem>>) dst(%dma_wait3A_33 : memref<128x64xf32, #tpu.memory_space<vmem_shared>>)
        tpu.yield
      }) : () -> ()
    }
    %scan3A_9 = arith.constant 5 : i32
    %barrier3A = arith.constant 0 : index
    tpu.barrier barrier_id(%barrier3A)
    %mul3A_10 = arith.constant 10240 : i32
    %mul3A_11 = arith.muli %add3A, %mul3A_10 : i32
    %scan3A_12 = arith.constant 0 : i32
    %scan3A_13 = arith.constant 80 : i32
    %scan3A_14 = arith.addi %scan3A_12, %scan3A_13 : i32
    %scan3A_15 = arith.constant 1 : i32
    scf.for %scan3A_22 = %scan3A_12 to %scan3A_14 step %scan3A_15  : i32 {
      %mul3A_23 = arith.constant 128 : i32
      %mul3A_24 = arith.muli %scan3A_22, %mul3A_23 : i32
      %add3A_25 = arith.addi %mul3A_11, %mul3A_24 : i32
      %run_scoped3A = arith.constant 0 : i32
      "tpu.region"() ({
        %run_scoped3A_57 = tpu.sem_alloc : memref<!tpu.dma_semaphore, #tpu.memory_space<semaphore_mem>>
        %dma_start3A_58 = arith.constant 0 : i32
        %dma_start3A_59 = tpu.memref_slice %arg7[%run_scoped3A, %dma_start3A_58] : memref<1x128xi32, #tpu.memory_space<vmem>> -> memref<1x128xi32, #tpu.memory_space<vmem>>
        %dma_start3A_60 = tpu.memref_squeeze %dma_start3A_59 : memref<1x128xi32, #tpu.memory_space<vmem>> -> memref<128xi32, #tpu.memory_space<vmem>>
        %dma_start3A_61 = tpu.memref_slice %arg4[%add3A_25] : memref<327680xi32, #tpu.memory_space<hbm>> -> memref<128xi32, #tpu.memory_space<hbm>>
        %dma_start3A_62 = arith.constant 0 : i32
        %dma_start3A_63 = tpu.memref_slice %arg7[%run_scoped3A, %dma_start3A_62] : memref<1x128xi32, #tpu.memory_space<vmem>> -> memref<1x128xi32, #tpu.memory_space<vmem>>
        %dma_start3A_64 = tpu.memref_squeeze %dma_start3A_63 : memref<1x128xi32, #tpu.memory_space<vmem>> -> memref<128xi32, #tpu.memory_space<vmem>>
        %dma_start3A_65 = tpu.memref_slice %arg4[%add3A_25] : memref<327680xi32, #tpu.memory_space<hbm>> -> memref<128xi32, #tpu.memory_space<hbm>>
        tpu.enqueue_dma source(%dma_start3A_65 : memref<128xi32, #tpu.memory_space<hbm>>) target(%dma_start3A_64 : memref<128xi32, #tpu.memory_space<vmem>>) target_semaphore(%run_scoped3A_57 : memref<!tpu.dma_semaphore, #tpu.memory_space<semaphore_mem>>)
        %dma_wait3A_66 = arith.constant 0 : i32
        %dma_wait3A_67 = tpu.memref_slice %arg7[%run_scoped3A, %dma_wait3A_66] : memref<1x128xi32, #tpu.memory_space<vmem>> -> memref<1x128xi32, #tpu.memory_space<vmem>>
        %dma_wait3A_68 = tpu.memref_squeeze %dma_wait3A_67 : memref<1x128xi32, #tpu.memory_space<vmem>> -> memref<128xi32, #tpu.memory_space<vmem>>
        %dma_wait3A_69 = tpu.memref_slice %arg4[%add3A_25] : memref<327680xi32, #tpu.memory_space<hbm>> -> memref<128xi32, #tpu.memory_space<hbm>>
        %dma_wait3A_70 = arith.constant 0 : i32
        %dma_wait3A_71 = tpu.memref_slice %arg7[%run_scoped3A, %dma_wait3A_70] : memref<1x128xi32, #tpu.memory_space<vmem>> -> memref<1x128xi32, #tpu.memory_space<vmem>>
        %dma_wait3A_72 = tpu.memref_squeeze %dma_wait3A_71 : memref<1x128xi32, #tpu.memory_space<vmem>> -> memref<128xi32, #tpu.memory_space<vmem>>
        %dma_wait3A_73 = tpu.memref_slice %arg4[%add3A_25] : memref<327680xi32, #tpu.memory_space<hbm>> -> memref<128xi32, #tpu.memory_space<hbm>>
        tpu.wait_dma2 semaphore(%run_scoped3A_57 : memref<!tpu.dma_semaphore, #tpu.memory_space<semaphore_mem>>) src(%dma_wait3A_73 : memref<128xi32, #tpu.memory_space<hbm>>) dst(%dma_wait3A_72 : memref<128xi32, #tpu.memory_space<vmem>>)
        tpu.yield
      }) : () -> ()
      %run_scoped3A_26 = arith.constant 0 : i32
      "tpu.region"() ({
        %run_scoped3A_57 = tpu.sem_alloc : memref<!tpu.dma_semaphore, #tpu.memory_space<semaphore_mem>>
        %dma_start3A_58 = arith.constant 0 : i32
        %dma_start3A_59 = tpu.memref_slice %arg8[%run_scoped3A_26, %dma_start3A_58] : memref<1x128xi32, #tpu.memory_space<vmem>> -> memref<1x128xi32, #tpu.memory_space<vmem>>
        %dma_start3A_60 = tpu.memref_squeeze %dma_start3A_59 : memref<1x128xi32, #tpu.memory_space<vmem>> -> memref<128xi32, #tpu.memory_space<vmem>>
        %dma_start3A_61 = tpu.memref_slice %arg5[%add3A_25] : memref<327680xi32, #tpu.memory_space<hbm>> -> memref<128xi32, #tpu.memory_space<hbm>>
        %dma_start3A_62 = arith.constant 0 : i32
        %dma_start3A_63 = tpu.memref_slice %arg8[%run_scoped3A_26, %dma_start3A_62] : memref<1x128xi32, #tpu.memory_space<vmem>> -> memref<1x128xi32, #tpu.memory_space<vmem>>
        %dma_start3A_64 = tpu.memref_squeeze %dma_start3A_63 : memref<1x128xi32, #tpu.memory_space<vmem>> -> memref<128xi32, #tpu.memory_space<vmem>>
        %dma_start3A_65 = tpu.memref_slice %arg5[%add3A_25] : memref<327680xi32, #tpu.memory_space<hbm>> -> memref<128xi32, #tpu.memory_space<hbm>>
        tpu.enqueue_dma source(%dma_start3A_65 : memref<128xi32, #tpu.memory_space<hbm>>) target(%dma_start3A_64 : memref<128xi32, #tpu.memory_space<vmem>>) target_semaphore(%run_scoped3A_57 : memref<!tpu.dma_semaphore, #tpu.memory_space<semaphore_mem>>)
        %dma_wait3A_66 = arith.constant 0 : i32
        %dma_wait3A_67 = tpu.memref_slice %arg8[%run_scoped3A_26, %dma_wait3A_66] : memref<1x128xi32, #tpu.memory_space<vmem>> -> memref<1x128xi32, #tpu.memory_space<vmem>>
        %dma_wait3A_68 = tpu.memref_squeeze %dma_wait3A_67 : memref<1x128xi32, #tpu.memory_space<vmem>> -> memref<128xi32, #tpu.memory_space<vmem>>
        %dma_wait3A_69 = tpu.memref_slice %arg5[%add3A_25] : memref<327680xi32, #tpu.memory_space<hbm>> -> memref<128xi32, #tpu.memory_space<hbm>>
        %dma_wait3A_70 = arith.constant 0 : i32
        %dma_wait3A_71 = tpu.memref_slice %arg8[%run_scoped3A_26, %dma_wait3A_70] : memref<1x128xi32, #tpu.memory_space<vmem>> -> memref<1x128xi32, #tpu.memory_space<vmem>>
        %dma_wait3A_72 = tpu.memref_squeeze %dma_wait3A_71 : memref<1x128xi32, #tpu.memory_space<vmem>> -> memref<128xi32, #tpu.memory_space<vmem>>
        %dma_wait3A_73 = tpu.memref_slice %arg5[%add3A_25] : memref<327680xi32, #tpu.memory_space<hbm>> -> memref<128xi32, #tpu.memory_space<hbm>>
        tpu.wait_dma2 semaphore(%run_scoped3A_57 : memref<!tpu.dma_semaphore, #tpu.memory_space<semaphore_mem>>) src(%dma_wait3A_73 : memref<128xi32, #tpu.memory_space<hbm>>) dst(%dma_wait3A_72 : memref<128xi32, #tpu.memory_space<vmem>>)
        tpu.yield
      }) : () -> ()
      %run_scoped3A_27 = arith.constant 0 : i32
      "tpu.region"() ({
        %run_scoped3A_57 = tpu.sem_alloc : memref<!tpu.dma_semaphore, #tpu.memory_space<semaphore_mem>>
        %dma_start3A_58 = arith.constant 0 : i32
        %dma_start3A_59 = arith.constant 0 : i32
        %dma_start3A_60 = tpu.memref_slice %arg10[%run_scoped3A_27, %dma_start3A_58, %dma_start3A_59] : memref<1x128x64xf32, #tpu.memory_space<vmem>> -> memref<1x128x64xf32, #tpu.memory_space<vmem>>
        %dma_start3A_61 = tpu.memref_squeeze %dma_start3A_60 : memref<1x128x64xf32, #tpu.memory_space<vmem>> -> memref<128x64xf32, #tpu.memory_space<vmem>>
        %dma_start3A_62 = arith.constant 0 : i32
        %dma_start3A_63 = tpu.memref_slice %arg3[%add3A_25, %dma_start3A_62] : memref<327680x64xf32, #tpu.memory_space<hbm>> -> memref<128x64xf32, #tpu.memory_space<hbm>>
        %dma_start3A_64 = arith.constant 0 : i32
        %dma_start3A_65 = arith.constant 0 : i32
        %dma_start3A_66 = tpu.memref_slice %arg10[%run_scoped3A_27, %dma_start3A_64, %dma_start3A_65] : memref<1x128x64xf32, #tpu.memory_space<vmem>> -> memref<1x128x64xf32, #tpu.memory_space<vmem>>
        %dma_start3A_67 = tpu.memref_squeeze %dma_start3A_66 : memref<1x128x64xf32, #tpu.memory_space<vmem>> -> memref<128x64xf32, #tpu.memory_space<vmem>>
        %dma_start3A_68 = arith.constant 0 : i32
        %dma_start3A_69 = tpu.memref_slice %arg3[%add3A_25, %dma_start3A_68] : memref<327680x64xf32, #tpu.memory_space<hbm>> -> memref<128x64xf32, #tpu.memory_space<hbm>>
        tpu.enqueue_dma source(%dma_start3A_69 : memref<128x64xf32, #tpu.memory_space<hbm>>) target(%dma_start3A_67 : memref<128x64xf32, #tpu.memory_space<vmem>>) target_semaphore(%run_scoped3A_57 : memref<!tpu.dma_semaphore, #tpu.memory_space<semaphore_mem>>)
        %dma_wait3A_70 = arith.constant 0 : i32
        %dma_wait3A_71 = arith.constant 0 : i32
        %dma_wait3A_72 = tpu.memref_slice %arg10[%run_scoped3A_27, %dma_wait3A_70, %dma_wait3A_71] : memref<1x128x64xf32, #tpu.memory_space<vmem>> -> memref<1x128x64xf32, #tpu.memory_space<vmem>>
        %dma_wait3A_73 = tpu.memref_squeeze %dma_wait3A_72 : memref<1x128x64xf32, #tpu.memory_space<vmem>> -> memref<128x64xf32, #tpu.memory_space<vmem>>
        %dma_wait3A_74 = arith.constant 0 : i32
        %dma_wait3A_75 = tpu.memref_slice %arg3[%add3A_25, %dma_wait3A_74] : memref<327680x64xf32, #tpu.memory_space<hbm>> -> memref<128x64xf32, #tpu.memory_space<hbm>>
        %dma_wait3A_76 = arith.constant 0 : i32
        %dma_wait3A_77 = arith.constant 0 : i32
        %dma_wait3A_78 = tpu.memref_slice %arg10[%run_scoped3A_27, %dma_wait3A_76, %dma_wait3A_77] : memref<1x128x64xf32, #tpu.memory_space<vmem>> -> memref<1x128x64xf32, #tpu.memory_space<vmem>>
        %dma_wait3A_79 = tpu.memref_squeeze %dma_wait3A_78 : memref<1x128x64xf32, #tpu.memory_space<vmem>> -> memref<128x64xf32, #tpu.memory_space<vmem>>
        %dma_wait3A_80 = arith.constant 0 : i32
        %dma_wait3A_81 = tpu.memref_slice %arg3[%add3A_25, %dma_wait3A_80] : memref<327680x64xf32, #tpu.memory_space<hbm>> -> memref<128x64xf32, #tpu.memory_space<hbm>>
        tpu.wait_dma2 semaphore(%run_scoped3A_57 : memref<!tpu.dma_semaphore, #tpu.memory_space<semaphore_mem>>) src(%dma_wait3A_81 : memref<128x64xf32, #tpu.memory_space<hbm>>) dst(%dma_wait3A_79 : memref<128x64xf32, #tpu.memory_space<vmem>>)
        tpu.yield
      }) : () -> ()
      %dma_start3A = arith.constant 0 : i32
      %dma_start3A_28 = arith.constant 0 : i32
      %dma_start3A_29 = arith.constant 0 : i32
      %dma_start3A_30 = arith.constant 0 : i32
      %dma_start3A_31 = tpu.memref_slice %arg9[%dma_start3A_28, %dma_start3A_29, %dma_start3A_30] : memref<1x128x64xf32, #tpu.memory_space<vmem>> -> memref<1x128x64xf32, #tpu.memory_space<vmem>>
      %dma_start3A_32 = tpu.memref_squeeze %dma_start3A_31 : memref<1x128x64xf32, #tpu.memory_space<vmem>> -> memref<128x64xf32, #tpu.memory_space<vmem>>
      %dma_start3A_33 = arith.constant 0 : i32
      %dma_start3A_34 = tpu.memref_slice %arg7[%dma_start3A, %dma_start3A_33] : memref<1x128xi32, #tpu.memory_space<vmem>> -> memref<1x128xi32, #tpu.memory_space<vmem>>
      %dma_start3A_35 = tpu.memref_squeeze %dma_start3A_34 : memref<1x128xi32, #tpu.memory_space<vmem>> -> memref<128xi32, #tpu.memory_space<vmem>>
      %dma_start3A_36 = arith.constant 0 : i32
      %dma_start3A_37 = arith.constant 0 : i32
      %dma_start3A_38 = tpu.memref_slice %arg2[%dma_start3A_36, %dma_start3A_37] : memref<10240x64xf32, #tpu.memory_space<hbm>> -> memref<10240x64xf32, #tpu.memory_space<hbm>>
      tpu.enqueue_indirect_dma source(%dma_start3A_38 : memref<10240x64xf32, #tpu.memory_space<hbm>>) target(%dma_start3A_32 : memref<128x64xf32, #tpu.memory_space<vmem>>) offsets(%dma_start3A_35 : memref<128xi32, #tpu.memory_space<vmem>>) semaphore(%arg13 : memref<!tpu.dma_semaphore, #tpu.memory_space<semaphore_mem>>)
      %dma_wait3A = arith.constant 0 : i32
      %dma_wait3A_39 = arith.constant 0 : i32
      %dma_wait3A_40 = arith.constant 0 : i32
      %dma_wait3A_41 = arith.constant 0 : i32
      %dma_wait3A_42 = tpu.memref_slice %arg9[%dma_wait3A_39, %dma_wait3A_40, %dma_wait3A_41] : memref<1x128x64xf32, #tpu.memory_space<vmem>> -> memref<1x128x64xf32, #tpu.memory_space<vmem>>
      %dma_wait3A_43 = tpu.memref_squeeze %dma_wait3A_42 : memref<1x128x64xf32, #tpu.memory_space<vmem>> -> memref<128x64xf32, #tpu.memory_space<vmem>>
      %dma_wait3A_44 = arith.constant 0 : i32
      %dma_wait3A_45 = tpu.memref_slice %arg7[%dma_wait3A, %dma_wait3A_44] : memref<1x128xi32, #tpu.memory_space<vmem>> -> memref<1x128xi32, #tpu.memory_space<vmem>>
      %dma_wait3A_46 = tpu.memref_squeeze %dma_wait3A_45 : memref<1x128xi32, #tpu.memory_space<vmem>> -> memref<128xi32, #tpu.memory_space<vmem>>
      %dma_wait3A_47 = arith.constant 0 : i32
      %dma_wait3A_48 = arith.constant 0 : i32
      %dma_wait3A_49 = tpu.memref_slice %arg2[%dma_wait3A_47, %dma_wait3A_48] : memref<10240x64xf32, #tpu.memory_space<hbm>> -> memref<10240x64xf32, #tpu.memory_space<hbm>>
      tpu.wait_indirect_dma semaphore(%arg13 : memref<!tpu.dma_semaphore, #tpu.memory_space<semaphore_mem>>) src(%dma_wait3A_49 : memref<10240x64xf32, #tpu.memory_space<hbm>>) dst(%dma_wait3A_43 : memref<128x64xf32, #tpu.memory_space<vmem>>)
      %scan3A_50 = arith.constant 0 : i32
      %scan3A_51 = arith.constant 128 : i32
      %scan3A_52 = arith.addi %scan3A_50, %scan3A_51 : i32
      %scan3A_53 = arith.constant 1 : i32
      scf.for %scan3A_57 = %scan3A_50 to %scan3A_52 step %scan3A_53  : i32 {
        %get3A = arith.constant 0 : i32
        %get3A_58 = arith.index_cast %get3A : i32 to index
        %get3A_59 = arith.index_cast %scan3A_57 : i32 to index
        %get3A_60 = arith.constant 0 : index
        %get3A_61 = tpu.vector_load %arg9[%get3A_58, %get3A_59, %get3A_60] {strides = array<i32>} : memref<1x128x64xf32, #tpu.memory_space<vmem>>, vector<1x1x16xf32>,
        %get3A_62 = vector.shape_cast %get3A_61 : vector<1x1x16xf32> to vector<16xf32>
        %get3A_63 = arith.constant 0 : i32
        %get3A_64 = arith.index_cast %get3A_63 : i32 to index
        %get3A_65 = arith.index_cast %scan3A_57 : i32 to index
        %get3A_66 = arith.constant 0 : index
        %get3A_67 = tpu.vector_load %arg10[%get3A_64, %get3A_65, %get3A_66] {strides = array<i32>} : memref<1x128x64xf32, #tpu.memory_space<vmem>>, vector<1x1x16xf32>,
        %get3A_68 = vector.shape_cast %get3A_67 : vector<1x1x16xf32> to vector<16xf32>
        %add3A_69 = arith.addf %get3A_62, %get3A_68 : vector<16xf32>
        %max3A = arith.constant 0.000000e+00 : f32
        %max3A_70 = vector.broadcast %max3A : f32 to vector<16xf32>
        %max3A_71 = arith.maximumf %add3A_69, %max3A_70 : vector<16xf32>
        %min3A = arith.constant 0.000000e+00 : f32
        %min3A_72 = vector.broadcast %min3A : f32 to vector<16xf32>
        %min3A_73 = arith.minimumf %add3A_69, %min3A_72 : vector<16xf32>
        %mul3A_74 = arith.constant 0.00999999977 : f32
        %mul3A_75 = vector.broadcast %mul3A_74 : f32 to vector<16xf32>
        %mul3A_76 = arith.mulf %mul3A_75, %min3A_73 : vector<16xf32>
        %add3A_77 = arith.addf %max3A_71, %mul3A_76 : vector<16xf32>
        %swap3A = arith.constant 0 : i32
        %swap3A_78 = arith.index_cast %swap3A : i32 to index
        %swap3A_79 = arith.index_cast %scan3A_57 : i32 to index
        %swap3A_80 = arith.constant 0 : index
        %swap3A_81 = tpu.vector_load %arg9[%swap3A_78, %swap3A_79, %swap3A_80] {strides = array<i32>} : memref<1x128x64xf32, #tpu.memory_space<vmem>>, vector<1x1x16xf32>,
        %swap3A_82 = vector.shape_cast %swap3A_81 : vector<1x1x16xf32> to vector<16xf32>
        %swap3A_83 = vector.shape_cast %add3A_77 : vector<16xf32> to vector<1x1x16xf32>
        tpu.vector_store %arg9[%swap3A_78, %swap3A_79, %swap3A_80], %swap3A_83 {strides = array<i32>} : memref<1x128x64xf32, #tpu.memory_space<vmem>>, vector<1x1x16xf32>,
        %get3A_84 = arith.constant 0 : i32
        %get3A_85 = arith.index_cast %get3A_84 : i32 to index
        %get3A_86 = arith.index_cast %scan3A_57 : i32 to index
        %get3A_87 = arith.constant 16 : index
        %get3A_88 = tpu.vector_load %arg9[%get3A_85, %get3A_86, %get3A_87] {strides = array<i32>} : memref<1x128x64xf32, #tpu.memory_space<vmem>>, vector<1x1x16xf32>,
        %get3A_89 = vector.shape_cast %get3A_88 : vector<1x1x16xf32> to vector<16xf32>
        %get3A_90 = arith.constant 0 : i32
        %get3A_91 = arith.index_cast %get3A_90 : i32 to index
        %get3A_92 = arith.index_cast %scan3A_57 : i32 to index
        %get3A_93 = arith.constant 16 : index
        %get3A_94 = tpu.vector_load %arg10[%get3A_91, %get3A_92, %get3A_93] {strides = array<i32>} : memref<1x128x64xf32, #tpu.memory_space<vmem>>, vector<1x1x16xf32>,
        %get3A_95 = vector.shape_cast %get3A_94 : vector<1x1x16xf32> to vector<16xf32>
        %add3A_96 = arith.addf %get3A_89, %get3A_95 : vector<16xf32>
        %max3A_97 = arith.constant 0.000000e+00 : f32
        %max3A_98 = vector.broadcast %max3A_97 : f32 to vector<16xf32>
        %max3A_99 = arith.maximumf %add3A_96, %max3A_98 : vector<16xf32>
        %min3A_100 = arith.constant 0.000000e+00 : f32
        %min3A_101 = vector.broadcast %min3A_100 : f32 to vector<16xf32>
        %min3A_102 = arith.minimumf %add3A_96, %min3A_101 : vector<16xf32>
        %mul3A_103 = arith.constant 0.00999999977 : f32
        %mul3A_104 = vector.broadcast %mul3A_103 : f32 to vector<16xf32>
        %mul3A_105 = arith.mulf %mul3A_104, %min3A_102 : vector<16xf32>
        %add3A_106 = arith.addf %max3A_99, %mul3A_105 : vector<16xf32>
        %swap3A_107 = arith.constant 0 : i32
        %swap3A_108 = arith.index_cast %swap3A_107 : i32 to index
        %swap3A_109 = arith.index_cast %scan3A_57 : i32 to index
        %swap3A_110 = arith.constant 16 : index
        %swap3A_111 = tpu.vector_load %arg9[%swap3A_108, %swap3A_109, %swap3A_110] {strides = array<i32>} : memref<1x128x64xf32, #tpu.memory_space<vmem>>, vector<1x1x16xf32>,
        %swap3A_112 = vector.shape_cast %swap3A_111 : vector<1x1x16xf32> to vector<16xf32>
        %swap3A_113 = vector.shape_cast %add3A_106 : vector<16xf32> to vector<1x1x16xf32>
        tpu.vector_store %arg9[%swap3A_108, %swap3A_109, %swap3A_110], %swap3A_113 {strides = array<i32>} : memref<1x128x64xf32, #tpu.memory_space<vmem>>, vector<1x1x16xf32>,
        %get3A_114 = arith.constant 0 : i32
        %get3A_115 = arith.index_cast %get3A_114 : i32 to index
        %get3A_116 = arith.index_cast %scan3A_57 : i32 to index
        %get3A_117 = arith.constant 32 : index
        %get3A_118 = tpu.vector_load %arg9[%get3A_115, %get3A_116, %get3A_117] {strides = array<i32>} : memref<1x128x64xf32, #tpu.memory_space<vmem>>, vector<1x1x16xf32>,
        %get3A_119 = vector.shape_cast %get3A_118 : vector<1x1x16xf32> to vector<16xf32>
        %get3A_120 = arith.constant 0 : i32
        %get3A_121 = arith.index_cast %get3A_120 : i32 to index
        %get3A_122 = arith.index_cast %scan3A_57 : i32 to index
        %get3A_123 = arith.constant 32 : index
        %get3A_124 = tpu.vector_load %arg10[%get3A_121, %get3A_122, %get3A_123] {strides = array<i32>} : memref<1x128x64xf32, #tpu.memory_space<vmem>>, vector<1x1x16xf32>,
        %get3A_125 = vector.shape_cast %get3A_124 : vector<1x1x16xf32> to vector<16xf32>
        %add3A_126 = arith.addf %get3A_119, %get3A_125 : vector<16xf32>
        %max3A_127 = arith.constant 0.000000e+00 : f32
        %max3A_128 = vector.broadcast %max3A_127 : f32 to vector<16xf32>
        %max3A_129 = arith.maximumf %add3A_126, %max3A_128 : vector<16xf32>
        %min3A_130 = arith.constant 0.000000e+00 : f32
        %min3A_131 = vector.broadcast %min3A_130 : f32 to vector<16xf32>
        %min3A_132 = arith.minimumf %add3A_126, %min3A_131 : vector<16xf32>
        %mul3A_133 = arith.constant 0.00999999977 : f32
        %mul3A_134 = vector.broadcast %mul3A_133 : f32 to vector<16xf32>
        %mul3A_135 = arith.mulf %mul3A_134, %min3A_132 : vector<16xf32>
        %add3A_136 = arith.addf %max3A_129, %mul3A_135 : vector<16xf32>
        %swap3A_137 = arith.constant 0 : i32
        %swap3A_138 = arith.index_cast %swap3A_137 : i32 to index
        %swap3A_139 = arith.index_cast %scan3A_57 : i32 to index
        %swap3A_140 = arith.constant 32 : index
        %swap3A_141 = tpu.vector_load %arg9[%swap3A_138, %swap3A_139, %swap3A_140] {strides = array<i32>} : memref<1x128x64xf32, #tpu.memory_space<vmem>>, vector<1x1x16xf32>,
        %swap3A_142 = vector.shape_cast %swap3A_141 : vector<1x1x16xf32> to vector<16xf32>
        %swap3A_143 = vector.shape_cast %add3A_136 : vector<16xf32> to vector<1x1x16xf32>
        tpu.vector_store %arg9[%swap3A_138, %swap3A_139, %swap3A_140], %swap3A_143 {strides = array<i32>} : memref<1x128x64xf32, #tpu.memory_space<vmem>>, vector<1x1x16xf32>,
        %get3A_144 = arith.constant 0 : i32
        %get3A_145 = arith.index_cast %get3A_144 : i32 to index
        %get3A_146 = arith.index_cast %scan3A_57 : i32 to index
        %get3A_147 = arith.constant 48 : index
        %get3A_148 = tpu.vector_load %arg9[%get3A_145, %get3A_146, %get3A_147] {strides = array<i32>} : memref<1x128x64xf32, #tpu.memory_space<vmem>>, vector<1x1x16xf32>,
        %get3A_149 = vector.shape_cast %get3A_148 : vector<1x1x16xf32> to vector<16xf32>
        %get3A_150 = arith.constant 0 : i32
        %get3A_151 = arith.index_cast %get3A_150 : i32 to index
        %get3A_152 = arith.index_cast %scan3A_57 : i32 to index
        %get3A_153 = arith.constant 48 : index
        %get3A_154 = tpu.vector_load %arg10[%get3A_151, %get3A_152, %get3A_153] {strides = array<i32>} : memref<1x128x64xf32, #tpu.memory_space<vmem>>, vector<1x1x16xf32>,
        %get3A_155 = vector.shape_cast %get3A_154 : vector<1x1x16xf32> to vector<16xf32>
        %add3A_156 = arith.addf %get3A_149, %get3A_155 : vector<16xf32>
        %max3A_157 = arith.constant 0.000000e+00 : f32
        %max3A_158 = vector.broadcast %max3A_157 : f32 to vector<16xf32>
        %max3A_159 = arith.maximumf %add3A_156, %max3A_158 : vector<16xf32>
        %min3A_160 = arith.constant 0.000000e+00 : f32
        %min3A_161 = vector.broadcast %min3A_160 : f32 to vector<16xf32>
        %min3A_162 = arith.minimumf %add3A_156, %min3A_161 : vector<16xf32>
        %mul3A_163 = arith.constant 0.00999999977 : f32
        %mul3A_164 = vector.broadcast %mul3A_163 : f32 to vector<16xf32>
        %mul3A_165 = arith.mulf %mul3A_164, %min3A_162 : vector<16xf32>
        %add3A_166 = arith.addf %max3A_159, %mul3A_165 : vector<16xf32>
        %swap3A_167 = arith.constant 0 : i32
        %swap3A_168 = arith.index_cast %swap3A_167 : i32 to index
        %swap3A_169 = arith.index_cast %scan3A_57 : i32 to index
        %swap3A_170 = arith.constant 48 : index
        %swap3A_171 = tpu.vector_load %arg9[%swap3A_168, %swap3A_169, %swap3A_170] {strides = array<i32>} : memref<1x128x64xf32, #tpu.memory_space<vmem>>, vector<1x1x16xf32>,
        %swap3A_172 = vector.shape_cast %swap3A_171 : vector<1x1x16xf32> to vector<16xf32>
        %swap3A_173 = vector.shape_cast %add3A_166 : vector<16xf32> to vector<1x1x16xf32>
        tpu.vector_store %arg9[%swap3A_168, %swap3A_169, %swap3A_170], %swap3A_173 {strides = array<i32>} : memref<1x128x64xf32, #tpu.memory_space<vmem>>, vector<1x1x16xf32>,
      }
      %scan3A_54 = arith.constant 128 : i32
      %run_scoped3A_55 = arith.constant 0 : i32
      %run_scoped3A_56 = arith.constant 0 : i32
      "tpu.region"() ({
        %run_scoped3A_57 = tpu.sem_alloc : memref<!tpu.dma_semaphore, #tpu.memory_space<semaphore_mem>>
        %dma_start3A_58 = arith.constant 0 : i32
        %dma_start3A_59 = arith.constant 0 : i32
        %dma_start3A_60 = tpu.memref_slice %arg9[%run_scoped3A_55, %dma_start3A_58, %dma_start3A_59] : memref<1x128x64xf32, #tpu.memory_space<vmem>> -> memref<1x128x64xf32, #tpu.memory_space<vmem>>
        %dma_start3A_61 = tpu.memref_squeeze %dma_start3A_60 : memref<1x128x64xf32, #tpu.memory_space<vmem>> -> memref<128x64xf32, #tpu.memory_space<vmem>>
        %dma_start3A_62 = arith.constant 0 : i32
        %dma_start3A_63 = tpu.memref_slice %arg8[%run_scoped3A_56, %dma_start3A_62] : memref<1x128xi32, #tpu.memory_space<vmem>> -> memref<1x128xi32, #tpu.memory_space<vmem>>
        %dma_start3A_64 = tpu.memref_squeeze %dma_start3A_63 : memref<1x128xi32, #tpu.memory_space<vmem>> -> memref<128xi32, #tpu.memory_space<vmem>>
        %dma_start3A_65 = arith.constant 0 : i32
        %dma_start3A_66 = arith.constant 0 : i32
        %dma_start3A_67 = tpu.memref_slice %arg12[%dma_start3A_65, %dma_start3A_66] : memref<10240x64xf32, #tpu.memory_space<vmem_shared>> -> memref<10240x64xf32, #tpu.memory_space<vmem_shared>>
        tpu.enqueue_indirect_dma source(%dma_start3A_61 : memref<128x64xf32, #tpu.memory_space<vmem>>) target(%dma_start3A_67 : memref<10240x64xf32, #tpu.memory_space<vmem_shared>>) offsets(%dma_start3A_64 : memref<128xi32, #tpu.memory_space<vmem>>) semaphore(%run_scoped3A_57 : memref<!tpu.dma_semaphore, #tpu.memory_space<semaphore_mem>>) {add = true}
        %dma_wait3A_68 = arith.constant 0 : i32
        %dma_wait3A_69 = arith.constant 0 : i32
        %dma_wait3A_70 = tpu.memref_slice %arg9[%run_scoped3A_55, %dma_wait3A_68, %dma_wait3A_69] : memref<1x128x64xf32, #tpu.memory_space<vmem>> -> memref<1x128x64xf32, #tpu.memory_space<vmem>>
        %dma_wait3A_71 = tpu.memref_squeeze %dma_wait3A_70 : memref<1x128x64xf32, #tpu.memory_space<vmem>> -> memref<128x64xf32, #tpu.memory_space<vmem>>
        %dma_wait3A_72 = arith.constant 0 : i32
        %dma_wait3A_73 = tpu.memref_slice %arg8[%run_scoped3A_56, %dma_wait3A_72] : memref<1x128xi32, #tpu.memory_space<vmem>> -> memref<1x128xi32, #tpu.memory_space<vmem>>
        %dma_wait3A_74 = tpu.memref_squeeze %dma_wait3A_73 : memref<1x128xi32, #tpu.memory_space<vmem>> -> memref<128xi32, #tpu.memory_space<vmem>>
        %dma_wait3A_75 = arith.constant 0 : i32
        %dma_wait3A_76 = arith.constant 0 : i32
        %dma_wait3A_77 = tpu.memref_slice %arg12[%dma_wait3A_75, %dma_wait3A_76] : memref<10240x64xf32, #tpu.memory_space<vmem_shared>> -> memref<10240x64xf32, #tpu.memory_space<vmem_shared>>
        tpu.wait_indirect_dma semaphore(%run_scoped3A_57 : memref<!tpu.dma_semaphore, #tpu.memory_space<semaphore_mem>>) src(%dma_wait3A_71 : memref<128x64xf32, #tpu.memory_space<vmem>>) dst(%dma_wait3A_77 : memref<10240x64xf32, #tpu.memory_space<vmem_shared>>)
        tpu.yield
      }) : () -> ()
    }
    %scan3A_16 = arith.constant 80 : i32
    %barrier3A_17 = arith.constant 0 : index
    tpu.barrier barrier_id(%barrier3A_17)
    %mul3A_18 = arith.constant 640 : i32
    %mul3A_19 = arith.muli %arg1, %mul3A_18 : i32
    %mul3A_20 = arith.constant 640 : i32
    %mul3A_21 = arith.muli %arg1, %mul3A_20 : i32
    "tpu.region"() ({
      %run_scoped3A = tpu.sem_alloc : memref<!tpu.dma_semaphore, #tpu.memory_space<semaphore_mem>>
      %dma_start3A = arith.constant 0 : i32
      %dma_start3A_22 = tpu.memref_slice %arg6[%arg0, %mul3A_21, %dma_start3A] : memref<2x10240x64xf32, #tpu.memory_space<hbm>> -> memref<1x640x64xf32, #tpu.memory_space<hbm>>
      %dma_start3A_23 = tpu.memref_squeeze %dma_start3A_22 : memref<1x640x64xf32, #tpu.memory_space<hbm>> -> memref<640x64xf32, #tpu.memory_space<hbm>>
      %dma_start3A_24 = arith.constant 0 : i32
      %dma_start3A_25 = tpu.memref_slice %arg12[%mul3A_19, %dma_start3A_24] : memref<10240x64xf32, #tpu.memory_space<vmem_shared>> -> memref<640x64xf32, #tpu.memory_space<vmem_shared>>
      tpu.enqueue_dma source(%dma_start3A_25 : memref<640x64xf32, #tpu.memory_space<vmem_shared>>) target(%dma_start3A_23 : memref<640x64xf32, #tpu.memory_space<hbm>>) target_semaphore(%run_scoped3A : memref<!tpu.dma_semaphore, #tpu.memory_space<semaphore_mem>>)
      %dma_wait3A = arith.constant 0 : i32
      %dma_wait3A_26 = tpu.memref_slice %arg6[%arg0, %mul3A_21, %dma_wait3A] : memref<2x10240x64xf32, #tpu.memory_space<hbm>> -> memref<1x640x64xf32, #tpu.memory_space<hbm>>
      %dma_wait3A_27 = tpu.memref_squeeze %dma_wait3A_26 : memref<1x640x64xf32, #tpu.memory_space<hbm>> -> memref<640x64xf32, #tpu.memory_space<hbm>>
      %dma_wait3A_28 = arith.constant 0 : i32
      %dma_wait3A_29 = tpu.memref_slice %arg12[%mul3A_19, %dma_wait3A_28] : memref<10240x64xf32, #tpu.memory_space<vmem_shared>> -> memref<640x64xf32, #tpu.memory_space<vmem_shared>>
      tpu.wait_dma2 semaphore(%run_scoped3A : memref<!tpu.dma_semaphore, #tpu.memory_space<semaphore_mem>>) src(%dma_wait3A_29 : memref<640x64xf32, #tpu.memory_space<vmem_shared>>) dst(%dma_wait3A_27 : memref<640x64xf32, #tpu.memory_space<hbm>>)
      tpu.yield
    }) : () -> ()
    return
  }
}

#map = affine_map<(d0, d1) -> (0, 0)>
#map1 = affine_map<(d0, d1) -> (0)>
#map2 = affine_map<(d0, d1) -> (0, 0, 0)>
module attributes {stable_mosaic.version = 14 : i64} {
  func.func @_edge_body(%arg0: i32, %arg1: i32, %arg2: memref<10240x64xf32, #tpu.memory_space<hbm>>, %arg3: memref<327680x64xf32, #tpu.memory_space<hbm>>, %arg4: memref<327680xi32, #tpu.memory_space<hbm>>, %arg5: memref<327680xi32, #tpu.memory_space<hbm>>, %arg6: memref<2x10240x64xf32, #tpu.memory_space<hbm>>, %arg7: memref<1x128xi32, #tpu.memory_space<vmem>>, %arg8: memref<1x128xi32, #tpu.memory_space<vmem>>, %arg9: memref<1x128x64xf32, #tpu.memory_space<vmem>>, %arg10: memref<1x128x64xf32, #tpu.memory_space<vmem>>, %arg11: memref<128x64xf32, #tpu.memory_space<vmem>>, %arg12: memref<10240x64xf32, #tpu.memory_space<vmem_shared>>, %arg13: memref<!tpu.dma_semaphore, #tpu.memory_space<semaphore_mem>>) attributes {dimension_semantics = [#tpu.dimension_semantics<core_parallel>, #tpu.dimension_semantics<subcore_parallel>], iteration_bounds = array<i64: 2, 16>, scalar_prefetch = 0 : i64, scratch_operands = 7 : i64, tpu.core_type = #tpu.core_type<sc_vector_subcore>, window_params = [{transform_indices = #map}, {transform_indices = #map}, {transform_indices = #map1}, {transform_indices = #map1}, {transform_indices = #map2}]} {
    %mul3A = arith.constant 2 : i32
    %mul3A_0 = arith.muli %arg1, %mul3A : i32
    %add3A = arith.addi %mul3A_0, %arg0 : i32
    %scan3A = arith.constant 0 : i32
    %scan3A_1 = arith.constant 128 : i32
    %scan3A_2 = arith.addi %scan3A, %scan3A_1 : i32
    %scan3A_3 = arith.constant 1 : i32
    scf.for %scan3A_22 = %scan3A to %scan3A_2 step %scan3A_3  : i32 {
      %broadcast_in_dim3A = arith.constant 0.000000e+00 : f32
      %broadcast_in_dim3A_23 = vector.broadcast %broadcast_in_dim3A : f32 to vector<16xf32>
      %swap3A = arith.index_cast %scan3A_22 : i32 to index
      %swap3A_24 = arith.constant 0 : index
      %swap3A_25 = tpu.vector_load %arg11[%swap3A, %swap3A_24] {strides = array<i32>} : memref<128x64xf32, #tpu.memory_space<vmem>>, vector<1x16xf32>,
      %swap3A_26 = vector.shape_cast %swap3A_25 : vector<1x16xf32> to vector<16xf32>
      %swap3A_27 = vector.shape_cast %broadcast_in_dim3A_23 : vector<16xf32> to vector<1x16xf32>
      tpu.vector_store %arg11[%swap3A, %swap3A_24], %swap3A_27 {strides = array<i32>} : memref<128x64xf32, #tpu.memory_space<vmem>>, vector<1x16xf32>,
      %broadcast_in_dim3A_28 = arith.constant 0.000000e+00 : f32
      %broadcast_in_dim3A_29 = vector.broadcast %broadcast_in_dim3A_28 : f32 to vector<16xf32>
      %swap3A_30 = arith.index_cast %scan3A_22 : i32 to index
      %swap3A_31 = arith.constant 16 : index
      %swap3A_32 = tpu.vector_load %arg11[%swap3A_30, %swap3A_31] {strides = array<i32>} : memref<128x64xf32, #tpu.memory_space<vmem>>, vector<1x16xf32>,
      %swap3A_33 = vector.shape_cast %swap3A_32 : vector<1x16xf32> to vector<16xf32>
      %swap3A_34 = vector.shape_cast %broadcast_in_dim3A_29 : vector<16xf32> to vector<1x16xf32>
      tpu.vector_store %arg11[%swap3A_30, %swap3A_31], %swap3A_34 {strides = array<i32>} : memref<128x64xf32, #tpu.memory_space<vmem>>, vector<1x16xf32>,
      %broadcast_in_dim3A_35 = arith.constant 0.000000e+00 : f32
      %broadcast_in_dim3A_36 = vector.broadcast %broadcast_in_dim3A_35 : f32 to vector<16xf32>
      %swap3A_37 = arith.index_cast %scan3A_22 : i32 to index
      %swap3A_38 = arith.constant 32 : index
      %swap3A_39 = tpu.vector_load %arg11[%swap3A_37, %swap3A_38] {strides = array<i32>} : memref<128x64xf32, #tpu.memory_space<vmem>>, vector<1x16xf32>,
      %swap3A_40 = vector.shape_cast %swap3A_39 : vector<1x16xf32> to vector<16xf32>
      %swap3A_41 = vector.shape_cast %broadcast_in_dim3A_36 : vector<16xf32> to vector<1x16xf32>
      tpu.vector_store %arg11[%swap3A_37, %swap3A_38], %swap3A_41 {strides = array<i32>} : memref<128x64xf32, #tpu.memory_space<vmem>>, vector<1x16xf32>,
      %broadcast_in_dim3A_42 = arith.constant 0.000000e+00 : f32
      %broadcast_in_dim3A_43 = vector.broadcast %broadcast_in_dim3A_42 : f32 to vector<16xf32>
      %swap3A_44 = arith.index_cast %scan3A_22 : i32 to index
      %swap3A_45 = arith.constant 48 : index
      %swap3A_46 = tpu.vector_load %arg11[%swap3A_44, %swap3A_45] {strides = array<i32>} : memref<128x64xf32, #tpu.memory_space<vmem>>, vector<1x16xf32>,
      %swap3A_47 = vector.shape_cast %swap3A_46 : vector<1x16xf32> to vector<16xf32>
      %swap3A_48 = vector.shape_cast %broadcast_in_dim3A_43 : vector<16xf32> to vector<1x16xf32>
      tpu.vector_store %arg11[%swap3A_44, %swap3A_45], %swap3A_48 {strides = array<i32>} : memref<128x64xf32, #tpu.memory_space<vmem>>, vector<1x16xf32>,
    }
    %scan3A_4 = arith.constant 128 : i32
    %scan3A_5 = arith.constant 0 : i32
    %scan3A_6 = arith.constant 5 : i32
    %scan3A_7 = arith.addi %scan3A_5, %scan3A_6 : i32
    %scan3A_8 = arith.constant 1 : i32
    scf.for %scan3A_22 = %scan3A_5 to %scan3A_7 step %scan3A_8  : i32 {
      %mul3A_23 = arith.constant 640 : i32
      %mul3A_24 = arith.muli %arg1, %mul3A_23 : i32
      %mul3A_25 = arith.constant 128 : i32
      %mul3A_26 = arith.muli %scan3A_22, %mul3A_25 : i32
      %add3A_27 = arith.addi %mul3A_24, %mul3A_26 : i32
      "tpu.region"() ({
        %run_scoped3A = tpu.sem_alloc : memref<!tpu.dma_semaphore, #tpu.memory_space<semaphore_mem>>
        %dma_start3A = arith.constant 0 : i32
        %dma_start3A_28 = tpu.memref_slice %arg12[%add3A_27, %dma_start3A] : memref<10240x64xf32, #tpu.memory_space<vmem_shared>> -> memref<128x64xf32, #tpu.memory_space<vmem_shared>>
        %dma_start3A_29 = arith.constant 0 : i32
        %dma_start3A_30 = tpu.memref_slice %arg12[%add3A_27, %dma_start3A_29] : memref<10240x64xf32, #tpu.memory_space<vmem_shared>> -> memref<128x64xf32, #tpu.memory_space<vmem_shared>>
        tpu.enqueue_dma source(%arg11 : memref<128x64xf32, #tpu.memory_space<vmem>>) target(%dma_start3A_30 : memref<128x64xf32, #tpu.memory_space<vmem_shared>>) target_semaphore(%run_scoped3A : memref<!tpu.dma_semaphore, #tpu.memory_space<semaphore_mem>>)
        %dma_wait3A = arith.constant 0 : i32
        %dma_wait3A_31 = tpu.memref_slice %arg12[%add3A_27, %dma_wait3A] : memref<10240x64xf32, #tpu.memory_space<vmem_shared>> -> memref<128x64xf32, #tpu.memory_space<vmem_shared>>
        %dma_wait3A_32 = arith.constant 0 : i32
        %dma_wait3A_33 = tpu.memref_slice %arg12[%add3A_27, %dma_wait3A_32] : memref<10240x64xf32, #tpu.memory_space<vmem_shared>> -> memref<128x64xf32, #tpu.memory_space<vmem_shared>>
        tpu.wait_dma2 semaphore(%run_scoped3A : memref<!tpu.dma_semaphore, #tpu.memory_space<semaphore_mem>>) src(%arg11 : memref<128x64xf32, #tpu.memory_space<vmem>>) dst(%dma_wait3A_33 : memref<128x64xf32, #tpu.memory_space<vmem_shared>>)
        tpu.yield
      }) : () -> ()
    }
    %scan3A_9 = arith.constant 5 : i32
    %barrier3A = arith.constant 0 : index
    tpu.barrier barrier_id(%barrier3A)
    %mul3A_10 = arith.constant 10240 : i32
    %mul3A_11 = arith.muli %add3A, %mul3A_10 : i32
    %scan3A_12 = arith.constant 0 : i32
    %scan3A_13 = arith.constant 80 : i32
    %scan3A_14 = arith.addi %scan3A_12, %scan3A_13 : i32
    %scan3A_15 = arith.constant 1 : i32
    scf.for %scan3A_22 = %scan3A_12 to %scan3A_14 step %scan3A_15  : i32 {
      %mul3A_23 = arith.constant 128 : i32
      %mul3A_24 = arith.muli %scan3A_22, %mul3A_23 : i32
      %add3A_25 = arith.addi %mul3A_11, %mul3A_24 : i32
      %run_scoped3A = arith.constant 0 : i32
      "tpu.region"() ({
        %run_scoped3A_57 = tpu.sem_alloc : memref<!tpu.dma_semaphore, #tpu.memory_space<semaphore_mem>>
        %dma_start3A_58 = arith.constant 0 : i32
        %dma_start3A_59 = tpu.memref_slice %arg7[%run_scoped3A, %dma_start3A_58] : memref<1x128xi32, #tpu.memory_space<vmem>> -> memref<1x128xi32, #tpu.memory_space<vmem>>
        %dma_start3A_60 = tpu.memref_squeeze %dma_start3A_59 : memref<1x128xi32, #tpu.memory_space<vmem>> -> memref<128xi32, #tpu.memory_space<vmem>>
        %dma_start3A_61 = tpu.memref_slice %arg4[%add3A_25] : memref<327680xi32, #tpu.memory_space<hbm>> -> memref<128xi32, #tpu.memory_space<hbm>>
        %dma_start3A_62 = arith.constant 0 : i32
        %dma_start3A_63 = tpu.memref_slice %arg7[%run_scoped3A, %dma_start3A_62] : memref<1x128xi32, #tpu.memory_space<vmem>> -> memref<1x128xi32, #tpu.memory_space<vmem>>
        %dma_start3A_64 = tpu.memref_squeeze %dma_start3A_63 : memref<1x128xi32, #tpu.memory_space<vmem>> -> memref<128xi32, #tpu.memory_space<vmem>>
        %dma_start3A_65 = tpu.memref_slice %arg4[%add3A_25] : memref<327680xi32, #tpu.memory_space<hbm>> -> memref<128xi32, #tpu.memory_space<hbm>>
        tpu.enqueue_dma source(%dma_start3A_65 : memref<128xi32, #tpu.memory_space<hbm>>) target(%dma_start3A_64 : memref<128xi32, #tpu.memory_space<vmem>>) target_semaphore(%run_scoped3A_57 : memref<!tpu.dma_semaphore, #tpu.memory_space<semaphore_mem>>)
        %dma_wait3A_66 = arith.constant 0 : i32
        %dma_wait3A_67 = tpu.memref_slice %arg7[%run_scoped3A, %dma_wait3A_66] : memref<1x128xi32, #tpu.memory_space<vmem>> -> memref<1x128xi32, #tpu.memory_space<vmem>>
        %dma_wait3A_68 = tpu.memref_squeeze %dma_wait3A_67 : memref<1x128xi32, #tpu.memory_space<vmem>> -> memref<128xi32, #tpu.memory_space<vmem>>
        %dma_wait3A_69 = tpu.memref_slice %arg4[%add3A_25] : memref<327680xi32, #tpu.memory_space<hbm>> -> memref<128xi32, #tpu.memory_space<hbm>>
        %dma_wait3A_70 = arith.constant 0 : i32
        %dma_wait3A_71 = tpu.memref_slice %arg7[%run_scoped3A, %dma_wait3A_70] : memref<1x128xi32, #tpu.memory_space<vmem>> -> memref<1x128xi32, #tpu.memory_space<vmem>>
        %dma_wait3A_72 = tpu.memref_squeeze %dma_wait3A_71 : memref<1x128xi32, #tpu.memory_space<vmem>> -> memref<128xi32, #tpu.memory_space<vmem>>
        %dma_wait3A_73 = tpu.memref_slice %arg4[%add3A_25] : memref<327680xi32, #tpu.memory_space<hbm>> -> memref<128xi32, #tpu.memory_space<hbm>>
        tpu.wait_dma2 semaphore(%run_scoped3A_57 : memref<!tpu.dma_semaphore, #tpu.memory_space<semaphore_mem>>) src(%dma_wait3A_73 : memref<128xi32, #tpu.memory_space<hbm>>) dst(%dma_wait3A_72 : memref<128xi32, #tpu.memory_space<vmem>>)
        tpu.yield
      }) : () -> ()
      %run_scoped3A_26 = arith.constant 0 : i32
      "tpu.region"() ({
        %run_scoped3A_57 = tpu.sem_alloc : memref<!tpu.dma_semaphore, #tpu.memory_space<semaphore_mem>>
        %dma_start3A_58 = arith.constant 0 : i32
        %dma_start3A_59 = tpu.memref_slice %arg8[%run_scoped3A_26, %dma_start3A_58] : memref<1x128xi32, #tpu.memory_space<vmem>> -> memref<1x128xi32, #tpu.memory_space<vmem>>
        %dma_start3A_60 = tpu.memref_squeeze %dma_start3A_59 : memref<1x128xi32, #tpu.memory_space<vmem>> -> memref<128xi32, #tpu.memory_space<vmem>>
        %dma_start3A_61 = tpu.memref_slice %arg5[%add3A_25] : memref<327680xi32, #tpu.memory_space<hbm>> -> memref<128xi32, #tpu.memory_space<hbm>>
        %dma_start3A_62 = arith.constant 0 : i32
        %dma_start3A_63 = tpu.memref_slice %arg8[%run_scoped3A_26, %dma_start3A_62] : memref<1x128xi32, #tpu.memory_space<vmem>> -> memref<1x128xi32, #tpu.memory_space<vmem>>
        %dma_start3A_64 = tpu.memref_squeeze %dma_start3A_63 : memref<1x128xi32, #tpu.memory_space<vmem>> -> memref<128xi32, #tpu.memory_space<vmem>>
        %dma_start3A_65 = tpu.memref_slice %arg5[%add3A_25] : memref<327680xi32, #tpu.memory_space<hbm>> -> memref<128xi32, #tpu.memory_space<hbm>>
        tpu.enqueue_dma source(%dma_start3A_65 : memref<128xi32, #tpu.memory_space<hbm>>) target(%dma_start3A_64 : memref<128xi32, #tpu.memory_space<vmem>>) target_semaphore(%run_scoped3A_57 : memref<!tpu.dma_semaphore, #tpu.memory_space<semaphore_mem>>)
        %dma_wait3A_66 = arith.constant 0 : i32
        %dma_wait3A_67 = tpu.memref_slice %arg8[%run_scoped3A_26, %dma_wait3A_66] : memref<1x128xi32, #tpu.memory_space<vmem>> -> memref<1x128xi32, #tpu.memory_space<vmem>>
        %dma_wait3A_68 = tpu.memref_squeeze %dma_wait3A_67 : memref<1x128xi32, #tpu.memory_space<vmem>> -> memref<128xi32, #tpu.memory_space<vmem>>
        %dma_wait3A_69 = tpu.memref_slice %arg5[%add3A_25] : memref<327680xi32, #tpu.memory_space<hbm>> -> memref<128xi32, #tpu.memory_space<hbm>>
        %dma_wait3A_70 = arith.constant 0 : i32
        %dma_wait3A_71 = tpu.memref_slice %arg8[%run_scoped3A_26, %dma_wait3A_70] : memref<1x128xi32, #tpu.memory_space<vmem>> -> memref<1x128xi32, #tpu.memory_space<vmem>>
        %dma_wait3A_72 = tpu.memref_squeeze %dma_wait3A_71 : memref<1x128xi32, #tpu.memory_space<vmem>> -> memref<128xi32, #tpu.memory_space<vmem>>
        %dma_wait3A_73 = tpu.memref_slice %arg5[%add3A_25] : memref<327680xi32, #tpu.memory_space<hbm>> -> memref<128xi32, #tpu.memory_space<hbm>>
        tpu.wait_dma2 semaphore(%run_scoped3A_57 : memref<!tpu.dma_semaphore, #tpu.memory_space<semaphore_mem>>) src(%dma_wait3A_73 : memref<128xi32, #tpu.memory_space<hbm>>) dst(%dma_wait3A_72 : memref<128xi32, #tpu.memory_space<vmem>>)
        tpu.yield
      }) : () -> ()
      %run_scoped3A_27 = arith.constant 0 : i32
      "tpu.region"() ({
        %run_scoped3A_57 = tpu.sem_alloc : memref<!tpu.dma_semaphore, #tpu.memory_space<semaphore_mem>>
        %dma_start3A_58 = arith.constant 0 : i32
        %dma_start3A_59 = arith.constant 0 : i32
        %dma_start3A_60 = tpu.memref_slice %arg10[%run_scoped3A_27, %dma_start3A_58, %dma_start3A_59] : memref<1x128x64xf32, #tpu.memory_space<vmem>> -> memref<1x128x64xf32, #tpu.memory_space<vmem>>
        %dma_start3A_61 = tpu.memref_squeeze %dma_start3A_60 : memref<1x128x64xf32, #tpu.memory_space<vmem>> -> memref<128x64xf32, #tpu.memory_space<vmem>>
        %dma_start3A_62 = arith.constant 0 : i32
        %dma_start3A_63 = tpu.memref_slice %arg3[%add3A_25, %dma_start3A_62] : memref<327680x64xf32, #tpu.memory_space<hbm>> -> memref<128x64xf32, #tpu.memory_space<hbm>>
        %dma_start3A_64 = arith.constant 0 : i32
        %dma_start3A_65 = arith.constant 0 : i32
        %dma_start3A_66 = tpu.memref_slice %arg10[%run_scoped3A_27, %dma_start3A_64, %dma_start3A_65] : memref<1x128x64xf32, #tpu.memory_space<vmem>> -> memref<1x128x64xf32, #tpu.memory_space<vmem>>
        %dma_start3A_67 = tpu.memref_squeeze %dma_start3A_66 : memref<1x128x64xf32, #tpu.memory_space<vmem>> -> memref<128x64xf32, #tpu.memory_space<vmem>>
        %dma_start3A_68 = arith.constant 0 : i32
        %dma_start3A_69 = tpu.memref_slice %arg3[%add3A_25, %dma_start3A_68] : memref<327680x64xf32, #tpu.memory_space<hbm>> -> memref<128x64xf32, #tpu.memory_space<hbm>>
        tpu.enqueue_dma source(%dma_start3A_69 : memref<128x64xf32, #tpu.memory_space<hbm>>) target(%dma_start3A_67 : memref<128x64xf32, #tpu.memory_space<vmem>>) target_semaphore(%run_scoped3A_57 : memref<!tpu.dma_semaphore, #tpu.memory_space<semaphore_mem>>)
        %dma_wait3A_70 = arith.constant 0 : i32
        %dma_wait3A_71 = arith.constant 0 : i32
        %dma_wait3A_72 = tpu.memref_slice %arg10[%run_scoped3A_27, %dma_wait3A_70, %dma_wait3A_71] : memref<1x128x64xf32, #tpu.memory_space<vmem>> -> memref<1x128x64xf32, #tpu.memory_space<vmem>>
        %dma_wait3A_73 = tpu.memref_squeeze %dma_wait3A_72 : memref<1x128x64xf32, #tpu.memory_space<vmem>> -> memref<128x64xf32, #tpu.memory_space<vmem>>
        %dma_wait3A_74 = arith.constant 0 : i32
        %dma_wait3A_75 = tpu.memref_slice %arg3[%add3A_25, %dma_wait3A_74] : memref<327680x64xf32, #tpu.memory_space<hbm>> -> memref<128x64xf32, #tpu.memory_space<hbm>>
        %dma_wait3A_76 = arith.constant 0 : i32
        %dma_wait3A_77 = arith.constant 0 : i32
        %dma_wait3A_78 = tpu.memref_slice %arg10[%run_scoped3A_27, %dma_wait3A_76, %dma_wait3A_77] : memref<1x128x64xf32, #tpu.memory_space<vmem>> -> memref<1x128x64xf32, #tpu.memory_space<vmem>>
        %dma_wait3A_79 = tpu.memref_squeeze %dma_wait3A_78 : memref<1x128x64xf32, #tpu.memory_space<vmem>> -> memref<128x64xf32, #tpu.memory_space<vmem>>
        %dma_wait3A_80 = arith.constant 0 : i32
        %dma_wait3A_81 = tpu.memref_slice %arg3[%add3A_25, %dma_wait3A_80] : memref<327680x64xf32, #tpu.memory_space<hbm>> -> memref<128x64xf32, #tpu.memory_space<hbm>>
        tpu.wait_dma2 semaphore(%run_scoped3A_57 : memref<!tpu.dma_semaphore, #tpu.memory_space<semaphore_mem>>) src(%dma_wait3A_81 : memref<128x64xf32, #tpu.memory_space<hbm>>) dst(%dma_wait3A_79 : memref<128x64xf32, #tpu.memory_space<vmem>>)
        tpu.yield
      }) : () -> ()
      %dma_start3A = arith.constant 0 : i32
      %dma_start3A_28 = arith.constant 0 : i32
      %dma_start3A_29 = arith.constant 0 : i32
      %dma_start3A_30 = arith.constant 0 : i32
      %dma_start3A_31 = tpu.memref_slice %arg9[%dma_start3A_28, %dma_start3A_29, %dma_start3A_30] : memref<1x128x64xf32, #tpu.memory_space<vmem>> -> memref<1x128x64xf32, #tpu.memory_space<vmem>>
      %dma_start3A_32 = tpu.memref_squeeze %dma_start3A_31 : memref<1x128x64xf32, #tpu.memory_space<vmem>> -> memref<128x64xf32, #tpu.memory_space<vmem>>
      %dma_start3A_33 = arith.constant 0 : i32
      %dma_start3A_34 = tpu.memref_slice %arg7[%dma_start3A, %dma_start3A_33] : memref<1x128xi32, #tpu.memory_space<vmem>> -> memref<1x128xi32, #tpu.memory_space<vmem>>
      %dma_start3A_35 = tpu.memref_squeeze %dma_start3A_34 : memref<1x128xi32, #tpu.memory_space<vmem>> -> memref<128xi32, #tpu.memory_space<vmem>>
      %dma_start3A_36 = arith.constant 0 : i32
      %dma_start3A_37 = arith.constant 0 : i32
      %dma_start3A_38 = tpu.memref_slice %arg2[%dma_start3A_36, %dma_start3A_37] : memref<10240x64xf32, #tpu.memory_space<hbm>> -> memref<10240x64xf32, #tpu.memory_space<hbm>>
      tpu.enqueue_indirect_dma source(%dma_start3A_38 : memref<10240x64xf32, #tpu.memory_space<hbm>>) target(%dma_start3A_32 : memref<128x64xf32, #tpu.memory_space<vmem>>) offsets(%dma_start3A_35 : memref<128xi32, #tpu.memory_space<vmem>>) semaphore(%arg13 : memref<!tpu.dma_semaphore, #tpu.memory_space<semaphore_mem>>)
      %dma_wait3A = arith.constant 0 : i32
      %dma_wait3A_39 = arith.constant 0 : i32
      %dma_wait3A_40 = arith.constant 0 : i32
      %dma_wait3A_41 = arith.constant 0 : i32
      %dma_wait3A_42 = tpu.memref_slice %arg9[%dma_wait3A_39, %dma_wait3A_40, %dma_wait3A_41] : memref<1x128x64xf32, #tpu.memory_space<vmem>> -> memref<1x128x64xf32, #tpu.memory_space<vmem>>
      %dma_wait3A_43 = tpu.memref_squeeze %dma_wait3A_42 : memref<1x128x64xf32, #tpu.memory_space<vmem>> -> memref<128x64xf32, #tpu.memory_space<vmem>>
      %dma_wait3A_44 = arith.constant 0 : i32
      %dma_wait3A_45 = tpu.memref_slice %arg7[%dma_wait3A, %dma_wait3A_44] : memref<1x128xi32, #tpu.memory_space<vmem>> -> memref<1x128xi32, #tpu.memory_space<vmem>>
      %dma_wait3A_46 = tpu.memref_squeeze %dma_wait3A_45 : memref<1x128xi32, #tpu.memory_space<vmem>> -> memref<128xi32, #tpu.memory_space<vmem>>
      %dma_wait3A_47 = arith.constant 0 : i32
      %dma_wait3A_48 = arith.constant 0 : i32
      %dma_wait3A_49 = tpu.memref_slice %arg2[%dma_wait3A_47, %dma_wait3A_48] : memref<10240x64xf32, #tpu.memory_space<hbm>> -> memref<10240x64xf32, #tpu.memory_space<hbm>>
      tpu.wait_indirect_dma semaphore(%arg13 : memref<!tpu.dma_semaphore, #tpu.memory_space<semaphore_mem>>) src(%dma_wait3A_49 : memref<10240x64xf32, #tpu.memory_space<hbm>>) dst(%dma_wait3A_43 : memref<128x64xf32, #tpu.memory_space<vmem>>)
      %scan3A_50 = arith.constant 0 : i32
      %scan3A_51 = arith.constant 128 : i32
      %scan3A_52 = arith.addi %scan3A_50, %scan3A_51 : i32
      %scan3A_53 = arith.constant 1 : i32
      scf.for %scan3A_57 = %scan3A_50 to %scan3A_52 step %scan3A_53  : i32 {
        %get3A = arith.constant 0 : i32
        %get3A_58 = arith.index_cast %get3A : i32 to index
        %get3A_59 = arith.index_cast %scan3A_57 : i32 to index
        %get3A_60 = arith.constant 0 : index
        %get3A_61 = tpu.vector_load %arg9[%get3A_58, %get3A_59, %get3A_60] {strides = array<i32>} : memref<1x128x64xf32, #tpu.memory_space<vmem>>, vector<1x1x16xf32>,
        %get3A_62 = vector.shape_cast %get3A_61 : vector<1x1x16xf32> to vector<16xf32>
        %get3A_63 = arith.constant 0 : i32
        %get3A_64 = arith.index_cast %get3A_63 : i32 to index
        %get3A_65 = arith.index_cast %scan3A_57 : i32 to index
        %get3A_66 = arith.constant 0 : index
        %get3A_67 = tpu.vector_load %arg10[%get3A_64, %get3A_65, %get3A_66] {strides = array<i32>} : memref<1x128x64xf32, #tpu.memory_space<vmem>>, vector<1x1x16xf32>,
        %get3A_68 = vector.shape_cast %get3A_67 : vector<1x1x16xf32> to vector<16xf32>
        %add3A_69 = arith.addf %get3A_62, %get3A_68 : vector<16xf32>
        %max3A = arith.constant 0.000000e+00 : f32
        %max3A_70 = vector.broadcast %max3A : f32 to vector<16xf32>
        %max3A_71 = arith.maximumf %add3A_69, %max3A_70 : vector<16xf32>
        %min3A = arith.constant 0.000000e+00 : f32
        %min3A_72 = vector.broadcast %min3A : f32 to vector<16xf32>
        %min3A_73 = arith.minimumf %add3A_69, %min3A_72 : vector<16xf32>
        %mul3A_74 = arith.constant 0.00999999977 : f32
        %mul3A_75 = vector.broadcast %mul3A_74 : f32 to vector<16xf32>
        %mul3A_76 = arith.mulf %mul3A_75, %min3A_73 : vector<16xf32>
        %add3A_77 = arith.addf %max3A_71, %mul3A_76 : vector<16xf32>
        %swap3A = arith.constant 0 : i32
        %swap3A_78 = arith.index_cast %swap3A : i32 to index
        %swap3A_79 = arith.index_cast %scan3A_57 : i32 to index
        %swap3A_80 = arith.constant 0 : index
        %swap3A_81 = tpu.vector_load %arg9[%swap3A_78, %swap3A_79, %swap3A_80] {strides = array<i32>} : memref<1x128x64xf32, #tpu.memory_space<vmem>>, vector<1x1x16xf32>,
        %swap3A_82 = vector.shape_cast %swap3A_81 : vector<1x1x16xf32> to vector<16xf32>
        %swap3A_83 = vector.shape_cast %add3A_77 : vector<16xf32> to vector<1x1x16xf32>
        tpu.vector_store %arg9[%swap3A_78, %swap3A_79, %swap3A_80], %swap3A_83 {strides = array<i32>} : memref<1x128x64xf32, #tpu.memory_space<vmem>>, vector<1x1x16xf32>,
        %get3A_84 = arith.constant 0 : i32
        %get3A_85 = arith.index_cast %get3A_84 : i32 to index
        %get3A_86 = arith.index_cast %scan3A_57 : i32 to index
        %get3A_87 = arith.constant 16 : index
        %get3A_88 = tpu.vector_load %arg9[%get3A_85, %get3A_86, %get3A_87] {strides = array<i32>} : memref<1x128x64xf32, #tpu.memory_space<vmem>>, vector<1x1x16xf32>,
        %get3A_89 = vector.shape_cast %get3A_88 : vector<1x1x16xf32> to vector<16xf32>
        %get3A_90 = arith.constant 0 : i32
        %get3A_91 = arith.index_cast %get3A_90 : i32 to index
        %get3A_92 = arith.index_cast %scan3A_57 : i32 to index
        %get3A_93 = arith.constant 16 : index
        %get3A_94 = tpu.vector_load %arg10[%get3A_91, %get3A_92, %get3A_93] {strides = array<i32>} : memref<1x128x64xf32, #tpu.memory_space<vmem>>, vector<1x1x16xf32>,
        %get3A_95 = vector.shape_cast %get3A_94 : vector<1x1x16xf32> to vector<16xf32>
        %add3A_96 = arith.addf %get3A_89, %get3A_95 : vector<16xf32>
        %max3A_97 = arith.constant 0.000000e+00 : f32
        %max3A_98 = vector.broadcast %max3A_97 : f32 to vector<16xf32>
        %max3A_99 = arith.maximumf %add3A_96, %max3A_98 : vector<16xf32>
        %min3A_100 = arith.constant 0.000000e+00 : f32
        %min3A_101 = vector.broadcast %min3A_100 : f32 to vector<16xf32>
        %min3A_102 = arith.minimumf %add3A_96, %min3A_101 : vector<16xf32>
        %mul3A_103 = arith.constant 0.00999999977 : f32
        %mul3A_104 = vector.broadcast %mul3A_103 : f32 to vector<16xf32>
        %mul3A_105 = arith.mulf %mul3A_104, %min3A_102 : vector<16xf32>
        %add3A_106 = arith.addf %max3A_99, %mul3A_105 : vector<16xf32>
        %swap3A_107 = arith.constant 0 : i32
        %swap3A_108 = arith.index_cast %swap3A_107 : i32 to index
        %swap3A_109 = arith.index_cast %scan3A_57 : i32 to index
        %swap3A_110 = arith.constant 16 : index
        %swap3A_111 = tpu.vector_load %arg9[%swap3A_108, %swap3A_109, %swap3A_110] {strides = array<i32>} : memref<1x128x64xf32, #tpu.memory_space<vmem>>, vector<1x1x16xf32>,
        %swap3A_112 = vector.shape_cast %swap3A_111 : vector<1x1x16xf32> to vector<16xf32>
        %swap3A_113 = vector.shape_cast %add3A_106 : vector<16xf32> to vector<1x1x16xf32>
        tpu.vector_store %arg9[%swap3A_108, %swap3A_109, %swap3A_110], %swap3A_113 {strides = array<i32>} : memref<1x128x64xf32, #tpu.memory_space<vmem>>, vector<1x1x16xf32>,
        %get3A_114 = arith.constant 0 : i32
        %get3A_115 = arith.index_cast %get3A_114 : i32 to index
        %get3A_116 = arith.index_cast %scan3A_57 : i32 to index
        %get3A_117 = arith.constant 32 : index
        %get3A_118 = tpu.vector_load %arg9[%get3A_115, %get3A_116, %get3A_117] {strides = array<i32>} : memref<1x128x64xf32, #tpu.memory_space<vmem>>, vector<1x1x16xf32>,
        %get3A_119 = vector.shape_cast %get3A_118 : vector<1x1x16xf32> to vector<16xf32>
        %get3A_120 = arith.constant 0 : i32
        %get3A_121 = arith.index_cast %get3A_120 : i32 to index
        %get3A_122 = arith.index_cast %scan3A_57 : i32 to index
        %get3A_123 = arith.constant 32 : index
        %get3A_124 = tpu.vector_load %arg10[%get3A_121, %get3A_122, %get3A_123] {strides = array<i32>} : memref<1x128x64xf32, #tpu.memory_space<vmem>>, vector<1x1x16xf32>,
        %get3A_125 = vector.shape_cast %get3A_124 : vector<1x1x16xf32> to vector<16xf32>
        %add3A_126 = arith.addf %get3A_119, %get3A_125 : vector<16xf32>
        %max3A_127 = arith.constant 0.000000e+00 : f32
        %max3A_128 = vector.broadcast %max3A_127 : f32 to vector<16xf32>
        %max3A_129 = arith.maximumf %add3A_126, %max3A_128 : vector<16xf32>
        %min3A_130 = arith.constant 0.000000e+00 : f32
        %min3A_131 = vector.broadcast %min3A_130 : f32 to vector<16xf32>
        %min3A_132 = arith.minimumf %add3A_126, %min3A_131 : vector<16xf32>
        %mul3A_133 = arith.constant 0.00999999977 : f32
        %mul3A_134 = vector.broadcast %mul3A_133 : f32 to vector<16xf32>
        %mul3A_135 = arith.mulf %mul3A_134, %min3A_132 : vector<16xf32>
        %add3A_136 = arith.addf %max3A_129, %mul3A_135 : vector<16xf32>
        %swap3A_137 = arith.constant 0 : i32
        %swap3A_138 = arith.index_cast %swap3A_137 : i32 to index
        %swap3A_139 = arith.index_cast %scan3A_57 : i32 to index
        %swap3A_140 = arith.constant 32 : index
        %swap3A_141 = tpu.vector_load %arg9[%swap3A_138, %swap3A_139, %swap3A_140] {strides = array<i32>} : memref<1x128x64xf32, #tpu.memory_space<vmem>>, vector<1x1x16xf32>,
        %swap3A_142 = vector.shape_cast %swap3A_141 : vector<1x1x16xf32> to vector<16xf32>
        %swap3A_143 = vector.shape_cast %add3A_136 : vector<16xf32> to vector<1x1x16xf32>
        tpu.vector_store %arg9[%swap3A_138, %swap3A_139, %swap3A_140], %swap3A_143 {strides = array<i32>} : memref<1x128x64xf32, #tpu.memory_space<vmem>>, vector<1x1x16xf32>,
        %get3A_144 = arith.constant 0 : i32
        %get3A_145 = arith.index_cast %get3A_144 : i32 to index
        %get3A_146 = arith.index_cast %scan3A_57 : i32 to index
        %get3A_147 = arith.constant 48 : index
        %get3A_148 = tpu.vector_load %arg9[%get3A_145, %get3A_146, %get3A_147] {strides = array<i32>} : memref<1x128x64xf32, #tpu.memory_space<vmem>>, vector<1x1x16xf32>,
        %get3A_149 = vector.shape_cast %get3A_148 : vector<1x1x16xf32> to vector<16xf32>
        %get3A_150 = arith.constant 0 : i32
        %get3A_151 = arith.index_cast %get3A_150 : i32 to index
        %get3A_152 = arith.index_cast %scan3A_57 : i32 to index
        %get3A_153 = arith.constant 48 : index
        %get3A_154 = tpu.vector_load %arg10[%get3A_151, %get3A_152, %get3A_153] {strides = array<i32>} : memref<1x128x64xf32, #tpu.memory_space<vmem>>, vector<1x1x16xf32>,
        %get3A_155 = vector.shape_cast %get3A_154 : vector<1x1x16xf32> to vector<16xf32>
        %add3A_156 = arith.addf %get3A_149, %get3A_155 : vector<16xf32>
        %max3A_157 = arith.constant 0.000000e+00 : f32
        %max3A_158 = vector.broadcast %max3A_157 : f32 to vector<16xf32>
        %max3A_159 = arith.maximumf %add3A_156, %max3A_158 : vector<16xf32>
        %min3A_160 = arith.constant 0.000000e+00 : f32
        %min3A_161 = vector.broadcast %min3A_160 : f32 to vector<16xf32>
        %min3A_162 = arith.minimumf %add3A_156, %min3A_161 : vector<16xf32>
        %mul3A_163 = arith.constant 0.00999999977 : f32
        %mul3A_164 = vector.broadcast %mul3A_163 : f32 to vector<16xf32>
        %mul3A_165 = arith.mulf %mul3A_164, %min3A_162 : vector<16xf32>
        %add3A_166 = arith.addf %max3A_159, %mul3A_165 : vector<16xf32>
        %swap3A_167 = arith.constant 0 : i32
        %swap3A_168 = arith.index_cast %swap3A_167 : i32 to index
        %swap3A_169 = arith.index_cast %scan3A_57 : i32 to index
        %swap3A_170 = arith.constant 48 : index
        %swap3A_171 = tpu.vector_load %arg9[%swap3A_168, %swap3A_169, %swap3A_170] {strides = array<i32>} : memref<1x128x64xf32, #tpu.memory_space<vmem>>, vector<1x1x16xf32>,
        %swap3A_172 = vector.shape_cast %swap3A_171 : vector<1x1x16xf32> to vector<16xf32>
        %swap3A_173 = vector.shape_cast %add3A_166 : vector<16xf32> to vector<1x1x16xf32>
        tpu.vector_store %arg9[%swap3A_168, %swap3A_169, %swap3A_170], %swap3A_173 {strides = array<i32>} : memref<1x128x64xf32, #tpu.memory_space<vmem>>, vector<1x1x16xf32>,
      }
      %scan3A_54 = arith.constant 128 : i32
      %run_scoped3A_55 = arith.constant 0 : i32
      %run_scoped3A_56 = arith.constant 0 : i32
      "tpu.region"() ({
        %run_scoped3A_57 = tpu.sem_alloc : memref<!tpu.dma_semaphore, #tpu.memory_space<semaphore_mem>>
        %dma_start3A_58 = arith.constant 0 : i32
        %dma_start3A_59 = arith.constant 0 : i32
        %dma_start3A_60 = tpu.memref_slice %arg9[%run_scoped3A_55, %dma_start3A_58, %dma_start3A_59] : memref<1x128x64xf32, #tpu.memory_space<vmem>> -> memref<1x128x64xf32, #tpu.memory_space<vmem>>
        %dma_start3A_61 = tpu.memref_squeeze %dma_start3A_60 : memref<1x128x64xf32, #tpu.memory_space<vmem>> -> memref<128x64xf32, #tpu.memory_space<vmem>>
        %dma_start3A_62 = arith.constant 0 : i32
        %dma_start3A_63 = tpu.memref_slice %arg8[%run_scoped3A_56, %dma_start3A_62] : memref<1x128xi32, #tpu.memory_space<vmem>> -> memref<1x128xi32, #tpu.memory_space<vmem>>
        %dma_start3A_64 = tpu.memref_squeeze %dma_start3A_63 : memref<1x128xi32, #tpu.memory_space<vmem>> -> memref<128xi32, #tpu.memory_space<vmem>>
        %dma_start3A_65 = arith.constant 0 : i32
        %dma_start3A_66 = arith.constant 0 : i32
        %dma_start3A_67 = tpu.memref_slice %arg12[%dma_start3A_65, %dma_start3A_66] : memref<10240x64xf32, #tpu.memory_space<vmem_shared>> -> memref<10240x64xf32, #tpu.memory_space<vmem_shared>>
        tpu.enqueue_indirect_dma source(%dma_start3A_61 : memref<128x64xf32, #tpu.memory_space<vmem>>) target(%dma_start3A_67 : memref<10240x64xf32, #tpu.memory_space<vmem_shared>>) offsets(%dma_start3A_64 : memref<128xi32, #tpu.memory_space<vmem>>) semaphore(%run_scoped3A_57 : memref<!tpu.dma_semaphore, #tpu.memory_space<semaphore_mem>>) {add = true}
        %dma_wait3A_68 = arith.constant 0 : i32
        %dma_wait3A_69 = arith.constant 0 : i32
        %dma_wait3A_70 = tpu.memref_slice %arg9[%run_scoped3A_55, %dma_wait3A_68, %dma_wait3A_69] : memref<1x128x64xf32, #tpu.memory_space<vmem>> -> memref<1x128x64xf32, #tpu.memory_space<vmem>>
        %dma_wait3A_71 = tpu.memref_squeeze %dma_wait3A_70 : memref<1x128x64xf32, #tpu.memory_space<vmem>> -> memref<128x64xf32, #tpu.memory_space<vmem>>
        %dma_wait3A_72 = arith.constant 0 : i32
        %dma_wait3A_73 = tpu.memref_slice %arg8[%run_scoped3A_56, %dma_wait3A_72] : memref<1x128xi32, #tpu.memory_space<vmem>> -> memref<1x128xi32, #tpu.memory_space<vmem>>
        %dma_wait3A_74 = tpu.memref_squeeze %dma_wait3A_73 : memref<1x128xi32, #tpu.memory_space<vmem>> -> memref<128xi32, #tpu.memory_space<vmem>>
        %dma_wait3A_75 = arith.constant 0 : i32
        %dma_wait3A_76 = arith.constant 0 : i32
        %dma_wait3A_77 = tpu.memref_slice %arg12[%dma_wait3A_75, %dma_wait3A_76] : memref<10240x64xf32, #tpu.memory_space<vmem_shared>> -> memref<10240x64xf32, #tpu.memory_space<vmem_shared>>
        tpu.wait_indirect_dma semaphore(%run_scoped3A_57 : memref<!tpu.dma_semaphore, #tpu.memory_space<semaphore_mem>>) src(%dma_wait3A_71 : memref<128x64xf32, #tpu.memory_space<vmem>>) dst(%dma_wait3A_77 : memref<10240x64xf32, #tpu.memory_space<vmem_shared>>)
        tpu.yield
      }) : () -> ()
    }
    %scan3A_16 = arith.constant 80 : i32
    %barrier3A_17 = arith.constant 0 : index
    tpu.barrier barrier_id(%barrier3A_17)
    %mul3A_18 = arith.constant 640 : i32
    %mul3A_19 = arith.muli %arg1, %mul3A_18 : i32
    %mul3A_20 = arith.constant 640 : i32
    %mul3A_21 = arith.muli %arg1, %mul3A_20 : i32
    "tpu.region"() ({
      %run_scoped3A = tpu.sem_alloc : memref<!tpu.dma_semaphore, #tpu.memory_space<semaphore_mem>>
      %dma_start3A = arith.constant 0 : i32
      %dma_start3A_22 = tpu.memref_slice %arg6[%arg0, %mul3A_21, %dma_start3A] : memref<2x10240x64xf32, #tpu.memory_space<hbm>> -> memref<1x640x64xf32, #tpu.memory_space<hbm>>
      %dma_start3A_23 = tpu.memref_squeeze %dma_start3A_22 : memref<1x640x64xf32, #tpu.memory_space<hbm>> -> memref<640x64xf32, #tpu.memory_space<hbm>>
      %dma_start3A_24 = arith.constant 0 : i32
      %dma_start3A_25 = tpu.memref_slice %arg12[%mul3A_19, %dma_start3A_24] : memref<10240x64xf32, #tpu.memory_space<vmem_shared>> -> memref<640x64xf32, #tpu.memory_space<vmem_shared>>
      tpu.enqueue_dma source(%dma_start3A_25 : memref<640x64xf32, #tpu.memory_space<vmem_shared>>) target(%dma_start3A_23 : memref<640x64xf32, #tpu.memory_space<hbm>>) target_semaphore(%run_scoped3A : memref<!tpu.dma_semaphore, #tpu.memory_space<semaphore_mem>>)
      %dma_wait3A = arith.constant 0 : i32
      %dma_wait3A_26 = tpu.memref_slice %arg6[%arg0, %mul3A_21, %dma_wait3A] : memref<2x10240x64xf32, #tpu.memory_space<hbm>> -> memref<1x640x64xf32, #tpu.memory_space<hbm>>
      %dma_wait3A_27 = tpu.memref_squeeze %dma_wait3A_26 : memref<1x640x64xf32, #tpu.memory_space<hbm>> -> memref<640x64xf32, #tpu.memory_space<hbm>>
      %dma_wait3A_28 = arith.constant 0 : i32
      %dma_wait3A_29 = tpu.memref_slice %arg12[%mul3A_19, %dma_wait3A_28] : memref<10240x64xf32, #tpu.memory_space<vmem_shared>> -> memref<640x64xf32, #tpu.memory_space<vmem_shared>>
      tpu.wait_dma2 semaphore(%run_scoped3A : memref<!tpu.dma_semaphore, #tpu.memory_space<semaphore_mem>>) src(%dma_wait3A_29 : memref<640x64xf32, #tpu.memory_space<vmem_shared>>) dst(%dma_wait3A_27 : memref<640x64xf32, #tpu.memory_space<hbm>>)
      tpu.yield
    }) : () -> ()
    return
  }
}

#map = affine_map<(d0, d1) -> (0)>
#map1 = affine_map<(d0, d1) -> (0, 0, 0)>
module attributes {stable_mosaic.version = 14 : i64} {
  func.func @_pool_body(%arg0: i32, %arg1: i32, %arg2: memref<10240xi32, #tpu.memory_space<hbm>>, %arg3: memref<10240xi32, #tpu.memory_space<hbm>>, %arg4: memref<10240xf32, #tpu.memory_space<hbm>>, %arg5: memref<32x16x16xf32, #tpu.memory_space<hbm>>, %arg6: memref<10240xi32, #tpu.memory_space<vmem>>, %arg7: memref<320xi32, #tpu.memory_space<vmem>>, %arg8: memref<320xf32, #tpu.memory_space<vmem>>, %arg9: memref<16x16xf32, #tpu.memory_space<vmem>>) attributes {dimension_semantics = [#tpu.dimension_semantics<core_parallel>, #tpu.dimension_semantics<subcore_parallel>], iteration_bounds = array<i64: 2, 16>, scalar_prefetch = 0 : i64, scratch_operands = 4 : i64, tpu.core_type = #tpu.core_type<sc_vector_subcore>, window_params = [{transform_indices = #map}, {transform_indices = #map}, {transform_indices = #map}, {transform_indices = #map1}]} {
    %mul3A = arith.constant 2 : i32
    %mul3A_0 = arith.muli %arg1, %mul3A : i32
    %add3A = arith.addi %mul3A_0, %arg0 : i32
    "tpu.region"() ({
      %run_scoped3A = tpu.sem_alloc : memref<!tpu.dma_semaphore, #tpu.memory_space<semaphore_mem>>
      tpu.enqueue_dma source(%arg2 : memref<10240xi32, #tpu.memory_space<hbm>>) target(%arg6 : memref<10240xi32, #tpu.memory_space<vmem>>) target_semaphore(%run_scoped3A : memref<!tpu.dma_semaphore, #tpu.memory_space<semaphore_mem>>)
      tpu.wait_dma2 semaphore(%run_scoped3A : memref<!tpu.dma_semaphore, #tpu.memory_space<semaphore_mem>>) src(%arg2 : memref<10240xi32, #tpu.memory_space<hbm>>) dst(%arg6 : memref<10240xi32, #tpu.memory_space<vmem>>)
      tpu.yield
    }) : () -> ()
    %mul3A_1 = arith.constant 320 : i32
    %mul3A_2 = arith.muli %add3A, %mul3A_1 : i32
    "tpu.region"() ({
      %run_scoped3A = tpu.sem_alloc : memref<!tpu.dma_semaphore, #tpu.memory_space<semaphore_mem>>
      %dma_start3A = tpu.memref_slice %arg3[%mul3A_2] : memref<10240xi32, #tpu.memory_space<hbm>> -> memref<320xi32, #tpu.memory_space<hbm>>
      %dma_start3A_103 = tpu.memref_slice %arg3[%mul3A_2] : memref<10240xi32, #tpu.memory_space<hbm>> -> memref<320xi32, #tpu.memory_space<hbm>>
      tpu.enqueue_dma source(%dma_start3A_103 : memref<320xi32, #tpu.memory_space<hbm>>) target(%arg7 : memref<320xi32, #tpu.memory_space<vmem>>) target_semaphore(%run_scoped3A : memref<!tpu.dma_semaphore, #tpu.memory_space<semaphore_mem>>)
      %dma_wait3A = tpu.memref_slice %arg3[%mul3A_2] : memref<10240xi32, #tpu.memory_space<hbm>> -> memref<320xi32, #tpu.memory_space<hbm>>
      %dma_wait3A_104 = tpu.memref_slice %arg3[%mul3A_2] : memref<10240xi32, #tpu.memory_space<hbm>> -> memref<320xi32, #tpu.memory_space<hbm>>
      tpu.wait_dma2 semaphore(%run_scoped3A : memref<!tpu.dma_semaphore, #tpu.memory_space<semaphore_mem>>) src(%dma_wait3A_104 : memref<320xi32, #tpu.memory_space<hbm>>) dst(%arg7 : memref<320xi32, #tpu.memory_space<vmem>>)
      tpu.yield
    }) : () -> ()
    %mul3A_3 = arith.constant 320 : i32
    %mul3A_4 = arith.muli %add3A, %mul3A_3 : i32
    "tpu.region"() ({
      %run_scoped3A = tpu.sem_alloc : memref<!tpu.dma_semaphore, #tpu.memory_space<semaphore_mem>>
      %dma_start3A = tpu.memref_slice %arg4[%mul3A_4] : memref<10240xf32, #tpu.memory_space<hbm>> -> memref<320xf32, #tpu.memory_space<hbm>>
      %dma_start3A_103 = tpu.memref_slice %arg4[%mul3A_4] : memref<10240xf32, #tpu.memory_space<hbm>> -> memref<320xf32, #tpu.memory_space<hbm>>
      tpu.enqueue_dma source(%dma_start3A_103 : memref<320xf32, #tpu.memory_space<hbm>>) target(%arg8 : memref<320xf32, #tpu.memory_space<vmem>>) target_semaphore(%run_scoped3A : memref<!tpu.dma_semaphore, #tpu.memory_space<semaphore_mem>>)
      %dma_wait3A = tpu.memref_slice %arg4[%mul3A_4] : memref<10240xf32, #tpu.memory_space<hbm>> -> memref<320xf32, #tpu.memory_space<hbm>>
      %dma_wait3A_104 = tpu.memref_slice %arg4[%mul3A_4] : memref<10240xf32, #tpu.memory_space<hbm>> -> memref<320xf32, #tpu.memory_space<hbm>>
      tpu.wait_dma2 semaphore(%run_scoped3A : memref<!tpu.dma_semaphore, #tpu.memory_space<semaphore_mem>>) src(%dma_wait3A_104 : memref<320xf32, #tpu.memory_space<hbm>>) dst(%arg8 : memref<320xf32, #tpu.memory_space<vmem>>)
      tpu.yield
    }) : () -> ()
    %broadcast_in_dim3A = arith.constant 0.000000e+00 : f32
    %broadcast_in_dim3A_5 = vector.broadcast %broadcast_in_dim3A : f32 to vector<16xf32>
    %swap3A = arith.constant 0 : i32
    %swap3A_6 = arith.index_cast %swap3A : i32 to index
    %swap3A_7 = arith.constant 0 : index
    %swap3A_8 = tpu.vector_load %arg9[%swap3A_6, %swap3A_7] {strides = array<i32>} : memref<16x16xf32, #tpu.memory_space<vmem>>, vector<16xf32>,
    tpu.vector_store %arg9[%swap3A_6, %swap3A_7], %broadcast_in_dim3A_5 {strides = array<i32>} : memref<16x16xf32, #tpu.memory_space<vmem>>, vector<16xf32>,
    %broadcast_in_dim3A_9 = arith.constant 0.000000e+00 : f32
    %broadcast_in_dim3A_10 = vector.broadcast %broadcast_in_dim3A_9 : f32 to vector<16xf32>
    %swap3A_11 = arith.constant 1 : i32
    %swap3A_12 = arith.index_cast %swap3A_11 : i32 to index
    %swap3A_13 = arith.constant 0 : index
    %swap3A_14 = tpu.vector_load %arg9[%swap3A_12, %swap3A_13] {strides = array<i32>} : memref<16x16xf32, #tpu.memory_space<vmem>>, vector<16xf32>,
    tpu.vector_store %arg9[%swap3A_12, %swap3A_13], %broadcast_in_dim3A_10 {strides = array<i32>} : memref<16x16xf32, #tpu.memory_space<vmem>>, vector<16xf32>,
    %broadcast_in_dim3A_15 = arith.constant 0.000000e+00 : f32
    %broadcast_in_dim3A_16 = vector.broadcast %broadcast_in_dim3A_15 : f32 to vector<16xf32>
    %swap3A_17 = arith.constant 2 : i32
    %swap3A_18 = arith.index_cast %swap3A_17 : i32 to index
    %swap3A_19 = arith.constant 0 : index
    %swap3A_20 = tpu.vector_load %arg9[%swap3A_18, %swap3A_19] {strides = array<i32>} : memref<16x16xf32, #tpu.memory_space<vmem>>, vector<16xf32>,
    tpu.vector_store %arg9[%swap3A_18, %swap3A_19], %broadcast_in_dim3A_16 {strides = array<i32>} : memref<16x16xf32, #tpu.memory_space<vmem>>, vector<16xf32>,
    %broadcast_in_dim3A_21 = arith.constant 0.000000e+00 : f32
    %broadcast_in_dim3A_22 = vector.broadcast %broadcast_in_dim3A_21 : f32 to vector<16xf32>
    %swap3A_23 = arith.constant 3 : i32
    %swap3A_24 = arith.index_cast %swap3A_23 : i32 to index
    %swap3A_25 = arith.constant 0 : index
    %swap3A_26 = tpu.vector_load %arg9[%swap3A_24, %swap3A_25] {strides = array<i32>} : memref<16x16xf32, #tpu.memory_space<vmem>>, vector<16xf32>,
    tpu.vector_store %arg9[%swap3A_24, %swap3A_25], %broadcast_in_dim3A_22 {strides = array<i32>} : memref<16x16xf32, #tpu.memory_space<vmem>>, vector<16xf32>,
    %broadcast_in_dim3A_27 = arith.constant 0.000000e+00 : f32
    %broadcast_in_dim3A_28 = vector.broadcast %broadcast_in_dim3A_27 : f32 to vector<16xf32>
    %swap3A_29 = arith.constant 4 : i32
    %swap3A_30 = arith.index_cast %swap3A_29 : i32 to index
    %swap3A_31 = arith.constant 0 : index
    %swap3A_32 = tpu.vector_load %arg9[%swap3A_30, %swap3A_31] {strides = array<i32>} : memref<16x16xf32, #tpu.memory_space<vmem>>, vector<16xf32>,
    tpu.vector_store %arg9[%swap3A_30, %swap3A_31], %broadcast_in_dim3A_28 {strides = array<i32>} : memref<16x16xf32, #tpu.memory_space<vmem>>, vector<16xf32>,
    %broadcast_in_dim3A_33 = arith.constant 0.000000e+00 : f32
    %broadcast_in_dim3A_34 = vector.broadcast %broadcast_in_dim3A_33 : f32 to vector<16xf32>
    %swap3A_35 = arith.constant 5 : i32
    %swap3A_36 = arith.index_cast %swap3A_35 : i32 to index
    %swap3A_37 = arith.constant 0 : index
    %swap3A_38 = tpu.vector_load %arg9[%swap3A_36, %swap3A_37] {strides = array<i32>} : memref<16x16xf32, #tpu.memory_space<vmem>>, vector<16xf32>,
    tpu.vector_store %arg9[%swap3A_36, %swap3A_37], %broadcast_in_dim3A_34 {strides = array<i32>} : memref<16x16xf32, #tpu.memory_space<vmem>>, vector<16xf32>,
    %broadcast_in_dim3A_39 = arith.constant 0.000000e+00 : f32
    %broadcast_in_dim3A_40 = vector.broadcast %broadcast_in_dim3A_39 : f32 to vector<16xf32>
    %swap3A_41 = arith.constant 6 : i32
    %swap3A_42 = arith.index_cast %swap3A_41 : i32 to index
    %swap3A_43 = arith.constant 0 : index
    %swap3A_44 = tpu.vector_load %arg9[%swap3A_42, %swap3A_43] {strides = array<i32>} : memref<16x16xf32, #tpu.memory_space<vmem>>, vector<16xf32>,
    tpu.vector_store %arg9[%swap3A_42, %swap3A_43], %broadcast_in_dim3A_40 {strides = array<i32>} : memref<16x16xf32, #tpu.memory_space<vmem>>, vector<16xf32>,
    %broadcast_in_dim3A_45 = arith.constant 0.000000e+00 : f32
    %broadcast_in_dim3A_46 = vector.broadcast %broadcast_in_dim3A_45 : f32 to vector<16xf32>
    %swap3A_47 = arith.constant 7 : i32
    %swap3A_48 = arith.index_cast %swap3A_47 : i32 to index
    %swap3A_49 = arith.constant 0 : index
    %swap3A_50 = tpu.vector_load %arg9[%swap3A_48, %swap3A_49] {strides = array<i32>} : memref<16x16xf32, #tpu.memory_space<vmem>>, vector<16xf32>,
    tpu.vector_store %arg9[%swap3A_48, %swap3A_49], %broadcast_in_dim3A_46 {strides = array<i32>} : memref<16x16xf32, #tpu.memory_space<vmem>>, vector<16xf32>,
    %broadcast_in_dim3A_51 = arith.constant 0.000000e+00 : f32
    %broadcast_in_dim3A_52 = vector.broadcast %broadcast_in_dim3A_51 : f32 to vector<16xf32>
    %swap3A_53 = arith.constant 8 : i32
    %swap3A_54 = arith.index_cast %swap3A_53 : i32 to index
    %swap3A_55 = arith.constant 0 : index
    %swap3A_56 = tpu.vector_load %arg9[%swap3A_54, %swap3A_55] {strides = array<i32>} : memref<16x16xf32, #tpu.memory_space<vmem>>, vector<16xf32>,
    tpu.vector_store %arg9[%swap3A_54, %swap3A_55], %broadcast_in_dim3A_52 {strides = array<i32>} : memref<16x16xf32, #tpu.memory_space<vmem>>, vector<16xf32>,
    %broadcast_in_dim3A_57 = arith.constant 0.000000e+00 : f32
    %broadcast_in_dim3A_58 = vector.broadcast %broadcast_in_dim3A_57 : f32 to vector<16xf32>
    %swap3A_59 = arith.constant 9 : i32
    %swap3A_60 = arith.index_cast %swap3A_59 : i32 to index
    %swap3A_61 = arith.constant 0 : index
    %swap3A_62 = tpu.vector_load %arg9[%swap3A_60, %swap3A_61] {strides = array<i32>} : memref<16x16xf32, #tpu.memory_space<vmem>>, vector<16xf32>,
    tpu.vector_store %arg9[%swap3A_60, %swap3A_61], %broadcast_in_dim3A_58 {strides = array<i32>} : memref<16x16xf32, #tpu.memory_space<vmem>>, vector<16xf32>,
    %broadcast_in_dim3A_63 = arith.constant 0.000000e+00 : f32
    %broadcast_in_dim3A_64 = vector.broadcast %broadcast_in_dim3A_63 : f32 to vector<16xf32>
    %swap3A_65 = arith.constant 10 : i32
    %swap3A_66 = arith.index_cast %swap3A_65 : i32 to index
    %swap3A_67 = arith.constant 0 : index
    %swap3A_68 = tpu.vector_load %arg9[%swap3A_66, %swap3A_67] {strides = array<i32>} : memref<16x16xf32, #tpu.memory_space<vmem>>, vector<16xf32>,
    tpu.vector_store %arg9[%swap3A_66, %swap3A_67], %broadcast_in_dim3A_64 {strides = array<i32>} : memref<16x16xf32, #tpu.memory_space<vmem>>, vector<16xf32>,
    %broadcast_in_dim3A_69 = arith.constant 0.000000e+00 : f32
    %broadcast_in_dim3A_70 = vector.broadcast %broadcast_in_dim3A_69 : f32 to vector<16xf32>
    %swap3A_71 = arith.constant 11 : i32
    %swap3A_72 = arith.index_cast %swap3A_71 : i32 to index
    %swap3A_73 = arith.constant 0 : index
    %swap3A_74 = tpu.vector_load %arg9[%swap3A_72, %swap3A_73] {strides = array<i32>} : memref<16x16xf32, #tpu.memory_space<vmem>>, vector<16xf32>,
    tpu.vector_store %arg9[%swap3A_72, %swap3A_73], %broadcast_in_dim3A_70 {strides = array<i32>} : memref<16x16xf32, #tpu.memory_space<vmem>>, vector<16xf32>,
    %broadcast_in_dim3A_75 = arith.constant 0.000000e+00 : f32
    %broadcast_in_dim3A_76 = vector.broadcast %broadcast_in_dim3A_75 : f32 to vector<16xf32>
    %swap3A_77 = arith.constant 12 : i32
    %swap3A_78 = arith.index_cast %swap3A_77 : i32 to index
    %swap3A_79 = arith.constant 0 : index
    %swap3A_80 = tpu.vector_load %arg9[%swap3A_78, %swap3A_79] {strides = array<i32>} : memref<16x16xf32, #tpu.memory_space<vmem>>, vector<16xf32>,
    tpu.vector_store %arg9[%swap3A_78, %swap3A_79], %broadcast_in_dim3A_76 {strides = array<i32>} : memref<16x16xf32, #tpu.memory_space<vmem>>, vector<16xf32>,
    %broadcast_in_dim3A_81 = arith.constant 0.000000e+00 : f32
    %broadcast_in_dim3A_82 = vector.broadcast %broadcast_in_dim3A_81 : f32 to vector<16xf32>
    %swap3A_83 = arith.constant 13 : i32
    %swap3A_84 = arith.index_cast %swap3A_83 : i32 to index
    %swap3A_85 = arith.constant 0 : index
    %swap3A_86 = tpu.vector_load %arg9[%swap3A_84, %swap3A_85] {strides = array<i32>} : memref<16x16xf32, #tpu.memory_space<vmem>>, vector<16xf32>,
    tpu.vector_store %arg9[%swap3A_84, %swap3A_85], %broadcast_in_dim3A_82 {strides = array<i32>} : memref<16x16xf32, #tpu.memory_space<vmem>>, vector<16xf32>,
    %broadcast_in_dim3A_87 = arith.constant 0.000000e+00 : f32
    %broadcast_in_dim3A_88 = vector.broadcast %broadcast_in_dim3A_87 : f32 to vector<16xf32>
    %swap3A_89 = arith.constant 14 : i32
    %swap3A_90 = arith.index_cast %swap3A_89 : i32 to index
    %swap3A_91 = arith.constant 0 : index
    %swap3A_92 = tpu.vector_load %arg9[%swap3A_90, %swap3A_91] {strides = array<i32>} : memref<16x16xf32, #tpu.memory_space<vmem>>, vector<16xf32>,
    tpu.vector_store %arg9[%swap3A_90, %swap3A_91], %broadcast_in_dim3A_88 {strides = array<i32>} : memref<16x16xf32, #tpu.memory_space<vmem>>, vector<16xf32>,
    %broadcast_in_dim3A_93 = arith.constant 0.000000e+00 : f32
    %broadcast_in_dim3A_94 = vector.broadcast %broadcast_in_dim3A_93 : f32 to vector<16xf32>
    %swap3A_95 = arith.constant 15 : i32
    %swap3A_96 = arith.index_cast %swap3A_95 : i32 to index
    %swap3A_97 = arith.constant 0 : index
    %swap3A_98 = tpu.vector_load %arg9[%swap3A_96, %swap3A_97] {strides = array<i32>} : memref<16x16xf32, #tpu.memory_space<vmem>>, vector<16xf32>,
    tpu.vector_store %arg9[%swap3A_96, %swap3A_97], %broadcast_in_dim3A_94 {strides = array<i32>} : memref<16x16xf32, #tpu.memory_space<vmem>>, vector<16xf32>,
    %iota3A = tpu.iota {dimensions = array<i32: 0>} : vector<16xi32>
    %scan3A = arith.constant 0 : i32
    %scan3A_99 = arith.constant 20 : i32
    %scan3A_100 = arith.addi %scan3A, %scan3A_99 : i32
    %scan3A_101 = arith.constant 1 : i32
    scf.for %scan3A_103 = %scan3A to %scan3A_100 step %scan3A_101  : i32 {
      %mul3A_104 = arith.constant 16 : i32
      %mul3A_105 = arith.muli %scan3A_103, %mul3A_104 : i32
      %get3A = arith.index_cast %mul3A_105 : i32 to index
      %get3A_106 = tpu.vector_load %arg7[%get3A] {strides = array<i32>} : memref<320xi32, #tpu.memory_space<vmem>>, vector<16xi32>,
      %mul3A_107 = arith.constant 16 : i32
      %mul3A_108 = arith.muli %scan3A_103, %mul3A_107 : i32
      %get3A_109 = arith.index_cast %mul3A_108 : i32 to index
      %get3A_110 = tpu.vector_load %arg8[%get3A_109] {strides = array<i32>} : memref<320xf32, #tpu.memory_space<vmem>>, vector<16xf32>,
      %mul3A_111 = arith.constant 320 : i32
      %mul3A_112 = arith.muli %add3A, %mul3A_111 : i32
      %mul3A_113 = arith.constant 16 : i32
      %mul3A_114 = arith.muli %scan3A_103, %mul3A_113 : i32
      %add3A_115 = arith.addi %mul3A_112, %mul3A_114 : i32
      %add3A_116 = vector.broadcast %add3A_115 : i32 to vector<16xi32>
      %add3A_117 = arith.addi %add3A_116, %iota3A : vector<16xi32>
      %gather3A = tpu.vector_load_idx %arg6[%get3A_106] : memref<10240xi32, #tpu.memory_space<vmem>>[vector<16xi32>], vector<16xi32>,
      %lt3A = arith.constant 10000 : i32
      %lt3A_118 = vector.broadcast %lt3A : i32 to vector<16xi32>
      %lt3A_119 = arith.cmpi slt, %add3A_117, %lt3A_118 : vector<16xi32>
      tpu.vector_store_idx %arg9[%gather3A, %iota3A], %get3A_110 masked %lt3A_119 {add = true} : memref<16x16xf32, #tpu.memory_space<vmem>>[vector<16xi32>, vector<16xi32>], vector<16xf32>, vector<16xi1>
    }
    %scan3A_102 = arith.constant 20 : i32
    "tpu.region"() ({
      %run_scoped3A = tpu.sem_alloc : memref<!tpu.dma_semaphore, #tpu.memory_space<semaphore_mem>>
      %dma_start3A = arith.constant 0 : i32
      %dma_start3A_103 = arith.constant 0 : i32
      %dma_start3A_104 = tpu.memref_slice %arg5[%add3A, %dma_start3A, %dma_start3A_103] : memref<32x16x16xf32, #tpu.memory_space<hbm>> -> memref<1x16x16xf32, #tpu.memory_space<hbm>>
      %dma_start3A_105 = tpu.memref_squeeze %dma_start3A_104 : memref<1x16x16xf32, #tpu.memory_space<hbm>> -> memref<16x16xf32, #tpu.memory_space<hbm>>
      %dma_start3A_106 = arith.constant 0 : i32
      %dma_start3A_107 = arith.constant 0 : i32
      %dma_start3A_108 = tpu.memref_slice %arg5[%add3A, %dma_start3A_106, %dma_start3A_107] : memref<32x16x16xf32, #tpu.memory_space<hbm>> -> memref<1x16x16xf32, #tpu.memory_space<hbm>>
      %dma_start3A_109 = tpu.memref_squeeze %dma_start3A_108 : memref<1x16x16xf32, #tpu.memory_space<hbm>> -> memref<16x16xf32, #tpu.memory_space<hbm>>
      tpu.enqueue_dma source(%arg9 : memref<16x16xf32, #tpu.memory_space<vmem>>) target(%dma_start3A_109 : memref<16x16xf32, #tpu.memory_space<hbm>>) target_semaphore(%run_scoped3A : memref<!tpu.dma_semaphore, #tpu.memory_space<semaphore_mem>>)
      %dma_wait3A = arith.constant 0 : i32
      %dma_wait3A_110 = arith.constant 0 : i32
      %dma_wait3A_111 = tpu.memref_slice %arg5[%add3A, %dma_wait3A, %dma_wait3A_110] : memref<32x16x16xf32, #tpu.memory_space<hbm>> -> memref<1x16x16xf32, #tpu.memory_space<hbm>>
      %dma_wait3A_112 = tpu.memref_squeeze %dma_wait3A_111 : memref<1x16x16xf32, #tpu.memory_space<hbm>> -> memref<16x16xf32, #tpu.memory_space<hbm>>
      %dma_wait3A_113 = arith.constant 0 : i32
      %dma_wait3A_114 = arith.constant 0 : i32
      %dma_wait3A_115 = tpu.memref_slice %arg5[%add3A, %dma_wait3A_113, %dma_wait3A_114] : memref<32x16x16xf32, #tpu.memory_space<hbm>> -> memref<1x16x16xf32, #tpu.memory_space<hbm>>
      %dma_wait3A_116 = tpu.memref_squeeze %dma_wait3A_115 : memref<1x16x16xf32, #tpu.memory_space<hbm>> -> memref<16x16xf32, #tpu.memory_space<hbm>>
      tpu.wait_dma2 semaphore(%run_scoped3A : memref<!tpu.dma_semaphore, #tpu.memory_space<semaphore_mem>>) src(%arg9 : memref<16x16xf32, #tpu.memory_space<vmem>>) dst(%dma_wait3A_116 : memref<16x16xf32, #tpu.memory_space<hbm>>)
      tpu.yield
    }) : () -> ()
    return
  }
}

module attributes {stable_mosaic.version = 14 : i64} {
  func.func @_embed_body(%arg0: i32, %arg1: memref<1280x128xf32, #tpu.memory_space<vmem>>, %arg2: memref<1280x1xf32, #tpu.memory_space<vmem>>, %arg3: memref<128x64xf32, #tpu.memory_space<vmem>>, %arg4: memref<1x64xf32, #tpu.memory_space<vmem>>, %arg5: memref<64x64xf32, #tpu.memory_space<vmem>>, %arg6: memref<1280x64xf32, #tpu.memory_space<vmem>>, %arg7: memref<1280x64xf32, #tpu.memory_space<vmem>>) attributes {dimension_semantics = [#tpu.dimension_semantics<arbitrary>], iteration_bounds = array<i64: 8>, scalar_prefetch = 0 : i64, scratch_operands = 0 : i64, tpu.core_type = #tpu.core_type<tc>, window_params = [{transform_indices = @transform_0, window_bounds = array<i64: 1280, 128>}, {transform_indices = @transform_1, window_bounds = array<i64: 1280, 1>}, {pipeline_mode = #tpu.pipeline_mode<synchronous>, transform_indices = @transform_2, window_bounds = array<i64: 128, 64>}, {pipeline_mode = #tpu.pipeline_mode<synchronous>, transform_indices = @transform_3, window_bounds = array<i64: 1, 64>}, {pipeline_mode = #tpu.pipeline_mode<synchronous>, transform_indices = @transform_4, window_bounds = array<i64: 64, 64>}, {transform_indices = @transform_5, window_bounds = array<i64: 1280, 64>}, {transform_indices = @transform_6, window_bounds = array<i64: 1280, 64>}]} {
    %get3A = arith.constant 0 : index
    %get3A_0 = arith.constant 0 : index
    %get3A_1 = vector.load %arg1[%get3A, %get3A_0] : memref<1280x128xf32, #tpu.memory_space<vmem>>, vector<1280x128xf32>
    %get3A_2 = arith.constant 0 : index
    %get3A_3 = arith.constant 0 : index
    %get3A_4 = vector.load %arg3[%get3A_2, %get3A_3] : memref<128x64xf32, #tpu.memory_space<vmem>>, vector<128x64xf32>
    %dot_general3A = arith.constant dense<0.000000e+00> : vector<1280x64xf32>
    %dot_general3A_5 = tpu.matmul %get3A_1, %get3A_4, %dot_general3A {dimension_numbers = #tpu.dot_dimension_numbers<[1], [0], [0], [1], [0, 0, 1, 1], [], []>, transpose_lhs_hint = false} : vector<1280x128xf32>, vector<128x64xf32>, vector<1280x64xf32> -> vector<1280x64xf32>
    %get3A_6 = arith.constant 0 : index
    %get3A_7 = arith.constant 0 : index
    %get3A_8 = vector.load %arg2[%get3A_6, %get3A_7] : memref<1280x1xf32, #tpu.memory_space<vmem>>, vector<1280x1xf32>
    %get3A_9 = arith.constant 0 : index
    %get3A_10 = arith.constant 0 : index
    %get3A_11 = vector.load %arg4[%get3A_9, %get3A_10] : memref<1x64xf32, #tpu.memory_space<vmem>>, vector<1x64xf32>
    %get3A_12 = vector.shape_cast %get3A_11 : vector<1x64xf32> to vector<64xf32>
    %broadcast_in_dim3A = vector.shape_cast %get3A_12 : vector<64xf32> to vector<1x64xf32>
    %mul3A = vector.broadcast %get3A_8 : vector<1280x1xf32> to vector<1280x64xf32>
    %mul3A_13 = vector.broadcast %broadcast_in_dim3A : vector<1x64xf32> to vector<1280x64xf32>
    %mul3A_14 = arith.mulf %mul3A, %mul3A_13 : vector<1280x64xf32>
    %add3A = arith.addf %dot_general3A_5, %mul3A_14 : vector<1280x64xf32>
    %swap3A = arith.constant 0 : index
    %swap3A_15 = arith.constant 0 : index
    %swap3A_16 = vector.load %arg6[%swap3A, %swap3A_15] : memref<1280x64xf32, #tpu.memory_space<vmem>>, vector<1280x64xf32>
    tpu.vector_store %arg6[%swap3A, %swap3A_15], %add3A {strides = array<i32>} : memref<1280x64xf32, #tpu.memory_space<vmem>>, vector<1280x64xf32>,
    %get3A_17 = arith.constant 0 : index
    %get3A_18 = arith.constant 0 : index
    %get3A_19 = vector.load %arg5[%get3A_17, %get3A_18] : memref<64x64xf32, #tpu.memory_space<vmem>>, vector<64x64xf32>
    %dot_general3A_20 = arith.constant dense<0.000000e+00> : vector<1280x64xf32>
    %dot_general3A_21 = tpu.matmul %add3A, %get3A_19, %dot_general3A_20 {dimension_numbers = #tpu.dot_dimension_numbers<[1], [0], [0], [1], [0, 0, 1, 1], [], []>, transpose_lhs_hint = false} : vector<1280x64xf32>, vector<64x64xf32>, vector<1280x64xf32> -> vector<1280x64xf32>
    %swap3A_22 = arith.constant 0 : index
    %swap3A_23 = arith.constant 0 : index
    %swap3A_24 = vector.load %arg7[%swap3A_22, %swap3A_23] : memref<1280x64xf32, #tpu.memory_space<vmem>>, vector<1280x64xf32>
    tpu.vector_store %arg7[%swap3A_22, %swap3A_23], %dot_general3A_21 {strides = array<i32>} : memref<1280x64xf32, #tpu.memory_space<vmem>>, vector<1280x64xf32>,
    return
  }
  func.func @transform_0(%arg0: i32) -> (i32, i32) {
    %c0_i32 = arith.constant 0 : i32
    %c0_i32_0 = arith.constant 0 : i32
    return %arg0, %c0_i32 : i32, i32
  }
  func.func @transform_1(%arg0: i32) -> (i32, i32) {
    %c0_i32 = arith.constant 0 : i32
    %c0_i32_0 = arith.constant 0 : i32
    return %arg0, %c0_i32 : i32, i32
  }
  func.func @transform_2(%arg0: i32) -> (i32, i32) {
    %c0_i32 = arith.constant 0 : i32
    %c0_i32_0 = arith.constant 0 : i32
    %c0_i32_1 = arith.constant 0 : i32
    return %c0_i32, %c0_i32_0 : i32, i32
  }
  func.func @transform_3(%arg0: i32) -> (i32, i32) {
    %c0_i32 = arith.constant 0 : i32
    %c0_i32_0 = arith.constant 0 : i32
    %c0_i32_1 = arith.constant 0 : i32
    return %c0_i32, %c0_i32_0 : i32, i32
  }
  func.func @transform_4(%arg0: i32) -> (i32, i32) {
    %c0_i32 = arith.constant 0 : i32
    %c0_i32_0 = arith.constant 0 : i32
    %c0_i32_1 = arith.constant 0 : i32
    return %c0_i32, %c0_i32_0 : i32, i32
  }
  func.func @transform_5(%arg0: i32) -> (i32, i32) {
    %c0_i32 = arith.constant 0 : i32
    %c0_i32_0 = arith.constant 0 : i32
    return %arg0, %c0_i32 : i32, i32
  }
  func.func @transform_6(%arg0: i32) -> (i32, i32) {
    %c0_i32 = arith.constant 0 : i32
    %c0_i32_0 = arith.constant 0 : i32
    return %arg0, %c0_i32 : i32, i32
  }
}

module attributes {stable_mosaic.version = 14 : i64} {
  func.func @_q_body(%arg0: i32, %arg1: memref<2048x16xf32, #tpu.memory_space<vmem>>, %arg2: memref<16x64xf32, #tpu.memory_space<vmem>>, %arg3: memref<4x64x64xf32, #tpu.memory_space<vmem>>, %arg4: memref<4x2048x64xf32, #tpu.memory_space<vmem>>) attributes {dimension_semantics = [#tpu.dimension_semantics<arbitrary>], iteration_bounds = array<i64: 160>, scalar_prefetch = 0 : i64, scratch_operands = 0 : i64, tpu.core_type = #tpu.core_type<tc>, window_params = [{transform_indices = @transform_0, window_bounds = array<i64: 2048, 16>}, {pipeline_mode = #tpu.pipeline_mode<synchronous>, transform_indices = @transform_1, window_bounds = array<i64: 16, 64>}, {pipeline_mode = #tpu.pipeline_mode<synchronous>, transform_indices = @transform_2, window_bounds = array<i64: 4, 64, 64>}, {transform_indices = @transform_3, window_bounds = array<i64: 4, 2048, 64>}]} {
    %get3A = arith.constant 0 : index
    %get3A_0 = arith.constant 0 : index
    %get3A_1 = vector.load %arg1[%get3A, %get3A_0] : memref<2048x16xf32, #tpu.memory_space<vmem>>, vector<2048x16xf32>
    %get3A_2 = arith.constant 0 : index
    %get3A_3 = arith.constant 0 : index
    %get3A_4 = vector.load %arg2[%get3A_2, %get3A_3] : memref<16x64xf32, #tpu.memory_space<vmem>>, vector<16x64xf32>
    %get3A_5 = arith.constant 0 : index
    %get3A_6 = arith.constant 0 : index
    %get3A_7 = arith.constant 0 : index
    %get3A_8 = vector.load %arg3[%get3A_5, %get3A_6, %get3A_7] : memref<4x64x64xf32, #tpu.memory_space<vmem>>, vector<1x64x64xf32>
    %get3A_9 = vector.shape_cast %get3A_8 : vector<1x64x64xf32> to vector<64x64xf32>
    %dot_general3A = arith.constant dense<0.000000e+00> : vector<16x64xf32>
    %dot_general3A_10 = tpu.matmul %get3A_4, %get3A_9, %dot_general3A {dimension_numbers = #tpu.dot_dimension_numbers<[1], [0], [0], [1], [0, 0, 1, 1], [], []>, transpose_lhs_hint = false} : vector<16x64xf32>, vector<64x64xf32>, vector<16x64xf32> -> vector<16x64xf32>
    %dot_general3A_11 = arith.constant dense<0.000000e+00> : vector<2048x64xf32>
    %dot_general3A_12 = tpu.matmul %get3A_1, %dot_general3A_10, %dot_general3A_11 {dimension_numbers = #tpu.dot_dimension_numbers<[1], [0], [0], [1], [0, 0, 1, 1], [], []>, transpose_lhs_hint = false} : vector<2048x16xf32>, vector<16x64xf32>, vector<2048x64xf32> -> vector<2048x64xf32>
    %swap3A = arith.constant 0 : index
    %swap3A_13 = arith.constant 0 : index
    %swap3A_14 = arith.constant 0 : index
    %swap3A_15 = vector.load %arg4[%swap3A, %swap3A_13, %swap3A_14] : memref<4x2048x64xf32, #tpu.memory_space<vmem>>, vector<1x2048x64xf32>
    %swap3A_16 = vector.shape_cast %swap3A_15 : vector<1x2048x64xf32> to vector<2048x64xf32>
    %swap3A_17 = vector.shape_cast %dot_general3A_12 : vector<2048x64xf32> to vector<1x2048x64xf32>
    tpu.vector_store %arg4[%swap3A, %swap3A_13, %swap3A_14], %swap3A_17 {strides = array<i32>} : memref<4x2048x64xf32, #tpu.memory_space<vmem>>, vector<1x2048x64xf32>,
    %get3A_18 = arith.constant 0 : index
    %get3A_19 = arith.constant 0 : index
    %get3A_20 = vector.load %arg2[%get3A_18, %get3A_19] : memref<16x64xf32, #tpu.memory_space<vmem>>, vector<16x64xf32>
    %get3A_21 = arith.constant 1 : index
    %get3A_22 = arith.constant 0 : index
    %get3A_23 = arith.constant 0 : index
    %get3A_24 = vector.load %arg3[%get3A_21, %get3A_22, %get3A_23] : memref<4x64x64xf32, #tpu.memory_space<vmem>>, vector<1x64x64xf32>
    %get3A_25 = vector.shape_cast %get3A_24 : vector<1x64x64xf32> to vector<64x64xf32>
    %dot_general3A_26 = arith.constant dense<0.000000e+00> : vector<16x64xf32>
    %dot_general3A_27 = tpu.matmul %get3A_20, %get3A_25, %dot_general3A_26 {dimension_numbers = #tpu.dot_dimension_numbers<[1], [0], [0], [1], [0, 0, 1, 1], [], []>, transpose_lhs_hint = false} : vector<16x64xf32>, vector<64x64xf32>, vector<16x64xf32> -> vector<16x64xf32>
    %dot_general3A_28 = arith.constant dense<0.000000e+00> : vector<2048x64xf32>
    %dot_general3A_29 = tpu.matmul %get3A_1, %dot_general3A_27, %dot_general3A_28 {dimension_numbers = #tpu.dot_dimension_numbers<[1], [0], [0], [1], [0, 0, 1, 1], [], []>, transpose_lhs_hint = false} : vector<2048x16xf32>, vector<16x64xf32>, vector<2048x64xf32> -> vector<2048x64xf32>
    %swap3A_30 = arith.constant 1 : index
    %swap3A_31 = arith.constant 0 : index
    %swap3A_32 = arith.constant 0 : index
    %swap3A_33 = vector.load %arg4[%swap3A_30, %swap3A_31, %swap3A_32] : memref<4x2048x64xf32, #tpu.memory_space<vmem>>, vector<1x2048x64xf32>
    %swap3A_34 = vector.shape_cast %swap3A_33 : vector<1x2048x64xf32> to vector<2048x64xf32>
    %swap3A_35 = vector.shape_cast %dot_general3A_29 : vector<2048x64xf32> to vector<1x2048x64xf32>
    tpu.vector_store %arg4[%swap3A_30, %swap3A_31, %swap3A_32], %swap3A_35 {strides = array<i32>} : memref<4x2048x64xf32, #tpu.memory_space<vmem>>, vector<1x2048x64xf32>,
    %get3A_36 = arith.constant 0 : index
    %get3A_37 = arith.constant 0 : index
    %get3A_38 = vector.load %arg2[%get3A_36, %get3A_37] : memref<16x64xf32, #tpu.memory_space<vmem>>, vector<16x64xf32>
    %get3A_39 = arith.constant 2 : index
    %get3A_40 = arith.constant 0 : index
    %get3A_41 = arith.constant 0 : index
    %get3A_42 = vector.load %arg3[%get3A_39, %get3A_40, %get3A_41] : memref<4x64x64xf32, #tpu.memory_space<vmem>>, vector<1x64x64xf32>
    %get3A_43 = vector.shape_cast %get3A_42 : vector<1x64x64xf32> to vector<64x64xf32>
    %dot_general3A_44 = arith.constant dense<0.000000e+00> : vector<16x64xf32>
    %dot_general3A_45 = tpu.matmul %get3A_38, %get3A_43, %dot_general3A_44 {dimension_numbers = #tpu.dot_dimension_numbers<[1], [0], [0], [1], [0, 0, 1, 1], [], []>, transpose_lhs_hint = false} : vector<16x64xf32>, vector<64x64xf32>, vector<16x64xf32> -> vector<16x64xf32>
    %dot_general3A_46 = arith.constant dense<0.000000e+00> : vector<2048x64xf32>
    %dot_general3A_47 = tpu.matmul %get3A_1, %dot_general3A_45, %dot_general3A_46 {dimension_numbers = #tpu.dot_dimension_numbers<[1], [0], [0], [1], [0, 0, 1, 1], [], []>, transpose_lhs_hint = false} : vector<2048x16xf32>, vector<16x64xf32>, vector<2048x64xf32> -> vector<2048x64xf32>
    %swap3A_48 = arith.constant 2 : index
    %swap3A_49 = arith.constant 0 : index
    %swap3A_50 = arith.constant 0 : index
    %swap3A_51 = vector.load %arg4[%swap3A_48, %swap3A_49, %swap3A_50] : memref<4x2048x64xf32, #tpu.memory_space<vmem>>, vector<1x2048x64xf32>
    %swap3A_52 = vector.shape_cast %swap3A_51 : vector<1x2048x64xf32> to vector<2048x64xf32>
    %swap3A_53 = vector.shape_cast %dot_general3A_47 : vector<2048x64xf32> to vector<1x2048x64xf32>
    tpu.vector_store %arg4[%swap3A_48, %swap3A_49, %swap3A_50], %swap3A_53 {strides = array<i32>} : memref<4x2048x64xf32, #tpu.memory_space<vmem>>, vector<1x2048x64xf32>,
    %get3A_54 = arith.constant 0 : index
    %get3A_55 = arith.constant 0 : index
    %get3A_56 = vector.load %arg2[%get3A_54, %get3A_55] : memref<16x64xf32, #tpu.memory_space<vmem>>, vector<16x64xf32>
    %get3A_57 = arith.constant 3 : index
    %get3A_58 = arith.constant 0 : index
    %get3A_59 = arith.constant 0 : index
    %get3A_60 = vector.load %arg3[%get3A_57, %get3A_58, %get3A_59] : memref<4x64x64xf32, #tpu.memory_space<vmem>>, vector<1x64x64xf32>
    %get3A_61 = vector.shape_cast %get3A_60 : vector<1x64x64xf32> to vector<64x64xf32>
    %dot_general3A_62 = arith.constant dense<0.000000e+00> : vector<16x64xf32>
    %dot_general3A_63 = tpu.matmul %get3A_56, %get3A_61, %dot_general3A_62 {dimension_numbers = #tpu.dot_dimension_numbers<[1], [0], [0], [1], [0, 0, 1, 1], [], []>, transpose_lhs_hint = false} : vector<16x64xf32>, vector<64x64xf32>, vector<16x64xf32> -> vector<16x64xf32>
    %dot_general3A_64 = arith.constant dense<0.000000e+00> : vector<2048x64xf32>
    %dot_general3A_65 = tpu.matmul %get3A_1, %dot_general3A_63, %dot_general3A_64 {dimension_numbers = #tpu.dot_dimension_numbers<[1], [0], [0], [1], [0, 0, 1, 1], [], []>, transpose_lhs_hint = false} : vector<2048x16xf32>, vector<16x64xf32>, vector<2048x64xf32> -> vector<2048x64xf32>
    %swap3A_66 = arith.constant 3 : index
    %swap3A_67 = arith.constant 0 : index
    %swap3A_68 = arith.constant 0 : index
    %swap3A_69 = vector.load %arg4[%swap3A_66, %swap3A_67, %swap3A_68] : memref<4x2048x64xf32, #tpu.memory_space<vmem>>, vector<1x2048x64xf32>
    %swap3A_70 = vector.shape_cast %swap3A_69 : vector<1x2048x64xf32> to vector<2048x64xf32>
    %swap3A_71 = vector.shape_cast %dot_general3A_65 : vector<2048x64xf32> to vector<1x2048x64xf32>
    tpu.vector_store %arg4[%swap3A_66, %swap3A_67, %swap3A_68], %swap3A_71 {strides = array<i32>} : memref<4x2048x64xf32, #tpu.memory_space<vmem>>, vector<1x2048x64xf32>,
    return
  }
  func.func @transform_0(%arg0: i32) -> (i32, i32) {
    %c0_i32 = arith.constant 0 : i32
    %c0_i32_0 = arith.constant 0 : i32
    return %arg0, %c0_i32 : i32, i32
  }
  func.func @transform_1(%arg0: i32) -> (i32, i32) {
    %c0_i32 = arith.constant 0 : i32
    %c0_i32_0 = arith.constant 0 : i32
    %c0_i32_1 = arith.constant 0 : i32
    return %c0_i32, %c0_i32_0 : i32, i32
  }
  func.func @transform_2(%arg0: i32) -> (i32, i32, i32) {
    %c0_i32 = arith.constant 0 : i32
    %c0_i32_0 = arith.constant 0 : i32
    %c0_i32_1 = arith.constant 0 : i32
    %c0_i32_2 = arith.constant 0 : i32
    return %c0_i32, %c0_i32_0, %c0_i32_1 : i32, i32, i32
  }
  func.func @transform_3(%arg0: i32) -> (i32, i32, i32) {
    %c0_i32 = arith.constant 0 : i32
    %c0_i32_0 = arith.constant 0 : i32
    %c0_i32_1 = arith.constant 0 : i32
    return %c0_i32, %arg0, %c0_i32_0 : i32, i32, i32
  }
}

module attributes {stable_mosaic.version = 14 : i64} {
  func.func @_update_mid_body(%arg0: i32, %arg1: memref<2x1280x64xf32, #tpu.memory_space<vmem>>, %arg2: memref<1280x64xf32, #tpu.memory_space<vmem>>, %arg3: memref<64x64xf32, #tpu.memory_space<vmem>>, %arg4: memref<64x64xf32, #tpu.memory_space<vmem>>, %arg5: memref<1280x64xf32, #tpu.memory_space<vmem>>, %arg6: memref<1280x64xf32, #tpu.memory_space<vmem>>) attributes {dimension_semantics = [#tpu.dimension_semantics<arbitrary>], iteration_bounds = array<i64: 8>, scalar_prefetch = 0 : i64, scratch_operands = 0 : i64, tpu.core_type = #tpu.core_type<tc>, window_params = [{transform_indices = @transform_0, window_bounds = array<i64: 2, 1280, 64>}, {transform_indices = @transform_1, window_bounds = array<i64: 1280, 64>}, {pipeline_mode = #tpu.pipeline_mode<synchronous>, transform_indices = @transform_2, window_bounds = array<i64: 64, 64>}, {pipeline_mode = #tpu.pipeline_mode<synchronous>, transform_indices = @transform_3, window_bounds = array<i64: 64, 64>}, {transform_indices = @transform_4, window_bounds = array<i64: 1280, 64>}, {transform_indices = @transform_5, window_bounds = array<i64: 1280, 64>}]} {
    %get3A = arith.constant 0 : index
    %get3A_0 = arith.constant 0 : index
    %get3A_1 = arith.constant 0 : index
    %get3A_2 = vector.load %arg1[%get3A, %get3A_0, %get3A_1] : memref<2x1280x64xf32, #tpu.memory_space<vmem>>, vector<1x1280x64xf32>
    %get3A_3 = vector.shape_cast %get3A_2 : vector<1x1280x64xf32> to vector<1280x64xf32>
    %get3A_4 = arith.constant 1 : index
    %get3A_5 = arith.constant 0 : index
    %get3A_6 = arith.constant 0 : index
    %get3A_7 = vector.load %arg1[%get3A_4, %get3A_5, %get3A_6] : memref<2x1280x64xf32, #tpu.memory_space<vmem>>, vector<1x1280x64xf32>
    %get3A_8 = vector.shape_cast %get3A_7 : vector<1x1280x64xf32> to vector<1280x64xf32>
    %add3A = arith.addf %get3A_3, %get3A_8 : vector<1280x64xf32>
    %get3A_9 = arith.constant 0 : index
    %get3A_10 = arith.constant 0 : index
    %get3A_11 = vector.load %arg3[%get3A_9, %get3A_10] : memref<64x64xf32, #tpu.memory_space<vmem>>, vector<64x64xf32>
    %dot_general3A = arith.constant dense<0.000000e+00> : vector<1280x64xf32>
    %dot_general3A_12 = tpu.matmul %add3A, %get3A_11, %dot_general3A {dimension_numbers = #tpu.dot_dimension_numbers<[1], [0], [0], [1], [0, 0, 1, 1], [], []>, transpose_lhs_hint = false} : vector<1280x64xf32>, vector<64x64xf32>, vector<1280x64xf32> -> vector<1280x64xf32>
    %get3A_13 = arith.constant 0 : index
    %get3A_14 = arith.constant 0 : index
    %get3A_15 = vector.load %arg2[%get3A_13, %get3A_14] : memref<1280x64xf32, #tpu.memory_space<vmem>>, vector<1280x64xf32>
    %max3A = arith.constant 0.000000e+00 : f32
    %max3A_16 = vector.broadcast %max3A : f32 to vector<1280x64xf32>
    %max3A_17 = arith.maximumf %dot_general3A_12, %max3A_16 : vector<1280x64xf32>
    %min3A = arith.constant 0.000000e+00 : f32
    %min3A_18 = vector.broadcast %min3A : f32 to vector<1280x64xf32>
    %min3A_19 = arith.minimumf %dot_general3A_12, %min3A_18 : vector<1280x64xf32>
    %mul3A = arith.constant 0.00999999977 : f32
    %mul3A_20 = vector.broadcast %mul3A : f32 to vector<1280x64xf32>
    %mul3A_21 = arith.mulf %mul3A_20, %min3A_19 : vector<1280x64xf32>
    %add3A_22 = arith.addf %max3A_17, %mul3A_21 : vector<1280x64xf32>
    %mul3A_23 = arith.constant 1.000000e-01 : f32
    %mul3A_24 = vector.broadcast %mul3A_23 : f32 to vector<1280x64xf32>
    %mul3A_25 = arith.mulf %mul3A_24, %add3A_22 : vector<1280x64xf32>
    %add3A_26 = arith.addf %get3A_15, %mul3A_25 : vector<1280x64xf32>
    %swap3A = arith.constant 0 : index
    %swap3A_27 = arith.constant 0 : index
    %swap3A_28 = vector.load %arg5[%swap3A, %swap3A_27] : memref<1280x64xf32, #tpu.memory_space<vmem>>, vector<1280x64xf32>
    tpu.vector_store %arg5[%swap3A, %swap3A_27], %add3A_26 {strides = array<i32>} : memref<1280x64xf32, #tpu.memory_space<vmem>>, vector<1280x64xf32>,
    %get3A_29 = arith.constant 0 : index
    %get3A_30 = arith.constant 0 : index
    %get3A_31 = vector.load %arg4[%get3A_29, %get3A_30] : memref<64x64xf32, #tpu.memory_space<vmem>>, vector<64x64xf32>
    %dot_general3A_32 = arith.constant dense<0.000000e+00> : vector<1280x64xf32>
    %dot_general3A_33 = tpu.matmul %add3A_26, %get3A_31, %dot_general3A_32 {dimension_numbers = #tpu.dot_dimension_numbers<[1], [0], [0], [1], [0, 0, 1, 1], [], []>, transpose_lhs_hint = false} : vector<1280x64xf32>, vector<64x64xf32>, vector<1280x64xf32> -> vector<1280x64xf32>
    %swap3A_34 = arith.constant 0 : index
    %swap3A_35 = arith.constant 0 : index
    %swap3A_36 = vector.load %arg6[%swap3A_34, %swap3A_35] : memref<1280x64xf32, #tpu.memory_space<vmem>>, vector<1280x64xf32>
    tpu.vector_store %arg6[%swap3A_34, %swap3A_35], %dot_general3A_33 {strides = array<i32>} : memref<1280x64xf32, #tpu.memory_space<vmem>>, vector<1280x64xf32>,
    return
  }
  func.func @transform_0(%arg0: i32) -> (i32, i32, i32) {
    %c0_i32 = arith.constant 0 : i32
    %c0_i32_0 = arith.constant 0 : i32
    %c0_i32_1 = arith.constant 0 : i32
    return %c0_i32, %arg0, %c0_i32_0 : i32, i32, i32
  }
  func.func @transform_1(%arg0: i32) -> (i32, i32) {
    %c0_i32 = arith.constant 0 : i32
    %c0_i32_0 = arith.constant 0 : i32
    return %arg0, %c0_i32 : i32, i32
  }
  func.func @transform_2(%arg0: i32) -> (i32, i32) {
    %c0_i32 = arith.constant 0 : i32
    %c0_i32_0 = arith.constant 0 : i32
    %c0_i32_1 = arith.constant 0 : i32
    return %c0_i32, %c0_i32_0 : i32, i32
  }
  func.func @transform_3(%arg0: i32) -> (i32, i32) {
    %c0_i32 = arith.constant 0 : i32
    %c0_i32_0 = arith.constant 0 : i32
    %c0_i32_1 = arith.constant 0 : i32
    return %c0_i32, %c0_i32_0 : i32, i32
  }
  func.func @transform_4(%arg0: i32) -> (i32, i32) {
    %c0_i32 = arith.constant 0 : i32
    %c0_i32_0 = arith.constant 0 : i32
    return %arg0, %c0_i32 : i32, i32
  }
  func.func @transform_5(%arg0: i32) -> (i32, i32) {
    %c0_i32 = arith.constant 0 : i32
    %c0_i32_0 = arith.constant 0 : i32
    return %arg0, %c0_i32 : i32, i32
  }
}

module attributes {stable_mosaic.version = 14 : i64} {
  func.func @_update_last_body(%arg0: i32, %arg1: memref<2x1280x64xf32, #tpu.memory_space<vmem>>, %arg2: memref<1280x64xf32, #tpu.memory_space<vmem>>, %arg3: memref<64x64xf32, #tpu.memory_space<vmem>>, %arg4: memref<1280x1xf32, #tpu.memory_space<vmem>>, %arg5: memref<64x1xf32, #tpu.memory_space<vmem>>, %arg6: memref<1280x1xf32, #tpu.memory_space<vmem>>) attributes {dimension_semantics = [#tpu.dimension_semantics<arbitrary>], iteration_bounds = array<i64: 8>, scalar_prefetch = 0 : i64, scratch_operands = 0 : i64, tpu.core_type = #tpu.core_type<tc>, window_params = [{transform_indices = @transform_0, window_bounds = array<i64: 2, 1280, 64>}, {transform_indices = @transform_1, window_bounds = array<i64: 1280, 64>}, {pipeline_mode = #tpu.pipeline_mode<synchronous>, transform_indices = @transform_2, window_bounds = array<i64: 64, 64>}, {transform_indices = @transform_3, window_bounds = array<i64: 1280, 1>}, {pipeline_mode = #tpu.pipeline_mode<synchronous>, transform_indices = @transform_4, window_bounds = array<i64: 64, 1>}, {transform_indices = @transform_5, window_bounds = array<i64: 1280, 1>}]} {
    %get3A = arith.constant 0 : index
    %get3A_0 = arith.constant 0 : index
    %get3A_1 = arith.constant 0 : index
    %get3A_2 = vector.load %arg1[%get3A, %get3A_0, %get3A_1] : memref<2x1280x64xf32, #tpu.memory_space<vmem>>, vector<1x1280x64xf32>
    %get3A_3 = vector.shape_cast %get3A_2 : vector<1x1280x64xf32> to vector<1280x64xf32>
    %get3A_4 = arith.constant 1 : index
    %get3A_5 = arith.constant 0 : index
    %get3A_6 = arith.constant 0 : index
    %get3A_7 = vector.load %arg1[%get3A_4, %get3A_5, %get3A_6] : memref<2x1280x64xf32, #tpu.memory_space<vmem>>, vector<1x1280x64xf32>
    %get3A_8 = vector.shape_cast %get3A_7 : vector<1x1280x64xf32> to vector<1280x64xf32>
    %add3A = arith.addf %get3A_3, %get3A_8 : vector<1280x64xf32>
    %get3A_9 = arith.constant 0 : index
    %get3A_10 = arith.constant 0 : index
    %get3A_11 = vector.load %arg3[%get3A_9, %get3A_10] : memref<64x64xf32, #tpu.memory_space<vmem>>, vector<64x64xf32>
    %dot_general3A = arith.constant dense<0.000000e+00> : vector<1280x64xf32>
    %dot_general3A_12 = tpu.matmul %add3A, %get3A_11, %dot_general3A {dimension_numbers = #tpu.dot_dimension_numbers<[1], [0], [0], [1], [0, 0, 1, 1], [], []>, transpose_lhs_hint = false} : vector<1280x64xf32>, vector<64x64xf32>, vector<1280x64xf32> -> vector<1280x64xf32>
    %get3A_13 = arith.constant 0 : index
    %get3A_14 = arith.constant 0 : index
    %get3A_15 = vector.load %arg2[%get3A_13, %get3A_14] : memref<1280x64xf32, #tpu.memory_space<vmem>>, vector<1280x64xf32>
    %max3A = arith.constant 0.000000e+00 : f32
    %max3A_16 = vector.broadcast %max3A : f32 to vector<1280x64xf32>
    %max3A_17 = arith.maximumf %dot_general3A_12, %max3A_16 : vector<1280x64xf32>
    %min3A = arith.constant 0.000000e+00 : f32
    %min3A_18 = vector.broadcast %min3A : f32 to vector<1280x64xf32>
    %min3A_19 = arith.minimumf %dot_general3A_12, %min3A_18 : vector<1280x64xf32>
    %mul3A = arith.constant 0.00999999977 : f32
    %mul3A_20 = vector.broadcast %mul3A : f32 to vector<1280x64xf32>
    %mul3A_21 = arith.mulf %mul3A_20, %min3A_19 : vector<1280x64xf32>
    %add3A_22 = arith.addf %max3A_17, %mul3A_21 : vector<1280x64xf32>
    %mul3A_23 = arith.constant 1.000000e-01 : f32
    %mul3A_24 = vector.broadcast %mul3A_23 : f32 to vector<1280x64xf32>
    %mul3A_25 = arith.mulf %mul3A_24, %add3A_22 : vector<1280x64xf32>
    %add3A_26 = arith.addf %get3A_15, %mul3A_25 : vector<1280x64xf32>
    %get3A_27 = arith.constant 0 : index
    %get3A_28 = arith.constant 0 : index
    %get3A_29 = vector.load %arg4[%get3A_27, %get3A_28] : memref<1280x1xf32, #tpu.memory_space<vmem>>, vector<1280x1xf32>
    %mul3A_30 = vector.broadcast %get3A_29 : vector<1280x1xf32> to vector<1280x64xf32>
    %mul3A_31 = arith.mulf %add3A_26, %mul3A_30 : vector<1280x64xf32>
    %get3A_32 = arith.constant 0 : index
    %get3A_33 = arith.constant 0 : index
    %get3A_34 = vector.load %arg5[%get3A_32, %get3A_33] : memref<64x1xf32, #tpu.memory_space<vmem>>, vector<64x1xf32>
    %dot_general3A_35 = arith.constant dense<0.000000e+00> : vector<1280x1xf32>
    %dot_general3A_36 = tpu.matmul %mul3A_31, %get3A_34, %dot_general3A_35 {dimension_numbers = #tpu.dot_dimension_numbers<[1], [0], [0], [1], [0, 0, 1, 1], [], []>, transpose_lhs_hint = false} : vector<1280x64xf32>, vector<64x1xf32>, vector<1280x1xf32> -> vector<1280x1xf32>
    %swap3A = arith.constant 0 : index
    %swap3A_37 = arith.constant 0 : index
    %swap3A_38 = vector.load %arg6[%swap3A, %swap3A_37] : memref<1280x1xf32, #tpu.memory_space<vmem>>, vector<1280x1xf32>
    tpu.vector_store %arg6[%swap3A, %swap3A_37], %dot_general3A_36 {strides = array<i32>} : memref<1280x1xf32, #tpu.memory_space<vmem>>, vector<1280x1xf32>,
    return
  }
  func.func @transform_0(%arg0: i32) -> (i32, i32, i32) {
    %c0_i32 = arith.constant 0 : i32
    %c0_i32_0 = arith.constant 0 : i32
    %c0_i32_1 = arith.constant 0 : i32
    return %c0_i32, %arg0, %c0_i32_0 : i32, i32, i32
  }
  func.func @transform_1(%arg0: i32) -> (i32, i32) {
    %c0_i32 = arith.constant 0 : i32
    %c0_i32_0 = arith.constant 0 : i32
    return %arg0, %c0_i32 : i32, i32
  }
  func.func @transform_2(%arg0: i32) -> (i32, i32) {
    %c0_i32 = arith.constant 0 : i32
    %c0_i32_0 = arith.constant 0 : i32
    %c0_i32_1 = arith.constant 0 : i32
    return %c0_i32, %c0_i32_0 : i32, i32
  }
  func.func @transform_3(%arg0: i32) -> (i32, i32) {
    %c0_i32 = arith.constant 0 : i32
    %c0_i32_0 = arith.constant 0 : i32
    return %arg0, %c0_i32 : i32, i32
  }
  func.func @transform_4(%arg0: i32) -> (i32, i32) {
    %c0_i32 = arith.constant 0 : i32
    %c0_i32_0 = arith.constant 0 : i32
    %c0_i32_1 = arith.constant 0 : i32
    return %c0_i32, %c0_i32_0 : i32, i32
  }
  func.func @transform_5(%arg0: i32) -> (i32, i32) {
    %c0_i32 = arith.constant 0 : i32
    %c0_i32_0 = arith.constant 0 : i32
    return %arg0, %c0_i32 : i32, i32
  }
}

module attributes {stable_mosaic.version = 14 : i64} {
  func.func @_final_body(%arg0: memref<32x16x16xf32, #tpu.memory_space<vmem>>, %arg1: memref<1x1xf32, #tpu.memory_space<vmem>>, %arg2: memref<1x1xf32, #tpu.memory_space<vmem>>, %arg3: memref<1x1xf32, #tpu.memory_space<vmem>>, %arg4: memref<1x1xf32, #tpu.memory_space<vmem>>, %arg5: memref<16x1xf32, #tpu.memory_space<vmem>>) attributes {dimension_semantics = [], scalar_prefetch = 0 : i64, scratch_operands = 0 : i64, tpu.core_type = #tpu.core_type<tc>} {
    %get3A = arith.constant 0 : index
    %get3A_0 = arith.constant 0 : index
    %get3A_1 = arith.constant 0 : index
    %get3A_2 = vector.load %arg0[%get3A, %get3A_0, %get3A_1] : memref<32x16x16xf32, #tpu.memory_space<vmem>>, vector<32x16x16xf32>
    %reduce_sum3A = arith.constant dense<0.000000e+00> : vector<16x16xf32>
    %reduce_sum3A_3 = vector.multi_reduction <add>, %get3A_2, %reduce_sum3A [0] : vector<32x16x16xf32> to vector<16x16xf32>
    %reduce_sum3A_4 = arith.constant dense<0.000000e+00> : vector<16xf32>
    %reduce_sum3A_5 = vector.multi_reduction <add>, %reduce_sum3A_3, %reduce_sum3A_4 [1] : vector<16x16xf32> to vector<16xf32>
    %broadcast_in_dim3A = vector.shape_cast %reduce_sum3A_5 : vector<16xf32> to vector<16x1xf32>
    %reduce_sum3A_6 = arith.constant dense<0.000000e+00> : vector<16xf32>
    %reduce_sum3A_7 = vector.multi_reduction <add>, %broadcast_in_dim3A, %reduce_sum3A_6 [1] : vector<16x1xf32> to vector<16xf32>
    %broadcast_in_dim3A_8 = vector.shape_cast %reduce_sum3A_7 : vector<16xf32> to vector<16x1xf32>
    %div3A = arith.constant 1.000000e+00 : f32
    %div3A_9 = vector.broadcast %div3A : f32 to vector<16x1xf32>
    %div3A_10 = arith.divf %broadcast_in_dim3A_8, %div3A_9 : vector<16x1xf32>
    %sub3A = arith.subf %broadcast_in_dim3A, %div3A_10 : vector<16x1xf32>
    %integer_pow3A = arith.mulf %sub3A, %sub3A : vector<16x1xf32>
    %reduce_sum3A_11 = arith.constant dense<0.000000e+00> : vector<16xf32>
    %reduce_sum3A_12 = vector.multi_reduction <add>, %integer_pow3A, %reduce_sum3A_11 [1] : vector<16x1xf32> to vector<16xf32>
    %broadcast_in_dim3A_13 = vector.shape_cast %reduce_sum3A_12 : vector<16xf32> to vector<16x1xf32>
    %div3A_14 = arith.constant 1.000000e+00 : f32
    %div3A_15 = vector.broadcast %div3A_14 : f32 to vector<16x1xf32>
    %div3A_16 = arith.divf %broadcast_in_dim3A_13, %div3A_15 : vector<16x1xf32>
    %sub3A_17 = arith.subf %broadcast_in_dim3A, %div3A_10 : vector<16x1xf32>
    %add3A = arith.constant 9.99999974E-6 : f32
    %add3A_18 = vector.broadcast %add3A : f32 to vector<16x1xf32>
    %add3A_19 = arith.addf %div3A_16, %add3A_18 : vector<16x1xf32>
    %sqrt3A = math.sqrt %add3A_19 : vector<16x1xf32>
    %div3A_20 = arith.divf %sub3A_17, %sqrt3A : vector<16x1xf32>
    %get3A_21 = arith.constant 0 : index
    %get3A_22 = arith.constant 0 : index
    %get3A_23 = vector.load %arg1[%get3A_21, %get3A_22] : memref<1x1xf32, #tpu.memory_space<vmem>>, vector<1x1xf32>
    %get3A_24 = vector.extract %get3A_23[0, 0] : f32 from vector<1x1xf32>
    %mul3A = vector.broadcast %get3A_24 : f32 to vector<16x1xf32>
    %mul3A_25 = arith.mulf %div3A_20, %mul3A : vector<16x1xf32>
    %get3A_26 = arith.constant 0 : index
    %get3A_27 = arith.constant 0 : index
    %get3A_28 = vector.load %arg2[%get3A_26, %get3A_27] : memref<1x1xf32, #tpu.memory_space<vmem>>, vector<1x1xf32>
    %get3A_29 = vector.extract %get3A_28[0, 0] : f32 from vector<1x1xf32>
    %add3A_30 = vector.broadcast %get3A_29 : f32 to vector<16x1xf32>
    %add3A_31 = arith.addf %mul3A_25, %add3A_30 : vector<16x1xf32>
    %tanh3A = math.tanh %add3A_31 : vector<16x1xf32>
    %get3A_32 = arith.constant 0 : index
    %get3A_33 = arith.constant 0 : index
    %get3A_34 = vector.load %arg3[%get3A_32, %get3A_33] : memref<1x1xf32, #tpu.memory_space<vmem>>, vector<1x1xf32>
    %get3A_35 = vector.extract %get3A_34[0, 0] : f32 from vector<1x1xf32>
    %mul3A_36 = vector.broadcast %get3A_35 : f32 to vector<16x1xf32>
    %mul3A_37 = arith.mulf %tanh3A, %mul3A_36 : vector<16x1xf32>
    %get3A_38 = arith.constant 0 : index
    %get3A_39 = arith.constant 0 : index
    %get3A_40 = vector.load %arg4[%get3A_38, %get3A_39] : memref<1x1xf32, #tpu.memory_space<vmem>>, vector<1x1xf32>
    %get3A_41 = vector.extract %get3A_40[0, 0] : f32 from vector<1x1xf32>
    %add3A_42 = vector.broadcast %get3A_41 : f32 to vector<16x1xf32>
    %add3A_43 = arith.addf %mul3A_37, %add3A_42 : vector<16x1xf32>
    %swap3A = arith.constant 0 : index
    %swap3A_44 = arith.constant 0 : index
    %swap3A_45 = vector.load %arg5[%swap3A, %swap3A_44] : memref<16x1xf32, #tpu.memory_space<vmem>>, vector<16x1xf32>
    tpu.vector_store %arg5[%swap3A, %swap3A_44], %add3A_43 {strides = array<i32>} : memref<16x1xf32, #tpu.memory_space<vmem>>, vector<16x1xf32>,
    return
  }
}

</mosaic_0001>

<sc_bundles>
// kernel: kernel.14.cloned.1.call-start
scs
__scs_entry_jumppad:
0x0: {  	(pc) =	sbr.rel $0x88, $3  }
0x1: {  	(tag) =	ssettag $0x0;
	lr =	simm.s32 $0x1  }
0x2: {  	[smem:$0x3F90] =	sst lr;
	_ =	strace $0xD0000000  }
0x3: {  	_ = 	snop  }
0x4: {  	_ = 	snop  }
0x5: {  	_ = 	snop  }
0x6: {  	_ = 	snop  }
0x7: {  	_ = 	snop  }
__scs_overlays_trampoline_lowered:
0x8: {  	[smem:$0x3F9F] =	sst s0  }
0x9: {  	[smem:$0x3FA0] =	sst s1  }
0xa: {  	[smem:$0x3FA1] =	sst s2  }
0xb: {  	[smem:$0x3FA2] =	sst s3  }
0xc: {  	[smem:$0x3FA3] =	sst s4  }
0xd: {  	[smem:$0x3FA4] =	sst s5  }
0xe: {  	[smem:$0x3FA5] =	sst s6  }
0xf: {  	[smem:$0x3FA6] =	sst s7  }
0x10: {  	[smem:$0x3FA7] =	sst s8  }
0x11: {  	[smem:$0x3FA8] =	sst s9;
	s0 =	simm.s32 @!p0 $0x0  }
0x12: {  	s1 =	sld [smem:$0x3F8E];
	s0 =	simm.s32 @p0 $0x1  }
0x13: {  	[smem:$0x3FA9] =	sst s0;
	s0 =	simm.s32 @!p1 $0x0  }
0x14: {  	s2 =	sld [smem:$0x3F8D];
	s0 =	simm.s32 @p1 $0x1  }
0x15: {  	[smem:$0x3FAA] =	sst s0;
	s0 =	simm.s32 @!p2 $0x0  }
0x16: {  	s3 =	sld [smem:$0x3FDB];
	s0 =	simm.s32 @p2 $0x1  }
0x17: {  	s4 =	simm.s32 $0x1BF5;
	[smem:$0x3FAC] =	sst s0  }
0x18: {  	s0 =	sld [smem:$0x3F8F];
	_ =	swait.ge [sflag:s4], $0x0  }
0x19: {  	s7 =	sld [smem:$0x3F90]  }
0x1a: {  	s8 =	sadd.s32 $0xFFFFE003, lr  }
0x1b: {  	s9 =	sadd.s32 $0xFFFFFEF7, lr;
	s5 =	simm.s32 $0xFFFFFFFF;
	p2 =	slt.u32 s8, $0xFFFFF086  }
0x1c: {  	p1 =	slt.u32 s9, $0xF7A;
	s5 =	simm.s32 @!p2 $0x0  }
0x1d: {  	s5 =	simm.s32 @p1 $0x1;
	p0 =	seq.s32 s7, s2  }
0x1e: {  	s7 =	smul.u32 @!p0 $0xF7A, s2;
	p2 =	seq.s32 @!p0 s5, $0x0  }
0x1f: {  	s9 =	smul.u32 $0xF7A, s1;
	s8 =	simm.s32 @!p0 $0x1BF5;
	p2 =	por !p2, p0  }
0x20: {  	[sflag:s8] =	ssyncset.s32 @!p0 $0xFFFFF086;
	s6 =	sadd.s32 @!p0 s3, s7;
	s7 =	simm.s32 @!p0 $0x108  }
0x21: {  	s3 =	sadd.s32 s3, s9;
	s6 =	sadd.s32 @!p0 $0x88, s6;
	s7 =	simm.s32 @p2 $0x1082  }
0x22: {  	[simem:s7], [sflag:s8] =	dma.local @!p0 [hbm:s6], $0xF7A  }
0x23: {  	s9 =	sor.u32 $0xD0000000, s2;
	s6 =	simm.s32 $0x108;
	_ =	swait.ge @!p0 [sflag:s8], $0x0  }
0x24: {  	s3 =	sadd.s32 $0x88, s3;
	s6 =	simm.s32 @!p1 $0x1082;
	[sflag:s4] =	ssyncset.s32 $0xFFFFF086  }
0x25: {  	[simem:s6], [sflag:s4] =	dma.local [hbm:s3], $0xF7A  }
0x26: {  	[smem:$0x3F90] =	sst s1;
	(tag) =	ssettag s2;
	_ =	strace s9  }
0x27: {  	s1 =	sld [smem:$0x3FA0]  }
0x28: {  	s2 =	sld [smem:$0x3FA1]  }
0x29: {  	s4 =	sld [smem:$0x3FA3]  }
0x2a: {  	p0 =	seq.s32 s5, $0x0;
	s5 =	sld [smem:$0x3FA4]  }
0x2b: {  	s6 =	sld [smem:$0x3FA5]  }
0x2c: {  	s7 =	sld [smem:$0x3FA6]  }
0x2d: {  	s3 =	simm.s32 $0x108;
	s8 =	sld [smem:$0x3FA7]  }
0x2e: {  	s3 =	simm.s32 @!p0 $0x1082;
	s9 =	sld [smem:$0x3FA8]  }
0x2f: {  	lr =	sadd.s32 s0, s3;
	s0 =	sld [smem:$0x3F9F]  }
0x30: {  	s3 =	sld [smem:$0x3FA2]  }
0x31: {  	[smem:$0x3FAB] =	sst s10  }
0x32: {  	s10 =	sld [smem:$0x3FA9];
	_ =	sdelay $0x3  }
0x33: {  	p0 =	seq.s32 s10, $0x1;
	s10 =	sld [smem:$0x3FAB];
	_ =	sdelay $0x3  }
0x34: {  	[smem:$0x3FAB] =	sst s10  }
0x35: {  	s10 =	sld [smem:$0x3FAA];
	_ =	sdelay $0x3  }
0x36: {  	p1 =	seq.s32 s10, $0x1;
	s10 =	sld [smem:$0x3FAB];
	_ =	sdelay $0x3  }
0x37: {  	[smem:$0x3FAB] =	sst s10  }
0x38: {  	s10 =	sld [smem:$0x3FAC]  }
0x39: {  	_ = 	snop;
	(pc) =	sbr.ind lr, $3  }
0x3a: {  	_ = 	snop  }
0x3b: {  	_ = 	snop  }
0x3c: {  	p2 =	seq.s32 s10, $0x1;
	s10 =	sld [smem:$0x3FAB]  }
0x3d: {  	_ =	shalt  }
0x3e: {  	_ =	shalt  }
0x3f: {  	_ =	shalt  }
0x40: {  	_ =	shalt  }
0x41: {  	_ =	shalt  }
0x42: {  	_ =	shalt  }
0x43: {  	_ =	shalt  }
0x44: {  	_ =	shalt  }
0x45: {  	_ =	shalt  }
0x46: {  	_ =	shalt  }
0x47: {  	_ =	shalt  }
0x48: {  	_ =	shalt  }
0x49: {  	_ =	shalt  }
0x4a: {  	_ =	shalt  }
0x4b: {  	_ =	shalt  }
0x4c: {  	_ =	shalt  }
0x4d: {  	_ =	shalt  }
0x4e: {  	_ =	shalt  }
0x4f: {  	_ =	shalt  }
0x50: {  	_ =	shalt  }
0x51: {  	_ =	shalt  }
0x52: {  	_ =	shalt  }
0x53: {  	_ =	shalt  }
0x54: {  	_ =	shalt  }
0x55: {  	_ =	shalt  }
0x56: {  	_ =	shalt  }
0x57: {  	_ =	shalt  }
0x58: {  	_ =	shalt  }
0x59: {  	_ =	shalt  }
0x5a: {  	_ =	shalt  }
0x5b: {  	_ =	shalt  }
0x5c: {  	_ =	shalt  }
0x5d: {  	_ =	shalt  }
0x5e: {  	_ =	shalt  }
0x5f: {  	_ =	shalt  }
0x60: {  	_ =	shalt  }
0x61: {  	_ =	shalt  }
0x62: {  	_ =	shalt  }
0x63: {  	_ =	shalt  }
0x64: {  	_ =	shalt  }
0x65: {  	_ =	shalt  }
0x66: {  	_ =	shalt  }
0x67: {  	_ =	shalt  }
0x68: {  	_ =	shalt  }
0x69: {  	_ =	shalt  }
0x6a: {  	_ =	shalt  }
0x6b: {  	_ =	shalt  }
0x6c: {  	_ =	shalt  }
0x6d: {  	_ =	shalt  }
0x6e: {  	_ =	shalt  }
0x6f: {  	_ =	shalt  }
0x70: {  	_ =	shalt  }
0x71: {  	_ =	shalt  }
0x72: {  	_ =	shalt  }
0x73: {  	_ =	shalt  }
0x74: {  	_ =	shalt  }
0x75: {  	_ =	shalt  }
0x76: {  	_ =	shalt  }
0x77: {  	_ =	shalt  }
0x78: {  	_ =	shalt  }
0x79: {  	_ =	shalt  }
0x7a: {  	_ =	shalt  }
0x7b: {  	_ =	shalt  }
0x7c: {  	_ =	shalt  }
0x7d: {  	_ =	shalt  }
0x7e: {  	_ =	shalt  }
0x7f: {  	_ =	shalt  }
0x80: {  	_ =	shalt  }
0x81: {  	_ =	shalt  }
0x82: {  	_ =	shalt  }
0x83: {  	_ =	shalt  }
0x84: {  	_ =	shalt  }
0x85: {  	_ =	shalt  }
0x86: {  	_ =	shalt  }
0x87: {  	_ =	shalt  }
.Lfunc_end0:
.L_simem_size_0:
called_computation_lowered:
.L_overlay_start_0:
0x88: {  	s2 =	sld [smem:$0x3FD9]  }
0x89: {  	s3 =	sld [smem:$0x3FFE];
	_ =	sdelay $0x1  }
0x8a: {  	s1 =	srdreg.scid  }
0x8b: {  	s0 =	sand.u32 $0x1, s1  }
0x8c: {  	s16 =	sshll.u32 s0, $0xA;
	s2 =	sadd.s32 s3, s2  }
0x8d: {  	s2 =	sadd.s32 s2, s16  }
0x8e: {  	[smem:$0x3FB7] =	sst s2  }
0x8f: {  	_ = 	snop  }
0x90: {  	(tm) =	ssettm $0x1  }
0x91: {  	s17 =	sld [smem:$0x3FFB];
	_ =	sdelay $0x3  }
0x92: {  	_ =	strace s17  }
0x93: {  	s2 =	sld [smem:$0x3FFC];
	_ =	sdelay $0x3  }
0x94: {  	_ =	strace s2  }
0x95: {  	s2 =	sld [smem:$0x3FFD];
	_ =	sdelay $0x3  }
0x96: {  	_ =	strace s2  }
0x97: {  	_ =	strace $0x8FFFFFFF  }
0x98: {  	s18 =	sld [smem:$0x3FDB];
	_ =	sdelay $0x1  }
0x99: {  	s19 =	simm.s32 $_scs_section_size  }
0x9a: {  	s4 =	simm.s32 $_size__tile_overlayer_lowered;
	s5 =	simm.s32 $_tile_overlayer_lowered  }
0x9b: {  	s22 =	simm.s32 $0x1BFF;
	s21 =	sshll.u32 s5, $0x1;
	s2 =	sadd.s32 s19, s18  }
0x9c: {  	s6 =	simm.s32 $0x0;
	s20 =	sshll.u32 s4, $0x1;
	s4 =	sadd.s32 s21, s2  }
0x9d: {  	[timem:s6], [sflag:s22] =	dma.local [hbm:s4], s20  }
0x9e: {  	_ =	swait.ge [sflag:s22], s20  }
0x9f: {  	s3 =	ssub.s32 $0x0, s20;
	[sflag:s22] =	ssyncset.done $0x0  }
0xa0: {  	[sflag:s22] =	ssyncadd.s32 s3;
	_ =	sdelay $0x1  }
0xa1: {  	s23 =	simm.s32 $0x1B8B  }
0xa2: {  	_ =	swait.ge [sflag:s23], $0x1  }
0xa3: {  	[sflag:s23] =	ssyncset.done $0x0  }
0xa4: {  	s25 =	simm.s32 $0x1B8E;
	s24 =	sld [smem:$0x3FFE];
	[sflag:s23] =	ssyncadd.s32 $0xFFFFFFFF  }
0xa5: {  	s26 =	simm.s32 $execute0_lowered;
	[smem:$0x3FD2] =	sst s25  }
0xa6: {  	s4 =	sshll.u32 s26, $0x1;
	_ =	strace $0x80000046;
	[dreg:$0x1] =	wrdreg $0xFFFFFFFF  }
0xa7: {  	s28 =	simm.s32 $_size_execute0_lowered;
	s2 =	sadd.s32 s2, s4;
	[dreg:$0x0] =	wrdreg $0x0  }
0xa8: {  	s4 =	sshll.u32 s28, $0x1;
	[dreg:$0x2] =	wrdreg s2  }
0xa9: {  	[dreg:$0x3] =	wrdreg s4  }
0xaa: {  	[dreg:$0x4] =	wrdreg $0xC0  }
0xab: {  	_ =	task [dreg:s6], $0x5FFFF  }
0xac: {  	[dreg:$0x1] =	wrdreg $0xFFFFFFFF  }
0xad: {  	[dreg:$0x0] =	wrdreg $0x60  }
0xae: {  	[dreg:$0x2] =	wrdreg s24  }
0xaf: {  	[dreg:$0x3] =	wrdreg $0x61000  }
0xb0: {  	[dreg:$0x4] =	wrdreg $0x9  }
0xb1: {  	_ =	task.clear_ibuf [dreg:s6], $0x5FFFF;
	_ =	strace $0x90000046  }
0xb2: {  	s29 =	simm.s32 $0x9;
	_ =	strace $0x80000048  }
0xb3: {  	_ =	swait.ge [sflag:s29], $0x1  }
0xb4: {  	[sflag:s29] =	ssyncadd.s32 $0xFFFFFFFF  }
0xb5: {  	_ =	strace $0x90000048  }
0xb6: {  	_ =	sfence  }
0xb7: {  	s30 =	sld [smem:$0x0];
	_ =	sdelay $0x2  }
0xb8: {  	s31 =	sshll.u32 s1, $0xD;
	s1 =	sshrl.u32 s1, $0x2  }
0xb9: {  	s3 =	sand.u32 $0x4000, s31;
	s1 =	sadd.s32 s1, s30  }
0xba: {  	s0 =	sor.u32 s3, s0;
	s1 =	sshll.u32 s1, $0x11  }
0xbb: {  	s0 =	sor.u32 s1, s0  }
0xbc: {  	s0 =	sadd.s32 $0x8F2B, s0  }
0xbd: {  	[sflag:s0] =	ssyncadd.remote.s32 $0x1  }
0xbe: {  	_ =	sfence.sel $0xFFFF  }
0xbf: {  	[dreg:$0x0] =	wrdreg $0xFFFFFFFF;
	(pc) =	sbr.abs _section_cstart, $3  }
0xc0: {  	[dreg:$0x1] =	wrdreg $0xFFFFFFFF  }
0xc1: {  	_ =	task.clear_ibuf [dreg:s6], $0x2FFFF;
	_ =	strace $0x9FFFFFFF  }
0xc2: {  	(tm) =	ssettm $0x7FFFFFFF  }
0xc3: {  	_ =	shalt  }
tec
execute0_lowered:
.L_overlay_start_1:
0x0: {  	(tag) =	ssettag $0x1  }
0x1: {  	s8 =	rddreg [dreg:$0x0]  }
0x2: {  	s1 =	rddreg [dreg:$0x1]  }
0x3: {  	s2 =	srdreg.scid;
	s0 =	rddreg [dreg:$0x2];
	s3 =	simm.s32 $0x0  }
0x4: {  	s16 =	simm.s32 $0x4100;
	s17 =	simm.s32 $0x2;
	s18 =	simm.s32 $0x80  }
0x5: {  	s19 =	simm.s32 $0x2100;
	s20 =	simm.s32 $0x100;
	s21 =	simm.s32 $0x1  }
0x6: {  	s9 =	sand.u32 $0x1, s2;
	s2 =	stileid.u32;
	[smem:$0x7FF] =	sst s3  }
0x7: {  	s4 =	sadd.s32 $0x2DE00, s8;
	s5 =	sadd.s32 $0x541E00, s8;
	s6 =	smul.u32 $0xA0000, s9  }
0x8: {  	s11 =	smul.u32 $0xA000, s2;
	_ =	strace $0x80000047;
	s31 =	ssub.s32 $0x2, s9  }
0x9: {  	s12 =	smul.u32 $0x28000, s2;
	s14 =	sshll.u32 s2, $0x1;
	s13 =	sshrl.u32 s31, $0x1  }
0xa: {  	s9 =	sor.u32 s9, s14;
	s7 =	sadd.s32 s11, s6;
	s6 =	sadd.s32 $0x41E00, s8  }
0xb: {  	s12 =	sshrl.u32 s12, $0x2;
	s13 =	ssub.s32 s31, s13;
	s9 =	smul.u32 $0x2800, s9  }
0xc: {  	s22 =	sadd.s32 s11, s1;
	s10 =	sshrl.u32 s7, $0x3;
	s7 =	sadd.s32 $0x4BE00, s8  }
0xd: {  	s11 =	smax.u32 s13, $0x1;
	s10 =	sadd.s32 s10, s8;
	s8 =	sadd.s32 s12, s1  }
0xe: {  	s22 =	sshrl.u32 s22, $0x3;
	s10 =	sadd.s32 $0x55E00, s10;
	s12 =	sadd.s32 $0x2000, s8  }
0xf: {  	v0 =	vimm.f32 $0.0e+00;
	s13 =	sadd.s32 $0x4000, s8;
	s14 =	sadd.s32 $0x6000, s8;
	s15 =	sadd.s32 $0x8000, s8  }
.LBB2_1:
0x10: {  	s24 =	simm.s32 $0x100;
	s23 =	simm.s32 $0x0  }
.LBB2_2:
0x11: {  	p0 =	sne.s32 s24, $0x7F00;
	[tilespmem:s23+$0x4130] =	vst v0;
	s25 =	smov.u32 s24;
	s24 =	sadd.s32 $0x100, s24  }
.Ltmp0:
0x12: {  	[tilespmem:s23+$0x4120] =	vst v0;
	(pc) =	sbr.rel @p0 .LBB2_2-.Ltmp0, $3  }
0x13: {  	[tilespmem:s23+$0x4100] =	vst v0  }
0x14: {  	[tilespmem:s23+$0x4110] =	vst v0;
	_ =	sdelay $0x1  }
0x15: {  	s23 =	sshra.s32 s25, $0x2  }
0x16: {  	[tilespmem:s23+$0x4130] =	vst v0  }
0x17: {  	[tilespmem:s23+$0x4120] =	vst v0  }
0x18: {  	[tilespmem:s23+$0x4100] =	vst v0  }
0x19: {  	[tilespmem:s23+$0x4110] =	vst v0  }
0x1a: {  	[spmem:s8] =	stream.linear.scatter [tilespmem:s16], [sflag:$0x2], $0x2000, $0x38;
	[tilespmem:$0x10100] =	vst v63  }
0x1b: {  	_ =	swait.ge [sflag:s17], $0x2000  }
0x1c: {  	[sflag:s17] =	ssyncset.done $0x0  }
0x1d: {  	[sflag:s17] =	ssyncadd.s32 $0xFFFFE000  }
0x1e: {  	[spmem:s12] =	stream.linear.scatter [tilespmem:s16], [sflag:$0x2], $0x2000, $0x38;
	[tilespmem:$0x10100] =	vst v63  }
0x1f: {  	_ =	swait.ge [sflag:s17], $0x2000  }
0x20: {  	[sflag:s17] =	ssyncset.done $0x0  }
0x21: {  	[sflag:s17] =	ssyncadd.s32 $0xFFFFE000  }
0x22: {  	[spmem:s13] =	stream.linear.scatter [tilespmem:s16], [sflag:$0x2], $0x2000, $0x38;
	[tilespmem:$0x10100] =	vst v63  }
0x23: {  	_ =	swait.ge [sflag:s17], $0x2000  }
0x24: {  	[sflag:s17] =	ssyncset.done $0x0  }
0x25: {  	[sflag:s17] =	ssyncadd.s32 $0xFFFFE000  }
0x26: {  	[spmem:s14] =	stream.linear.scatter [tilespmem:s16], [sflag:$0x2], $0x2000, $0x38;
	[tilespmem:$0x10100] =	vst v63  }
0x27: {  	_ =	swait.ge [sflag:s17], $0x2000  }
0x28: {  	[sflag:s17] =	ssyncset.done $0x0  }
0x29: {  	[sflag:s17] =	ssyncadd.s32 $0xFFFFE000  }
0x2a: {  	[spmem:s15] =	stream.linear.scatter [tilespmem:s16], [sflag:$0x2], $0x2000, $0x38;
	[tilespmem:$0x10100] =	vst v63  }
0x2b: {  	_ =	swait.ge [sflag:s17], $0x2000  }
0x2c: {  	[sflag:s17] =	ssyncset.done $0x0  }
0x2d: {  	[sflag:s17] =	ssyncadd.s32 $0xFFFFE000  }
0x2e: {  	s23 =	simm.s32 $0x0;
	s24 =	simm.s32 $0x0;
	[bflag:$0x0] =	sbarrier.arrive $0xFFFF  }
.LBB2_4:
0x2f: {  	s25 =	sshll.u32 s24, $0x7  }
0x30: {  	s25 =	sadd.s32 s9, s25  }
0x31: {  	s26 =	sshrl.u32 s25, $0x3  }
0x32: {  	s28 =	sadd.s32 s6, s26  }
0x33: {  	[tilespmem:s23], [sflag:$0x2] =	stream.linear.gather [hbm4b:s28+s23], $0x80, $0x38;
	[tilespmem:$0x10100] =	vst v63  }
0x34: {  	_ =	swait.ge [sflag:s17], $0x80  }
0x35: {  	[sflag:s17] =	ssyncset.done $0x0  }
0x36: {  	s26 =	sadd.s32 s7, s26;
	[sflag:s17] =	ssyncadd.s32 $0xFFFFFF80  }
0x37: {  	[tilespmem:s18], [sflag:$0x2] =	stream.linear.gather [hbm4b:s26+s23], $0x80, $0x38;
	[tilespmem:$0x10100] =	vst v63  }
0x38: {  	_ =	swait.ge [sflag:s17], $0x80  }
0x39: {  	s25 =	sshll.u32 s25, $0x3;
	[sflag:s17] =	ssyncset.done $0x0  }
0x3a: {  	s25 =	sadd.s32 s5, s25;
	[sflag:s17] =	ssyncadd.s32 $0xFFFFFF80  }
0x3b: {  	[tilespmem:s19], [sflag:$0x2] =	stream.linear.gather [hbm4b:s25+s23], $0x2000, $0x38;
	[tilespmem:$0x10100] =	vst v63  }
0x3c: {  	_ =	swait.ge [sflag:s17], $0x2000  }
0x3d: {  	[sflag:s17] =	ssyncset.done $0x0  }
0x3e: {  	[sflag:s17] =	ssyncadd.s32 $0xFFFFE000  }
0x3f: {  	[tilespmem:s20], [sflag:$0x1] =	stream.indirect.gather [hbm4b:s4+s18], $0x40, s23, s18, $0xb8;
	[tilespmem:$0x10100] =	vst v63  }
0x40: {  	_ =	swait.ge [sflag:s21], $0x2000  }
0x41: {  	[sflag:s21] =	ssyncset.done $0x0  }
0x42: {  	s25 =	simm.s32 $0x0;
	[sflag:s21] =	ssyncadd.s32 $0xFFFFE000  }
0x43: {  	v1 =	vld [tilespmem:s25+$0x2120]  }
0x44: {  	v2 =	vld [tilespmem:s25+$0x120]  }
0x45: {  	v3 =	vld [tilespmem:s25+$0x2130]  }
0x46: {  	v4 =	vld [tilespmem:s25+$0x130];
	_ =	sdelay $0x4  }
0x47: {  	v5 =	vld [tilespmem:s25+$0x2110];
	v2 =	vadd.f32 v1, v2;
	v4 =	vadd.f32 v3, v4  }
0x48: {  	v6 =	vld [tilespmem:s25+$0x110]  }
0x49: {  	v1 =	vmin.f32 v2, $0.0e+00;
	v3 =	vmax.f32 v4, $0.0e+00;
	v9 =	vmin.f32 v4, $0.0e+00;
	v4 =	vld [tilespmem:s25+$0x100]  }
0x4a: {  	v7 =	vmul.f32 $9.999999770e-03, v1;
	v1 =	vld [tilespmem:s25+$0x2100];
	_ =	sdelay $0x1  }
0x4b: {  	v8 =	vmax.f32 v2, $0.0e+00  }
0x4c: {  	s28 =	simm.s32 $0x200;
	s26 =	simm.s32 $0x100;
	v2 =	vadd.f32 v5, v6;
	v6 =	vmul.f32 $9.999999770e-03, v9;
	v5 =	vadd.f32 v7, v8  }
.LBB2_5:
0x4d: {  	p0 =	sne.s32 s28, $0x7F00  }
0x4e: {  	s29 =	sshra.s32 s26, $0x2;
	v1 =	vadd.f32 v1, v4;
	s26 =	smov.u32 s28;
	s28 =	sadd.s32 $0x100, s28  }
0x4f: {  	v4 =	vld [tilespmem:s29+$0x2120];
	v7 =	vmin.f32 v2, $0.0e+00;
	[tilespmem:s25+$0x120] =	vst v5;
	v3 =	vadd.f32 v6, v3  }
0x50: {  	v5 =	vld [tilespmem:s29+$0x120];
	v6 =	vmin.f32 v1, $0.0e+00;
	v7 =	vmul.f32 $9.999999770e-03, v7  }
0x51: {  	v9 =	vmax.f32 v1, $0.0e+00;
	v1 =	vmax.f32 v2, $0.0e+00;
	v8 =	vld [tilespmem:s29+$0x2130];
	v6 =	vmul.f32 $9.999999770e-03, v6;
	[tilespmem:s25+$0x130] =	vst v3  }
0x52: {  	v2 =	vld [tilespmem:s29+$0x130];
	v3 =	vadd.f32 v7, v1  }
0x53: {  	v1 =	vld [tilespmem:s29+$0x2100];
	v6 =	vadd.f32 v6, v9  }
0x54: {  	v7 =	vld [tilespmem:s29+$0x2110];
	[tilespmem:s25+$0x110] =	vst v3  }
0x55: {  	v9 =	vld [tilespmem:s29+$0x110];
	v3 =	vadd.f32 v4, v5;
	[tilespmem:s25+$0x100] =	vst v6;
	s25 =	smov.u32 s29  }
.Ltmp1:
0x56: {  	v4 =	vld [tilespmem:s25+$0x100];
	(pc) =	sbr.rel @p0 .LBB2_5-.Ltmp1, $4  }
0x57: {  	v5 =	vmin.f32 v3, $0.0e+00;
	v2 =	vadd.f32 v8, v2  }
0x58: {  	v6 =	vmax.f32 v3, $0.0e+00;
	v5 =	vmul.f32 $9.999999770e-03, v5  }
0x59: {  	v3 =	vmax.f32 v2, $0.0e+00;
	v8 =	vmin.f32 v2, $0.0e+00  }
0x5a: {  	v2 =	vadd.f32 v7, v9;
	v5 =	vadd.f32 v5, v6;
	v6 =	vmul.f32 $9.999999770e-03, v8  }
0x5b: {  	s26 =	sshra.s32 s26, $0x2  }
0x5c: {  	v1 =	vadd.f32 v1, v4;
	v7 =	vld [tilespmem:s26+$0x2120];
	[tilespmem:s25+$0x120] =	vst v5;
	v3 =	vadd.f32 v6, v3  }
0x5d: {  	v53 =	vmin.f32 v2, $0.0e+00;
	v5 =	vld [tilespmem:s26+$0x120]  }
0x5e: {  	v54 =	vld [tilespmem:s26+$0x2130];
	v4 =	vmul.f32 $9.999999770e-03, v53;
	[tilespmem:s25+$0x130] =	vst v3;
	v3 =	vmin.f32 v1, $0.0e+00  }
0x5f: {  	v2 =	vmax.f32 v2, $0.0e+00;
	v3 =	vmul.f32 $9.999999770e-03, v3  }
0x60: {  	v1 =	vmax.f32 v1, $0.0e+00;
	v8 =	vld [tilespmem:s26+$0x130];
	v2 =	vadd.f32 v4, v2  }
0x61: {  	v55 =	vld [tilespmem:s26+$0x2100];
	v1 =	vadd.f32 v3, v1  }
0x62: {  	v9 =	vld [tilespmem:s26+$0x2110];
	[tilespmem:s25+$0x110] =	vst v2  }
0x63: {  	v2 =	vld [tilespmem:s26+$0x110];
	[tilespmem:s25+$0x100] =	vst v1  }
0x64: {  	v1 =	vld [tilespmem:s26+$0x100];
	_ =	sdelay $0x1  }
0x65: {  	v3 =	vadd.f32 v7, v5  }
0x66: {  	v56 =	vadd.f32 v54, v8  }
0x67: {  	v57 =	vmin.f32 v3, $0.0e+00;
	v3 =	vmax.f32 v3, $0.0e+00;
	v2 =	vadd.f32 v9, v2  }
0x68: {  	v6 =	vmul.f32 $9.999999770e-03, v57;
	v58 =	vmin.f32 v56, $0.0e+00;
	v1 =	vadd.f32 v55, v1  }
0x69: {  	v59 =	vmax.f32 v56, $0.0e+00;
	v60 =	vmul.f32 $9.999999770e-03, v58;
	v61 =	vmin.f32 v2, $0.0e+00  }
0x6a: {  	v3 =	vadd.f32 v6, v3;
	v7 =	vmul.f32 $9.999999770e-03, v61;
	v62 =	vmin.f32 v1, $0.0e+00  }
0x6b: {  	v4 =	vadd.f32 v60, v59;
	v2 =	vmax.f32 v2, $0.0e+00;
	v63 =	vmul.f32 $9.999999770e-03, v62  }
0x6c: {  	[tilespmem:s26+$0x120] =	vst v3;
	v1 =	vmax.f32 v1, $0.0e+00;
	v2 =	vadd.f32 v7, v2  }
0x6d: {  	s24 =	sadd.s32 $0x1, s24;
	[tilespmem:s26+$0x130] =	vst v4;
	v1 =	vadd.f32 v63, v1  }
0x6e: {  	p0 =	sne.s32 s24, $0x50;
	[tilespmem:s26+$0x110] =	vst v2  }
.Ltmp2:
0x6f: {  	[tilespmem:s26+$0x100] =	vst v1;
	(pc) =	sbr.rel @p0 .LBB2_4-.Ltmp2, $4  }
0x70: {  	[spmem:s1] =	stream.indirect.scatter.add.f32 [tilespmem:s20], [sflag:$0x2], $0x40, s18, s18, $0xb8;
	[tilespmem:$0x10100] =	vst v63  }
0x71: {  	_ =	swait.ge [sflag:s17], $0x2000  }
0x72: {  	[sflag:s17] =	ssyncset.done $0x0  }
0x73: {  	[sflag:s17] =	ssyncadd.s32 $0xFFFFE000  }
0x74: {  	s3 =	sadd.s32 $0x1, s3  }
0x75: {  	s23 =	sshll.u32 s2, $0x6;
	p0 =	sne.s32 s3, s11  }
.Ltmp3:
0x76: {  	[bflag:$0x0] =	sbarrier.arrive $0xFFFF;
	s23 =	sor.u32 $0x1C02, s23;
	(pc) =	sbr.rel @p0 .LBB2_1-.Ltmp3, $4  }
0x77: {  	[hbm:s10], [sflag:s23] =	dma.local [spmem:s22], $0x1400  }
0x78: {  	_ =	swait.ge [sflag:s17], $0x1400  }
0x79: {  	[sflag:s17] =	ssyncset.done $0x0  }
0x7a: {  	[sflag:s17] =	ssyncadd.s32 $0xFFFFEC00  }
0x7b: {  	_ =	sfence.sel $0x180000  }
0x7c: {  	[bflag:$0x0] =	sbarrier.arrive $0xFFFF  }
0x7d: {  	p0 =	sne.s32 s2, $0x0;
	_ =	strace $0x90000047  }
0x7e: {  	s0 =	sadd.s32 @!p0 $0x100000, s0;
	[bflag:$0x2] =	sbarrier.arrive $0xFFFF  }
0x7f: {  	[sflag:s0] =	ssyncadd.tile.s32 @!p0 $0x1;
	_ =	shalt  }
.Lfunc_end2:
_tile_overlayer_lowered:
.L_overlay_start_2:
0x80: {  	(tag) =	ssettag $0x2  }
0x81: {  	s0 =	rddreg [dreg:$0x0];
	s2 =	stileid.u32  }
0x82: {  	s1 =	rddreg [dreg:$0x1];
	p0 =	sne.s32 s2, $0x0  }
0x83: {  	s3 =	rddreg [dreg:$0x2];
	[bflag:$0x3] =	sbarrier.arrive $0xFFFF;
	s2 =	simm.s32 @!p0 $0x1C02  }
0x84: {  	[timem:s3], [sflag:s2] =	dma.local @!p0 [hbm:s0], s1  }
0x85: {  	s0 =	simm.s32 @!p0 $0x2  }
0x86: {  	_ =	swait.ge @!p0 [sflag:s0], s1  }
0x87: {  	s1 =	ssub.s32 @!p0 $0x0, s1;
	[sflag:s0] =	ssyncset.done @!p0 $0x0  }
0x88: {  	[sflag:s0] =	ssyncadd.s32 @!p0 s1  }
0x89: {  	[bflag:$0x3] =	sbarrier.arrive $0xFFFF  }
0x8a: {  	_ =	shalt  }

// kernel: kernel.17.cloned.1.call-start
scs
__scs_entry_jumppad:
0x0: {  	(pc) =	sbr.rel $0x88, $3  }
0x1: {  	(tag) =	ssettag $0x0;
	lr =	simm.s32 $0x1  }
0x2: {  	[smem:$0x3F90] =	sst lr;
	_ =	strace $0xD0000000  }
0x3: {  	_ = 	snop  }
0x4: {  	_ = 	snop  }
0x5: {  	_ = 	snop  }
0x6: {  	_ = 	snop  }
0x7: {  	_ = 	snop  }
__scs_overlays_trampoline_lowered:
0x8: {  	[smem:$0x3F9F] =	sst s0  }
0x9: {  	[smem:$0x3FA0] =	sst s1  }
0xa: {  	[smem:$0x3FA1] =	sst s2  }
0xb: {  	[smem:$0x3FA2] =	sst s3  }
0xc: {  	[smem:$0x3FA3] =	sst s4  }
0xd: {  	[smem:$0x3FA4] =	sst s5  }
0xe: {  	[smem:$0x3FA5] =	sst s6  }
0xf: {  	[smem:$0x3FA6] =	sst s7  }
0x10: {  	[smem:$0x3FA7] =	sst s8  }
0x11: {  	[smem:$0x3FA8] =	sst s9;
	s0 =	simm.s32 @!p0 $0x0  }
0x12: {  	s1 =	sld [smem:$0x3F8E];
	s0 =	simm.s32 @p0 $0x1  }
0x13: {  	[smem:$0x3FA9] =	sst s0;
	s0 =	simm.s32 @!p1 $0x0  }
0x14: {  	s2 =	sld [smem:$0x3F8D];
	s0 =	simm.s32 @p1 $0x1  }
0x15: {  	[smem:$0x3FAA] =	sst s0;
	s0 =	simm.s32 @!p2 $0x0  }
0x16: {  	s3 =	sld [smem:$0x3FDB];
	s0 =	simm.s32 @p2 $0x1  }
0x17: {  	s4 =	simm.s32 $0x1BF5;
	[smem:$0x3FAC] =	sst s0  }
0x18: {  	s0 =	sld [smem:$0x3F8F];
	_ =	swait.ge [sflag:s4], $0x0  }
0x19: {  	s7 =	sld [smem:$0x3F90]  }
0x1a: {  	s8 =	sadd.s32 $0xFFFFE003, lr  }
0x1b: {  	s9 =	sadd.s32 $0xFFFFFEF7, lr;
	s5 =	simm.s32 $0xFFFFFFFF;
	p2 =	slt.u32 s8, $0xFFFFF086  }
0x1c: {  	p1 =	slt.u32 s9, $0xF7A;
	s5 =	simm.s32 @!p2 $0x0  }
0x1d: {  	s5 =	simm.s32 @p1 $0x1;
	p0 =	seq.s32 s7, s2  }
0x1e: {  	s7 =	smul.u32 @!p0 $0xF7A, s2;
	p2 =	seq.s32 @!p0 s5, $0x0  }
0x1f: {  	s9 =	smul.u32 $0xF7A, s1;
	s8 =	simm.s32 @!p0 $0x1BF5;
	p2 =	por !p2, p0  }
0x20: {  	[sflag:s8] =	ssyncset.s32 @!p0 $0xFFFFF086;
	s6 =	sadd.s32 @!p0 s3, s7;
	s7 =	simm.s32 @!p0 $0x108  }
0x21: {  	s3 =	sadd.s32 s3, s9;
	s6 =	sadd.s32 @!p0 $0x88, s6;
	s7 =	simm.s32 @p2 $0x1082  }
0x22: {  	[simem:s7], [sflag:s8] =	dma.local @!p0 [hbm:s6], $0xF7A  }
0x23: {  	s9 =	sor.u32 $0xD0000000, s2;
	s6 =	simm.s32 $0x108;
	_ =	swait.ge @!p0 [sflag:s8], $0x0  }
0x24: {  	s3 =	sadd.s32 $0x88, s3;
	s6 =	simm.s32 @!p1 $0x1082;
	[sflag:s4] =	ssyncset.s32 $0xFFFFF086  }
0x25: {  	[simem:s6], [sflag:s4] =	dma.local [hbm:s3], $0xF7A  }
0x26: {  	[smem:$0x3F90] =	sst s1;
	(tag) =	ssettag s2;
	_ =	strace s9  }
0x27: {  	s1 =	sld [smem:$0x3FA0]  }
0x28: {  	s2 =	sld [smem:$0x3FA1]  }
0x29: {  	s4 =	sld [smem:$0x3FA3]  }
0x2a: {  	p0 =	seq.s32 s5, $0x0;
	s5 =	sld [smem:$0x3FA4]  }
0x2b: {  	s6 =	sld [smem:$0x3FA5]  }
0x2c: {  	s7 =	sld [smem:$0x3FA6]  }
0x2d: {  	s3 =	simm.s32 $0x108;
	s8 =	sld [smem:$0x3FA7]  }
0x2e: {  	s3 =	simm.s32 @!p0 $0x1082;
	s9 =	sld [smem:$0x3FA8]  }
0x2f: {  	lr =	sadd.s32 s0, s3;
	s0 =	sld [smem:$0x3F9F]  }
0x30: {  	s3 =	sld [smem:$0x3FA2]  }
0x31: {  	[smem:$0x3FAB] =	sst s10  }
0x32: {  	s10 =	sld [smem:$0x3FA9];
	_ =	sdelay $0x3  }
0x33: {  	p0 =	seq.s32 s10, $0x1;
	s10 =	sld [smem:$0x3FAB];
	_ =	sdelay $0x3  }
0x34: {  	[smem:$0x3FAB] =	sst s10  }
0x35: {  	s10 =	sld [smem:$0x3FAA];
	_ =	sdelay $0x3  }
0x36: {  	p1 =	seq.s32 s10, $0x1;
	s10 =	sld [smem:$0x3FAB];
	_ =	sdelay $0x3  }
0x37: {  	[smem:$0x3FAB] =	sst s10  }
0x38: {  	s10 =	sld [smem:$0x3FAC]  }
0x39: {  	_ = 	snop;
	(pc) =	sbr.ind lr, $3  }
0x3a: {  	_ = 	snop  }
0x3b: {  	_ = 	snop  }
0x3c: {  	p2 =	seq.s32 s10, $0x1;
	s10 =	sld [smem:$0x3FAB]  }
0x3d: {  	_ =	shalt  }
0x3e: {  	_ =	shalt  }
0x3f: {  	_ =	shalt  }
0x40: {  	_ =	shalt  }
0x41: {  	_ =	shalt  }
0x42: {  	_ =	shalt  }
0x43: {  	_ =	shalt  }
0x44: {  	_ =	shalt  }
0x45: {  	_ =	shalt  }
0x46: {  	_ =	shalt  }
0x47: {  	_ =	shalt  }
0x48: {  	_ =	shalt  }
0x49: {  	_ =	shalt  }
0x4a: {  	_ =	shalt  }
0x4b: {  	_ =	shalt  }
0x4c: {  	_ =	shalt  }
0x4d: {  	_ =	shalt  }
0x4e: {  	_ =	shalt  }
0x4f: {  	_ =	shalt  }
0x50: {  	_ =	shalt  }
0x51: {  	_ =	shalt  }
0x52: {  	_ =	shalt  }
0x53: {  	_ =	shalt  }
0x54: {  	_ =	shalt  }
0x55: {  	_ =	shalt  }
0x56: {  	_ =	shalt  }
0x57: {  	_ =	shalt  }
0x58: {  	_ =	shalt  }
0x59: {  	_ =	shalt  }
0x5a: {  	_ =	shalt  }
0x5b: {  	_ =	shalt  }
0x5c: {  	_ =	shalt  }
0x5d: {  	_ =	shalt  }
0x5e: {  	_ =	shalt  }
0x5f: {  	_ =	shalt  }
0x60: {  	_ =	shalt  }
0x61: {  	_ =	shalt  }
0x62: {  	_ =	shalt  }
0x63: {  	_ =	shalt  }
0x64: {  	_ =	shalt  }
0x65: {  	_ =	shalt  }
0x66: {  	_ =	shalt  }
0x67: {  	_ =	shalt  }
0x68: {  	_ =	shalt  }
0x69: {  	_ =	shalt  }
0x6a: {  	_ =	shalt  }
0x6b: {  	_ =	shalt  }
0x6c: {  	_ =	shalt  }
0x6d: {  	_ =	shalt  }
0x6e: {  	_ =	shalt  }
0x6f: {  	_ =	shalt  }
0x70: {  	_ =	shalt  }
0x71: {  	_ =	shalt  }
0x72: {  	_ =	shalt  }
0x73: {  	_ =	shalt  }
0x74: {  	_ =	shalt  }
0x75: {  	_ =	shalt  }
0x76: {  	_ =	shalt  }
0x77: {  	_ =	shalt  }
0x78: {  	_ =	shalt  }
0x79: {  	_ =	shalt  }
0x7a: {  	_ =	shalt  }
0x7b: {  	_ =	shalt  }
0x7c: {  	_ =	shalt  }
0x7d: {  	_ =	shalt  }
0x7e: {  	_ =	shalt  }
0x7f: {  	_ =	shalt  }
0x80: {  	_ =	shalt  }
0x81: {  	_ =	shalt  }
0x82: {  	_ =	shalt  }
0x83: {  	_ =	shalt  }
0x84: {  	_ =	shalt  }
0x85: {  	_ =	shalt  }
0x86: {  	_ =	shalt  }
0x87: {  	_ =	shalt  }
.Lfunc_end0:
.L_simem_size_0:
called_computation.1_lowered:
.L_overlay_start_0:
0x88: {  	s2 =	sld [smem:$0x3FD9]  }
0x89: {  	s3 =	sld [smem:$0x3FFE];
	_ =	sdelay $0x1  }
0x8a: {  	s1 =	srdreg.scid  }
0x8b: {  	s0 =	sand.u32 $0x1, s1  }
0x8c: {  	s16 =	sshll.u32 s0, $0xA;
	s2 =	sadd.s32 s3, s2  }
0x8d: {  	s2 =	sadd.s32 s2, s16  }
0x8e: {  	[smem:$0x3FB7] =	sst s2  }
0x8f: {  	_ = 	snop  }
0x90: {  	(tm) =	ssettm $0x1  }
0x91: {  	s17 =	sld [smem:$0x3FFB];
	_ =	sdelay $0x3  }
0x92: {  	_ =	strace s17  }
0x93: {  	s2 =	sld [smem:$0x3FFC];
	_ =	sdelay $0x3  }
0x94: {  	_ =	strace s2  }
0x95: {  	s2 =	sld [smem:$0x3FFD];
	_ =	sdelay $0x3  }
0x96: {  	_ =	strace s2  }
0x97: {  	_ =	strace $0x8FFFFFFF  }
0x98: {  	s18 =	sld [smem:$0x3FDB];
	_ =	sdelay $0x1  }
0x99: {  	s19 =	simm.s32 $_scs_section_size  }
0x9a: {  	s4 =	simm.s32 $_size__tile_overlayer_lowered;
	s5 =	simm.s32 $_tile_overlayer_lowered  }
0x9b: {  	s22 =	simm.s32 $0x1BFF;
	s21 =	sshll.u32 s5, $0x1;
	s2 =	sadd.s32 s19, s18  }
0x9c: {  	s6 =	simm.s32 $0x0;
	s20 =	sshll.u32 s4, $0x1;
	s4 =	sadd.s32 s21, s2  }
0x9d: {  	[timem:s6], [sflag:s22] =	dma.local [hbm:s4], s20  }
0x9e: {  	_ =	swait.ge [sflag:s22], s20  }
0x9f: {  	s3 =	ssub.s32 $0x0, s20;
	[sflag:s22] =	ssyncset.done $0x0  }
0xa0: {  	[sflag:s22] =	ssyncadd.s32 s3;
	_ =	sdelay $0x1  }
0xa1: {  	s23 =	simm.s32 $0x1B8B  }
0xa2: {  	_ =	swait.ge [sflag:s23], $0x1  }
0xa3: {  	[sflag:s23] =	ssyncset.done $0x0  }
0xa4: {  	s25 =	simm.s32 $0x1B8E;
	s24 =	sld [smem:$0x3FFE];
	[sflag:s23] =	ssyncadd.s32 $0xFFFFFFFF  }
0xa5: {  	s26 =	simm.s32 $execute0_lowered;
	[smem:$0x3FD2] =	sst s25  }
0xa6: {  	s4 =	sshll.u32 s26, $0x1;
	_ =	strace $0x80000049;
	[dreg:$0x1] =	wrdreg $0xFFFFFFFF  }
0xa7: {  	s28 =	simm.s32 $_size_execute0_lowered;
	s2 =	sadd.s32 s2, s4;
	[dreg:$0x0] =	wrdreg $0x0  }
0xa8: {  	s4 =	sshll.u32 s28, $0x1;
	[dreg:$0x2] =	wrdreg s2  }
0xa9: {  	[dreg:$0x3] =	wrdreg s4  }
0xaa: {  	[dreg:$0x4] =	wrdreg $0xC0  }
0xab: {  	_ =	task [dreg:s6], $0x5FFFF  }
0xac: {  	[dreg:$0x1] =	wrdreg $0xFFFFFFFF  }
0xad: {  	[dreg:$0x0] =	wrdreg $0x60  }
0xae: {  	[dreg:$0x2] =	wrdreg s24  }
0xaf: {  	[dreg:$0x3] =	wrdreg $0x61000  }
0xb0: {  	[dreg:$0x4] =	wrdreg $0x9  }
0xb1: {  	_ =	task.clear_ibuf [dreg:s6], $0x5FFFF;
	_ =	strace $0x90000049  }
0xb2: {  	s29 =	simm.s32 $0x9;
	_ =	strace $0x8000004B  }
0xb3: {  	_ =	swait.ge [sflag:s29], $0x1  }
0xb4: {  	[sflag:s29] =	ssyncadd.s32 $0xFFFFFFFF  }
0xb5: {  	_ =	strace $0x9000004B  }
0xb6: {  	_ =	sfence  }
0xb7: {  	s30 =	sld [smem:$0x0];
	_ =	sdelay $0x2  }
0xb8: {  	s31 =	sshll.u32 s1, $0xD;
	s1 =	sshrl.u32 s1, $0x2  }
0xb9: {  	s3 =	sand.u32 $0x4000, s31;
	s1 =	sadd.s32 s1, s30  }
0xba: {  	s0 =	sor.u32 s3, s0;
	s1 =	sshll.u32 s1, $0x11  }
0xbb: {  	s0 =	sor.u32 s1, s0  }
0xbc: {  	s0 =	sadd.s32 $0x8F2B, s0  }
0xbd: {  	[sflag:s0] =	ssyncadd.remote.s32 $0x1  }
0xbe: {  	_ =	sfence.sel $0xFFFF  }
0xbf: {  	[dreg:$0x0] =	wrdreg $0xFFFFFFFF;
	(pc) =	sbr.abs _section_cstart, $3  }
0xc0: {  	[dreg:$0x1] =	wrdreg $0xFFFFFFFF  }
0xc1: {  	_ =	task.clear_ibuf [dreg:s6], $0x2FFFF;
	_ =	strace $0x9FFFFFFF  }
0xc2: {  	(tm) =	ssettm $0x7FFFFFFF  }
0xc3: {  	_ =	shalt  }
tec
execute0_lowered:
.L_overlay_start_1:
0x0: {  	(tag) =	ssettag $0x1  }
0x1: {  	s8 =	rddreg [dreg:$0x0]  }
0x2: {  	s1 =	rddreg [dreg:$0x1]  }
0x3: {  	s2 =	srdreg.scid;
	s0 =	rddreg [dreg:$0x2];
	s3 =	simm.s32 $0x0  }
0x4: {  	s16 =	simm.s32 $0x4100;
	s17 =	simm.s32 $0x2;
	s18 =	simm.s32 $0x80  }
0x5: {  	s19 =	simm.s32 $0x2100;
	s20 =	simm.s32 $0x100;
	s21 =	simm.s32 $0x1  }
0x6: {  	s9 =	sand.u32 $0x1, s2;
	s2 =	stileid.u32;
	[smem:$0x7FF] =	sst s3  }
0x7: {  	s4 =	sadd.s32 $0x5E00, s8;
	s5 =	sadd.s32 $0x7DE00, s8;
	s6 =	smul.u32 $0xA0000, s9  }
0x8: {  	s11 =	smul.u32 $0xA000, s2;
	_ =	strace $0x8000004A;
	s31 =	ssub.s32 $0x2, s9  }
0x9: {  	s12 =	smul.u32 $0x28000, s2;
	s14 =	sshll.u32 s2, $0x1;
	s13 =	sshrl.u32 s31, $0x1  }
0xa: {  	s9 =	sor.u32 s9, s14;
	s7 =	sadd.s32 s11, s6;
	s6 =	sadd.s32 $0x41E00, s8  }
0xb: {  	s12 =	sshrl.u32 s12, $0x2;
	s13 =	ssub.s32 s31, s13;
	s9 =	smul.u32 $0x2800, s9  }
0xc: {  	s22 =	sadd.s32 s11, s1;
	s10 =	sshrl.u32 s7, $0x3;
	s7 =	sadd.s32 $0x4BE00, s8  }
0xd: {  	s11 =	smax.u32 s13, $0x1;
	s10 =	sadd.s32 s10, s8;
	s8 =	sadd.s32 s12, s1  }
0xe: {  	s22 =	sshrl.u32 s22, $0x3;
	s10 =	sadd.s32 $0x19E00, s10;
	s12 =	sadd.s32 $0x2000, s8  }
0xf: {  	v0 =	vimm.f32 $0.0e+00;
	s13 =	sadd.s32 $0x4000, s8;
	s14 =	sadd.s32 $0x6000, s8;
	s15 =	sadd.s32 $0x8000, s8  }
.LBB2_1:
0x10: {  	s24 =	simm.s32 $0x100;
	s23 =	simm.s32 $0x0  }
.LBB2_2:
0x11: {  	p0 =	sne.s32 s24, $0x7F00;
	[tilespmem:s23+$0x4130] =	vst v0;
	s25 =	smov.u32 s24;
	s24 =	sadd.s32 $0x100, s24  }
.Ltmp0:
0x12: {  	[tilespmem:s23+$0x4120] =	vst v0;
	(pc) =	sbr.rel @p0 .LBB2_2-.Ltmp0, $3  }
0x13: {  	[tilespmem:s23+$0x4100] =	vst v0  }
0x14: {  	[tilespmem:s23+$0x4110] =	vst v0;
	_ =	sdelay $0x1  }
0x15: {  	s23 =	sshra.s32 s25, $0x2  }
0x16: {  	[tilespmem:s23+$0x4130] =	vst v0  }
0x17: {  	[tilespmem:s23+$0x4120] =	vst v0  }
0x18: {  	[tilespmem:s23+$0x4100] =	vst v0  }
0x19: {  	[tilespmem:s23+$0x4110] =	vst v0  }
0x1a: {  	[spmem:s8] =	stream.linear.scatter [tilespmem:s16], [sflag:$0x2], $0x2000, $0x38;
	[tilespmem:$0x10100] =	vst v63  }
0x1b: {  	_ =	swait.ge [sflag:s17], $0x2000  }
0x1c: {  	[sflag:s17] =	ssyncset.done $0x0  }
0x1d: {  	[sflag:s17] =	ssyncadd.s32 $0xFFFFE000  }
0x1e: {  	[spmem:s12] =	stream.linear.scatter [tilespmem:s16], [sflag:$0x2], $0x2000, $0x38;
	[tilespmem:$0x10100] =	vst v63  }
0x1f: {  	_ =	swait.ge [sflag:s17], $0x2000  }
0x20: {  	[sflag:s17] =	ssyncset.done $0x0  }
0x21: {  	[sflag:s17] =	ssyncadd.s32 $0xFFFFE000  }
0x22: {  	[spmem:s13] =	stream.linear.scatter [tilespmem:s16], [sflag:$0x2], $0x2000, $0x38;
	[tilespmem:$0x10100] =	vst v63  }
0x23: {  	_ =	swait.ge [sflag:s17], $0x2000  }
0x24: {  	[sflag:s17] =	ssyncset.done $0x0  }
0x25: {  	[sflag:s17] =	ssyncadd.s32 $0xFFFFE000  }
0x26: {  	[spmem:s14] =	stream.linear.scatter [tilespmem:s16], [sflag:$0x2], $0x2000, $0x38;
	[tilespmem:$0x10100] =	vst v63  }
0x27: {  	_ =	swait.ge [sflag:s17], $0x2000  }
0x28: {  	[sflag:s17] =	ssyncset.done $0x0  }
0x29: {  	[sflag:s17] =	ssyncadd.s32 $0xFFFFE000  }
0x2a: {  	[spmem:s15] =	stream.linear.scatter [tilespmem:s16], [sflag:$0x2], $0x2000, $0x38;
	[tilespmem:$0x10100] =	vst v63  }
0x2b: {  	_ =	swait.ge [sflag:s17], $0x2000  }
0x2c: {  	[sflag:s17] =	ssyncset.done $0x0  }
0x2d: {  	[sflag:s17] =	ssyncadd.s32 $0xFFFFE000  }
0x2e: {  	s23 =	simm.s32 $0x0;
	s24 =	simm.s32 $0x0;
	[bflag:$0x0] =	sbarrier.arrive $0xFFFF  }
.LBB2_4:
0x2f: {  	s25 =	sshll.u32 s24, $0x7  }
0x30: {  	s25 =	sadd.s32 s9, s25  }
0x31: {  	s26 =	sshrl.u32 s25, $0x3  }
0x32: {  	s28 =	sadd.s32 s6, s26  }
0x33: {  	[tilespmem:s23], [sflag:$0x2] =	stream.linear.gather [hbm4b:s28+s23], $0x80, $0x38;
	[tilespmem:$0x10100] =	vst v63  }
0x34: {  	_ =	swait.ge [sflag:s17], $0x80  }
0x35: {  	[sflag:s17] =	ssyncset.done $0x0  }
0x36: {  	s26 =	sadd.s32 s7, s26;
	[sflag:s17] =	ssyncadd.s32 $0xFFFFFF80  }
0x37: {  	[tilespmem:s18], [sflag:$0x2] =	stream.linear.gather [hbm4b:s26+s23], $0x80, $0x38;
	[tilespmem:$0x10100] =	vst v63  }
0x38: {  	_ =	swait.ge [sflag:s17], $0x80  }
0x39: {  	s25 =	sshll.u32 s25, $0x3;
	[sflag:s17] =	ssyncset.done $0x0  }
0x3a: {  	s25 =	sadd.s32 s5, s25;
	[sflag:s17] =	ssyncadd.s32 $0xFFFFFF80  }
0x3b: {  	[tilespmem:s19], [sflag:$0x2] =	stream.linear.gather [hbm4b:s25+s23], $0x2000, $0x38;
	[tilespmem:$0x10100] =	vst v63  }
0x3c: {  	_ =	swait.ge [sflag:s17], $0x2000  }
0x3d: {  	[sflag:s17] =	ssyncset.done $0x0  }
0x3e: {  	[sflag:s17] =	ssyncadd.s32 $0xFFFFE000  }
0x3f: {  	[tilespmem:s20], [sflag:$0x1] =	stream.indirect.gather [hbm4b:s4+s18], $0x40, s23, s18, $0xb8;
	[tilespmem:$0x10100] =	vst v63  }
0x40: {  	_ =	swait.ge [sflag:s21], $0x2000  }
0x41: {  	[sflag:s21] =	ssyncset.done $0x0  }
0x42: {  	s25 =	simm.s32 $0x0;
	[sflag:s21] =	ssyncadd.s32 $0xFFFFE000  }
0x43: {  	v1 =	vld [tilespmem:s25+$0x2120]  }
0x44: {  	v2 =	vld [tilespmem:s25+$0x120]  }
0x45: {  	v3 =	vld [tilespmem:s25+$0x2130]  }
0x46: {  	v4 =	vld [tilespmem:s25+$0x130];
	_ =	sdelay $0x4  }
0x47: {  	v5 =	vld [tilespmem:s25+$0x2110];
	v2 =	vadd.f32 v1, v2;
	v4 =	vadd.f32 v3, v4  }
0x48: {  	v6 =	vld [tilespmem:s25+$0x110]  }
0x49: {  	v1 =	vmin.f32 v2, $0.0e+00;
	v3 =	vmax.f32 v4, $0.0e+00;
	v9 =	vmin.f32 v4, $0.0e+00;
	v4 =	vld [tilespmem:s25+$0x100]  }
0x4a: {  	v7 =	vmul.f32 $9.999999770e-03, v1;
	v1 =	vld [tilespmem:s25+$0x2100];
	_ =	sdelay $0x1  }
0x4b: {  	v8 =	vmax.f32 v2, $0.0e+00  }
0x4c: {  	s28 =	simm.s32 $0x200;
	s26 =	simm.s32 $0x100;
	v2 =	vadd.f32 v5, v6;
	v6 =	vmul.f32 $9.999999770e-03, v9;
	v5 =	vadd.f32 v7, v8  }
.LBB2_5:
0x4d: {  	p0 =	sne.s32 s28, $0x7F00  }
0x4e: {  	s29 =	sshra.s32 s26, $0x2;
	v1 =	vadd.f32 v1, v4;
	s26 =	smov.u32 s28;
	s28 =	sadd.s32 $0x100, s28  }
0x4f: {  	v4 =	vld [tilespmem:s29+$0x2120];
	v7 =	vmin.f32 v2, $0.0e+00;
	[tilespmem:s25+$0x120] =	vst v5;
	v3 =	vadd.f32 v6, v3  }
0x50: {  	v5 =	vld [tilespmem:s29+$0x120];
	v6 =	vmin.f32 v1, $0.0e+00;
	v7 =	vmul.f32 $9.999999770e-03, v7  }
0x51: {  	v9 =	vmax.f32 v1, $0.0e+00;
	v1 =	vmax.f32 v2, $0.0e+00;
	v8 =	vld [tilespmem:s29+$0x2130];
	v6 =	vmul.f32 $9.999999770e-03, v6;
	[tilespmem:s25+$0x130] =	vst v3  }
0x52: {  	v2 =	vld [tilespmem:s29+$0x130];
	v3 =	vadd.f32 v7, v1  }
0x53: {  	v1 =	vld [tilespmem:s29+$0x2100];
	v6 =	vadd.f32 v6, v9  }
0x54: {  	v7 =	vld [tilespmem:s29+$0x2110];
	[tilespmem:s25+$0x110] =	vst v3  }
0x55: {  	v9 =	vld [tilespmem:s29+$0x110];
	v3 =	vadd.f32 v4, v5;
	[tilespmem:s25+$0x100] =	vst v6;
	s25 =	smov.u32 s29  }
.Ltmp1:
0x56: {  	v4 =	vld [tilespmem:s25+$0x100];
	(pc) =	sbr.rel @p0 .LBB2_5-.Ltmp1, $4  }
0x57: {  	v5 =	vmin.f32 v3, $0.0e+00;
	v2 =	vadd.f32 v8, v2  }
0x58: {  	v6 =	vmax.f32 v3, $0.0e+00;
	v5 =	vmul.f32 $9.999999770e-03, v5  }
0x59: {  	v3 =	vmax.f32 v2, $0.0e+00;
	v8 =	vmin.f32 v2, $0.0e+00  }
0x5a: {  	v2 =	vadd.f32 v7, v9;
	v5 =	vadd.f32 v5, v6;
	v6 =	vmul.f32 $9.999999770e-03, v8  }
0x5b: {  	s26 =	sshra.s32 s26, $0x2  }
0x5c: {  	v1 =	vadd.f32 v1, v4;
	v7 =	vld [tilespmem:s26+$0x2120];
	[tilespmem:s25+$0x120] =	vst v5;
	v3 =	vadd.f32 v6, v3  }
0x5d: {  	v53 =	vmin.f32 v2, $0.0e+00;
	v5 =	vld [tilespmem:s26+$0x120]  }
0x5e: {  	v54 =	vld [tilespmem:s26+$0x2130];
	v4 =	vmul.f32 $9.999999770e-03, v53;
	[tilespmem:s25+$0x130] =	vst v3;
	v3 =	vmin.f32 v1, $0.0e+00  }
0x5f: {  	v2 =	vmax.f32 v2, $0.0e+00;
	v3 =	vmul.f32 $9.999999770e-03, v3  }
0x60: {  	v1 =	vmax.f32 v1, $0.0e+00;
	v8 =	vld [tilespmem:s26+$0x130];
	v2 =	vadd.f32 v4, v2  }
0x61: {  	v55 =	vld [tilespmem:s26+$0x2100];
	v1 =	vadd.f32 v3, v1  }
0x62: {  	v9 =	vld [tilespmem:s26+$0x2110];
	[tilespmem:s25+$0x110] =	vst v2  }
0x63: {  	v2 =	vld [tilespmem:s26+$0x110];
	[tilespmem:s25+$0x100] =	vst v1  }
0x64: {  	v1 =	vld [tilespmem:s26+$0x100];
	_ =	sdelay $0x1  }
0x65: {  	v3 =	vadd.f32 v7, v5  }
0x66: {  	v56 =	vadd.f32 v54, v8  }
0x67: {  	v57 =	vmin.f32 v3, $0.0e+00;
	v3 =	vmax.f32 v3, $0.0e+00;
	v2 =	vadd.f32 v9, v2  }
0x68: {  	v6 =	vmul.f32 $9.999999770e-03, v57;
	v58 =	vmin.f32 v56, $0.0e+00;
	v1 =	vadd.f32 v55, v1  }
0x69: {  	v59 =	vmax.f32 v56, $0.0e+00;
	v60 =	vmul.f32 $9.999999770e-03, v58;
	v61 =	vmin.f32 v2, $0.0e+00  }
0x6a: {  	v3 =	vadd.f32 v6, v3;
	v7 =	vmul.f32 $9.999999770e-03, v61;
	v62 =	vmin.f32 v1, $0.0e+00  }
0x6b: {  	v4 =	vadd.f32 v60, v59;
	v2 =	vmax.f32 v2, $0.0e+00;
	v63 =	vmul.f32 $9.999999770e-03, v62  }
0x6c: {  	[tilespmem:s26+$0x120] =	vst v3;
	v1 =	vmax.f32 v1, $0.0e+00;
	v2 =	vadd.f32 v7, v2  }
0x6d: {  	s24 =	sadd.s32 $0x1, s24;
	[tilespmem:s26+$0x130] =	vst v4;
	v1 =	vadd.f32 v63, v1  }
0x6e: {  	p0 =	sne.s32 s24, $0x50;
	[tilespmem:s26+$0x110] =	vst v2  }
.Ltmp2:
0x6f: {  	[tilespmem:s26+$0x100] =	vst v1;
	(pc) =	sbr.rel @p0 .LBB2_4-.Ltmp2, $4  }
0x70: {  	[spmem:s1] =	stream.indirect.scatter.add.f32 [tilespmem:s20], [sflag:$0x2], $0x40, s18, s18, $0xb8;
	[tilespmem:$0x10100] =	vst v63  }
0x71: {  	_ =	swait.ge [sflag:s17], $0x2000  }
0x72: {  	[sflag:s17] =	ssyncset.done $0x0  }
0x73: {  	[sflag:s17] =	ssyncadd.s32 $0xFFFFE000  }
0x74: {  	s3 =	sadd.s32 $0x1, s3  }
0x75: {  	s23 =	sshll.u32 s2, $0x6;
	p0 =	sne.s32 s3, s11  }
.Ltmp3:
0x76: {  	[bflag:$0x0] =	sbarrier.arrive $0xFFFF;
	s23 =	sor.u32 $0x1C02, s23;
	(pc) =	sbr.rel @p0 .LBB2_1-.Ltmp3, $4  }
0x77: {  	[hbm:s10], [sflag:s23] =	dma.local [spmem:s22], $0x1400  }
0x78: {  	_ =	swait.ge [sflag:s17], $0x1400  }
0x79: {  	[sflag:s17] =	ssyncset.done $0x0  }
0x7a: {  	[sflag:s17] =	ssyncadd.s32 $0xFFFFEC00  }
0x7b: {  	_ =	sfence.sel $0x180000  }
0x7c: {  	[bflag:$0x0] =	sbarrier.arrive $0xFFFF  }
0x7d: {  	p0 =	sne.s32 s2, $0x0;
	_ =	strace $0x9000004A  }
0x7e: {  	s0 =	sadd.s32 @!p0 $0x100000, s0;
	[bflag:$0x2] =	sbarrier.arrive $0xFFFF  }
0x7f: {  	[sflag:s0] =	ssyncadd.tile.s32 @!p0 $0x1;
	_ =	shalt  }
.Lfunc_end2:
_tile_overlayer_lowered:
.L_overlay_start_2:
0x80: {  	(tag) =	ssettag $0x2  }
0x81: {  	s0 =	rddreg [dreg:$0x0];
	s2 =	stileid.u32  }
0x82: {  	s1 =	rddreg [dreg:$0x1];
	p0 =	sne.s32 s2, $0x0  }
0x83: {  	s3 =	rddreg [dreg:$0x2];
	[bflag:$0x3] =	sbarrier.arrive $0xFFFF;
	s2 =	simm.s32 @!p0 $0x1C02  }
0x84: {  	[timem:s3], [sflag:s2] =	dma.local @!p0 [hbm:s0], s1  }
0x85: {  	s0 =	simm.s32 @!p0 $0x2  }
0x86: {  	_ =	swait.ge @!p0 [sflag:s0], s1  }
0x87: {  	s1 =	ssub.s32 @!p0 $0x0, s1;
	[sflag:s0] =	ssyncset.done @!p0 $0x0  }
0x88: {  	[sflag:s0] =	ssyncadd.s32 @!p0 s1  }
0x89: {  	[bflag:$0x3] =	sbarrier.arrive $0xFFFF  }
0x8a: {  	_ =	shalt  }

// kernel: kernel.20.cloned.1.call-start
scs
__scs_entry_jumppad:
0x0: {  	(pc) =	sbr.rel $0x88, $3  }
0x1: {  	(tag) =	ssettag $0x0;
	lr =	simm.s32 $0x1  }
0x2: {  	[smem:$0x3F90] =	sst lr;
	_ =	strace $0xD0000000  }
0x3: {  	_ = 	snop  }
0x4: {  	_ = 	snop  }
0x5: {  	_ = 	snop  }
0x6: {  	_ = 	snop  }
0x7: {  	_ = 	snop  }
__scs_overlays_trampoline_lowered:
0x8: {  	[smem:$0x3F9F] =	sst s0  }
0x9: {  	[smem:$0x3FA0] =	sst s1  }
0xa: {  	[smem:$0x3FA1] =	sst s2  }
0xb: {  	[smem:$0x3FA2] =	sst s3  }
0xc: {  	[smem:$0x3FA3] =	sst s4  }
0xd: {  	[smem:$0x3FA4] =	sst s5  }
0xe: {  	[smem:$0x3FA5] =	sst s6  }
0xf: {  	[smem:$0x3FA6] =	sst s7  }
0x10: {  	[smem:$0x3FA7] =	sst s8  }
0x11: {  	[smem:$0x3FA8] =	sst s9;
	s0 =	simm.s32 @!p0 $0x0  }
0x12: {  	s1 =	sld [smem:$0x3F8E];
	s0 =	simm.s32 @p0 $0x1  }
0x13: {  	[smem:$0x3FA9] =	sst s0;
	s0 =	simm.s32 @!p1 $0x0  }
0x14: {  	s2 =	sld [smem:$0x3F8D];
	s0 =	simm.s32 @p1 $0x1  }
0x15: {  	[smem:$0x3FAA] =	sst s0;
	s0 =	simm.s32 @!p2 $0x0  }
0x16: {  	s3 =	sld [smem:$0x3FDB];
	s0 =	simm.s32 @p2 $0x1  }
0x17: {  	s4 =	simm.s32 $0x1BF5;
	[smem:$0x3FAC] =	sst s0  }
0x18: {  	s0 =	sld [smem:$0x3F8F];
	_ =	swait.ge [sflag:s4], $0x0  }
0x19: {  	s7 =	sld [smem:$0x3F90]  }
0x1a: {  	s8 =	sadd.s32 $0xFFFFE003, lr  }
0x1b: {  	s9 =	sadd.s32 $0xFFFFFEF7, lr;
	s5 =	simm.s32 $0xFFFFFFFF;
	p2 =	slt.u32 s8, $0xFFFFF086  }
0x1c: {  	p1 =	slt.u32 s9, $0xF7A;
	s5 =	simm.s32 @!p2 $0x0  }
0x1d: {  	s5 =	simm.s32 @p1 $0x1;
	p0 =	seq.s32 s7, s2  }
0x1e: {  	s7 =	smul.u32 @!p0 $0xF7A, s2;
	p2 =	seq.s32 @!p0 s5, $0x0  }
0x1f: {  	s9 =	smul.u32 $0xF7A, s1;
	s8 =	simm.s32 @!p0 $0x1BF5;
	p2 =	por !p2, p0  }
0x20: {  	[sflag:s8] =	ssyncset.s32 @!p0 $0xFFFFF086;
	s6 =	sadd.s32 @!p0 s3, s7;
	s7 =	simm.s32 @!p0 $0x108  }
0x21: {  	s3 =	sadd.s32 s3, s9;
	s6 =	sadd.s32 @!p0 $0x88, s6;
	s7 =	simm.s32 @p2 $0x1082  }
0x22: {  	[simem:s7], [sflag:s8] =	dma.local @!p0 [hbm:s6], $0xF7A  }
0x23: {  	s9 =	sor.u32 $0xD0000000, s2;
	s6 =	simm.s32 $0x108;
	_ =	swait.ge @!p0 [sflag:s8], $0x0  }
0x24: {  	s3 =	sadd.s32 $0x88, s3;
	s6 =	simm.s32 @!p1 $0x1082;
	[sflag:s4] =	ssyncset.s32 $0xFFFFF086  }
0x25: {  	[simem:s6], [sflag:s4] =	dma.local [hbm:s3], $0xF7A  }
0x26: {  	[smem:$0x3F90] =	sst s1;
	(tag) =	ssettag s2;
	_ =	strace s9  }
0x27: {  	s1 =	sld [smem:$0x3FA0]  }
0x28: {  	s2 =	sld [smem:$0x3FA1]  }
0x29: {  	s4 =	sld [smem:$0x3FA3]  }
0x2a: {  	p0 =	seq.s32 s5, $0x0;
	s5 =	sld [smem:$0x3FA4]  }
0x2b: {  	s6 =	sld [smem:$0x3FA5]  }
0x2c: {  	s7 =	sld [smem:$0x3FA6]  }
0x2d: {  	s3 =	simm.s32 $0x108;
	s8 =	sld [smem:$0x3FA7]  }
0x2e: {  	s3 =	simm.s32 @!p0 $0x1082;
	s9 =	sld [smem:$0x3FA8]  }
0x2f: {  	lr =	sadd.s32 s0, s3;
	s0 =	sld [smem:$0x3F9F]  }
0x30: {  	s3 =	sld [smem:$0x3FA2]  }
0x31: {  	[smem:$0x3FAB] =	sst s10  }
0x32: {  	s10 =	sld [smem:$0x3FA9];
	_ =	sdelay $0x3  }
0x33: {  	p0 =	seq.s32 s10, $0x1;
	s10 =	sld [smem:$0x3FAB];
	_ =	sdelay $0x3  }
0x34: {  	[smem:$0x3FAB] =	sst s10  }
0x35: {  	s10 =	sld [smem:$0x3FAA];
	_ =	sdelay $0x3  }
0x36: {  	p1 =	seq.s32 s10, $0x1;
	s10 =	sld [smem:$0x3FAB];
	_ =	sdelay $0x3  }
0x37: {  	[smem:$0x3FAB] =	sst s10  }
0x38: {  	s10 =	sld [smem:$0x3FAC]  }
0x39: {  	_ = 	snop;
	(pc) =	sbr.ind lr, $3  }
0x3a: {  	_ = 	snop  }
0x3b: {  	_ = 	snop  }
0x3c: {  	p2 =	seq.s32 s10, $0x1;
	s10 =	sld [smem:$0x3FAB]  }
0x3d: {  	_ =	shalt  }
0x3e: {  	_ =	shalt  }
0x3f: {  	_ =	shalt  }
0x40: {  	_ =	shalt  }
0x41: {  	_ =	shalt  }
0x42: {  	_ =	shalt  }
0x43: {  	_ =	shalt  }
0x44: {  	_ =	shalt  }
0x45: {  	_ =	shalt  }
0x46: {  	_ =	shalt  }
0x47: {  	_ =	shalt  }
0x48: {  	_ =	shalt  }
0x49: {  	_ =	shalt  }
0x4a: {  	_ =	shalt  }
0x4b: {  	_ =	shalt  }
0x4c: {  	_ =	shalt  }
0x4d: {  	_ =	shalt  }
0x4e: {  	_ =	shalt  }
0x4f: {  	_ =	shalt  }
0x50: {  	_ =	shalt  }
0x51: {  	_ =	shalt  }
0x52: {  	_ =	shalt  }
0x53: {  	_ =	shalt  }
0x54: {  	_ =	shalt  }
0x55: {  	_ =	shalt  }
0x56: {  	_ =	shalt  }
0x57: {  	_ =	shalt  }
0x58: {  	_ =	shalt  }
0x59: {  	_ =	shalt  }
0x5a: {  	_ =	shalt  }
0x5b: {  	_ =	shalt  }
0x5c: {  	_ =	shalt  }
0x5d: {  	_ =	shalt  }
0x5e: {  	_ =	shalt  }
0x5f: {  	_ =	shalt  }
0x60: {  	_ =	shalt  }
0x61: {  	_ =	shalt  }
0x62: {  	_ =	shalt  }
0x63: {  	_ =	shalt  }
0x64: {  	_ =	shalt  }
0x65: {  	_ =	shalt  }
0x66: {  	_ =	shalt  }
0x67: {  	_ =	shalt  }
0x68: {  	_ =	shalt  }
0x69: {  	_ =	shalt  }
0x6a: {  	_ =	shalt  }
0x6b: {  	_ =	shalt  }
0x6c: {  	_ =	shalt  }
0x6d: {  	_ =	shalt  }
0x6e: {  	_ =	shalt  }
0x6f: {  	_ =	shalt  }
0x70: {  	_ =	shalt  }
0x71: {  	_ =	shalt  }
0x72: {  	_ =	shalt  }
0x73: {  	_ =	shalt  }
0x74: {  	_ =	shalt  }
0x75: {  	_ =	shalt  }
0x76: {  	_ =	shalt  }
0x77: {  	_ =	shalt  }
0x78: {  	_ =	shalt  }
0x79: {  	_ =	shalt  }
0x7a: {  	_ =	shalt  }
0x7b: {  	_ =	shalt  }
0x7c: {  	_ =	shalt  }
0x7d: {  	_ =	shalt  }
0x7e: {  	_ =	shalt  }
0x7f: {  	_ =	shalt  }
0x80: {  	_ =	shalt  }
0x81: {  	_ =	shalt  }
0x82: {  	_ =	shalt  }
0x83: {  	_ =	shalt  }
0x84: {  	_ =	shalt  }
0x85: {  	_ =	shalt  }
0x86: {  	_ =	shalt  }
0x87: {  	_ =	shalt  }
.Lfunc_end0:
.L_simem_size_0:
called_computation.2_lowered:
.L_overlay_start_0:
0x88: {  	s2 =	sld [smem:$0x3FD9]  }
0x89: {  	s3 =	sld [smem:$0x3FFE];
	_ =	sdelay $0x1  }
0x8a: {  	s1 =	srdreg.scid  }
0x8b: {  	s0 =	sand.u32 $0x1, s1  }
0x8c: {  	s16 =	sshll.u32 s0, $0xA;
	s2 =	sadd.s32 s3, s2  }
0x8d: {  	s2 =	sadd.s32 s2, s16  }
0x8e: {  	[smem:$0x3FB7] =	sst s2  }
0x8f: {  	_ = 	snop  }
0x90: {  	(tm) =	ssettm $0x1  }
0x91: {  	s17 =	sld [smem:$0x3FFB];
	_ =	sdelay $0x3  }
0x92: {  	_ =	strace s17  }
0x93: {  	s2 =	sld [smem:$0x3FFC];
	_ =	sdelay $0x3  }
0x94: {  	_ =	strace s2  }
0x95: {  	s2 =	sld [smem:$0x3FFD];
	_ =	sdelay $0x3  }
0x96: {  	_ =	strace s2  }
0x97: {  	_ =	strace $0x8FFFFFFF  }
0x98: {  	s18 =	sld [smem:$0x3FDB];
	_ =	sdelay $0x1  }
0x99: {  	s19 =	simm.s32 $_scs_section_size  }
0x9a: {  	s4 =	simm.s32 $_size__tile_overlayer_lowered;
	s5 =	simm.s32 $_tile_overlayer_lowered  }
0x9b: {  	s22 =	simm.s32 $0x1BFF;
	s21 =	sshll.u32 s5, $0x1;
	s2 =	sadd.s32 s19, s18  }
0x9c: {  	s6 =	simm.s32 $0x0;
	s20 =	sshll.u32 s4, $0x1;
	s4 =	sadd.s32 s21, s2  }
0x9d: {  	[timem:s6], [sflag:s22] =	dma.local [hbm:s4], s20  }
0x9e: {  	_ =	swait.ge [sflag:s22], s20  }
0x9f: {  	s3 =	ssub.s32 $0x0, s20;
	[sflag:s22] =	ssyncset.done $0x0  }
0xa0: {  	[sflag:s22] =	ssyncadd.s32 s3;
	_ =	sdelay $0x1  }
0xa1: {  	s23 =	simm.s32 $0x1B8B  }
0xa2: {  	_ =	swait.ge [sflag:s23], $0x1  }
0xa3: {  	[sflag:s23] =	ssyncset.done $0x0  }
0xa4: {  	s25 =	simm.s32 $0x1B8E;
	s24 =	sld [smem:$0x3FFE];
	[sflag:s23] =	ssyncadd.s32 $0xFFFFFFFF  }
0xa5: {  	s26 =	simm.s32 $execute0_lowered;
	[smem:$0x3FD2] =	sst s25  }
0xa6: {  	s4 =	sshll.u32 s26, $0x1;
	_ =	strace $0x8000004C;
	[dreg:$0x1] =	wrdreg $0xFFFFFFFF  }
0xa7: {  	s28 =	simm.s32 $_size_execute0_lowered;
	s2 =	sadd.s32 s2, s4;
	[dreg:$0x0] =	wrdreg $0x0  }
0xa8: {  	s4 =	sshll.u32 s28, $0x1;
	[dreg:$0x2] =	wrdreg s2  }
0xa9: {  	[dreg:$0x3] =	wrdreg s4  }
0xaa: {  	[dreg:$0x4] =	wrdreg $0xC0  }
0xab: {  	_ =	task [dreg:s6], $0x5FFFF  }
0xac: {  	[dreg:$0x1] =	wrdreg $0xFFFFFFFF  }
0xad: {  	[dreg:$0x0] =	wrdreg $0x60  }
0xae: {  	[dreg:$0x2] =	wrdreg s24  }
0xaf: {  	[dreg:$0x3] =	wrdreg $0x61000  }
0xb0: {  	[dreg:$0x4] =	wrdreg $0x9  }
0xb1: {  	_ =	task.clear_ibuf [dreg:s6], $0x5FFFF;
	_ =	strace $0x9000004C  }
0xb2: {  	s29 =	simm.s32 $0x9;
	_ =	strace $0x8000004E  }
0xb3: {  	_ =	swait.ge [sflag:s29], $0x1  }
0xb4: {  	[sflag:s29] =	ssyncadd.s32 $0xFFFFFFFF  }
0xb5: {  	_ =	strace $0x9000004E  }
0xb6: {  	_ =	sfence  }
0xb7: {  	s30 =	sld [smem:$0x0];
	_ =	sdelay $0x2  }
0xb8: {  	s31 =	sshll.u32 s1, $0xD;
	s1 =	sshrl.u32 s1, $0x2  }
0xb9: {  	s3 =	sand.u32 $0x4000, s31;
	s1 =	sadd.s32 s1, s30  }
0xba: {  	s0 =	sor.u32 s3, s0;
	s1 =	sshll.u32 s1, $0x11  }
0xbb: {  	s0 =	sor.u32 s1, s0  }
0xbc: {  	s0 =	sadd.s32 $0x8F2B, s0  }
0xbd: {  	[sflag:s0] =	ssyncadd.remote.s32 $0x1  }
0xbe: {  	_ =	sfence.sel $0xFFFF  }
0xbf: {  	[dreg:$0x0] =	wrdreg $0xFFFFFFFF;
	(pc) =	sbr.abs _section_cstart, $3  }
0xc0: {  	[dreg:$0x1] =	wrdreg $0xFFFFFFFF  }
0xc1: {  	_ =	task.clear_ibuf [dreg:s6], $0x2FFFF;
	_ =	strace $0x9FFFFFFF  }
0xc2: {  	(tm) =	ssettm $0x7FFFFFFF  }
0xc3: {  	_ =	shalt  }
tec
execute0_lowered:
.L_overlay_start_1:
0x0: {  	(tag) =	ssettag $0x1  }
0x1: {  	s8 =	rddreg [dreg:$0x0]  }
0x2: {  	s1 =	rddreg [dreg:$0x1]  }
0x3: {  	s2 =	srdreg.scid;
	s0 =	rddreg [dreg:$0x2];
	s3 =	simm.s32 $0x0  }
0x4: {  	s16 =	simm.s32 $0x4100;
	s17 =	simm.s32 $0x2;
	s18 =	simm.s32 $0x80  }
0x5: {  	s19 =	simm.s32 $0x2100;
	s20 =	simm.s32 $0x100;
	s21 =	simm.s32 $0x1  }
0x6: {  	s9 =	sand.u32 $0x1, s2;
	s2 =	stileid.u32;
	[smem:$0x7FF] =	sst s3  }
0x7: {  	s4 =	sadd.s32 $0x2DE00, s8;
	s5 =	sadd.s32 $0x2FDE00, s8;
	s6 =	smul.u32 $0xA0000, s9  }
0x8: {  	s11 =	smul.u32 $0xA000, s2;
	_ =	strace $0x8000004D;
	s31 =	ssub.s32 $0x2, s9  }
0x9: {  	s12 =	smul.u32 $0x28000, s2;
	s14 =	sshll.u32 s2, $0x1;
	s13 =	sshrl.u32 s31, $0x1  }
0xa: {  	s9 =	sor.u32 s9, s14;
	s7 =	sadd.s32 s11, s6;
	s6 =	sadd.s32 $0x41E00, s8  }
0xb: {  	s12 =	sshrl.u32 s12, $0x2;
	s13 =	ssub.s32 s31, s13;
	s9 =	smul.u32 $0x2800, s9  }
0xc: {  	s22 =	sadd.s32 s11, s1;
	s10 =	sshrl.u32 s7, $0x3;
	s7 =	sadd.s32 $0x4BE00, s8  }
0xd: {  	s11 =	smax.u32 s13, $0x1;
	s10 =	sadd.s32 s10, s8;
	s8 =	sadd.s32 s12, s1  }
0xe: {  	s22 =	sshrl.u32 s22, $0x3;
	s10 =	sadd.s32 $0x55E00, s10;
	s12 =	sadd.s32 $0x2000, s8  }
0xf: {  	v0 =	vimm.f32 $0.0e+00;
	s13 =	sadd.s32 $0x4000, s8;
	s14 =	sadd.s32 $0x6000, s8;
	s15 =	sadd.s32 $0x8000, s8  }
.LBB2_1:
0x10: {  	s24 =	simm.s32 $0x100;
	s23 =	simm.s32 $0x0  }
.LBB2_2:
0x11: {  	p0 =	sne.s32 s24, $0x7F00;
	[tilespmem:s23+$0x4130] =	vst v0;
	s25 =	smov.u32 s24;
	s24 =	sadd.s32 $0x100, s24  }
.Ltmp0:
0x12: {  	[tilespmem:s23+$0x4120] =	vst v0;
	(pc) =	sbr.rel @p0 .LBB2_2-.Ltmp0, $3  }
0x13: {  	[tilespmem:s23+$0x4100] =	vst v0  }
0x14: {  	[tilespmem:s23+$0x4110] =	vst v0;
	_ =	sdelay $0x1  }
0x15: {  	s23 =	sshra.s32 s25, $0x2  }
0x16: {  	[tilespmem:s23+$0x4130] =	vst v0  }
0x17: {  	[tilespmem:s23+$0x4120] =	vst v0  }
0x18: {  	[tilespmem:s23+$0x4100] =	vst v0  }
0x19: {  	[tilespmem:s23+$0x4110] =	vst v0  }
0x1a: {  	[spmem:s8] =	stream.linear.scatter [tilespmem:s16], [sflag:$0x2], $0x2000, $0x38;
	[tilespmem:$0x10100] =	vst v63  }
0x1b: {  	_ =	swait.ge [sflag:s17], $0x2000  }
0x1c: {  	[sflag:s17] =	ssyncset.done $0x0  }
0x1d: {  	[sflag:s17] =	ssyncadd.s32 $0xFFFFE000  }
0x1e: {  	[spmem:s12] =	stream.linear.scatter [tilespmem:s16], [sflag:$0x2], $0x2000, $0x38;
	[tilespmem:$0x10100] =	vst v63  }
0x1f: {  	_ =	swait.ge [sflag:s17], $0x2000  }
0x20: {  	[sflag:s17] =	ssyncset.done $0x0  }
0x21: {  	[sflag:s17] =	ssyncadd.s32 $0xFFFFE000  }
0x22: {  	[spmem:s13] =	stream.linear.scatter [tilespmem:s16], [sflag:$0x2], $0x2000, $0x38;
	[tilespmem:$0x10100] =	vst v63  }
0x23: {  	_ =	swait.ge [sflag:s17], $0x2000  }
0x24: {  	[sflag:s17] =	ssyncset.done $0x0  }
0x25: {  	[sflag:s17] =	ssyncadd.s32 $0xFFFFE000  }
0x26: {  	[spmem:s14] =	stream.linear.scatter [tilespmem:s16], [sflag:$0x2], $0x2000, $0x38;
	[tilespmem:$0x10100] =	vst v63  }
0x27: {  	_ =	swait.ge [sflag:s17], $0x2000  }
0x28: {  	[sflag:s17] =	ssyncset.done $0x0  }
0x29: {  	[sflag:s17] =	ssyncadd.s32 $0xFFFFE000  }
0x2a: {  	[spmem:s15] =	stream.linear.scatter [tilespmem:s16], [sflag:$0x2], $0x2000, $0x38;
	[tilespmem:$0x10100] =	vst v63  }
0x2b: {  	_ =	swait.ge [sflag:s17], $0x2000  }
0x2c: {  	[sflag:s17] =	ssyncset.done $0x0  }
0x2d: {  	[sflag:s17] =	ssyncadd.s32 $0xFFFFE000  }
0x2e: {  	s23 =	simm.s32 $0x0;
	s24 =	simm.s32 $0x0;
	[bflag:$0x0] =	sbarrier.arrive $0xFFFF  }
.LBB2_4:
0x2f: {  	s25 =	sshll.u32 s24, $0x7  }
0x30: {  	s25 =	sadd.s32 s9, s25  }
0x31: {  	s26 =	sshrl.u32 s25, $0x3  }
0x32: {  	s28 =	sadd.s32 s6, s26  }
0x33: {  	[tilespmem:s23], [sflag:$0x2] =	stream.linear.gather [hbm4b:s28+s23], $0x80, $0x38;
	[tilespmem:$0x10100] =	vst v63  }
0x34: {  	_ =	swait.ge [sflag:s17], $0x80  }
0x35: {  	[sflag:s17] =	ssyncset.done $0x0  }
0x36: {  	s26 =	sadd.s32 s7, s26;
	[sflag:s17] =	ssyncadd.s32 $0xFFFFFF80  }
0x37: {  	[tilespmem:s18], [sflag:$0x2] =	stream.linear.gather [hbm4b:s26+s23], $0x80, $0x38;
	[tilespmem:$0x10100] =	vst v63  }
0x38: {  	_ =	swait.ge [sflag:s17], $0x80  }
0x39: {  	s25 =	sshll.u32 s25, $0x3;
	[sflag:s17] =	ssyncset.done $0x0  }
0x3a: {  	s25 =	sadd.s32 s5, s25;
	[sflag:s17] =	ssyncadd.s32 $0xFFFFFF80  }
0x3b: {  	[tilespmem:s19], [sflag:$0x2] =	stream.linear.gather [hbm4b:s25+s23], $0x2000, $0x38;
	[tilespmem:$0x10100] =	vst v63  }
0x3c: {  	_ =	swait.ge [sflag:s17], $0x2000  }
0x3d: {  	[sflag:s17] =	ssyncset.done $0x0  }
0x3e: {  	[sflag:s17] =	ssyncadd.s32 $0xFFFFE000  }
0x3f: {  	[tilespmem:s20], [sflag:$0x1] =	stream.indirect.gather [hbm4b:s4+s18], $0x40, s23, s18, $0xb8;
	[tilespmem:$0x10100] =	vst v63  }
0x40: {  	_ =	swait.ge [sflag:s21], $0x2000  }
0x41: {  	[sflag:s21] =	ssyncset.done $0x0  }
0x42: {  	s25 =	simm.s32 $0x0;
	[sflag:s21] =	ssyncadd.s32 $0xFFFFE000  }
0x43: {  	v1 =	vld [tilespmem:s25+$0x2120]  }
0x44: {  	v2 =	vld [tilespmem:s25+$0x120]  }
0x45: {  	v3 =	vld [tilespmem:s25+$0x2130]  }
0x46: {  	v4 =	vld [tilespmem:s25+$0x130];
	_ =	sdelay $0x4  }
0x47: {  	v5 =	vld [tilespmem:s25+$0x2110];
	v2 =	vadd.f32 v1, v2;
	v4 =	vadd.f32 v3, v4  }
0x48: {  	v6 =	vld [tilespmem:s25+$0x110]  }
0x49: {  	v1 =	vmin.f32 v2, $0.0e+00;
	v3 =	vmax.f32 v4, $0.0e+00;
	v9 =	vmin.f32 v4, $0.0e+00;
	v4 =	vld [tilespmem:s25+$0x100]  }
0x4a: {  	v7 =	vmul.f32 $9.999999770e-03, v1;
	v1 =	vld [tilespmem:s25+$0x2100];
	_ =	sdelay $0x1  }
0x4b: {  	v8 =	vmax.f32 v2, $0.0e+00  }
0x4c: {  	s28 =	simm.s32 $0x200;
	s26 =	simm.s32 $0x100;
	v2 =	vadd.f32 v5, v6;
	v6 =	vmul.f32 $9.999999770e-03, v9;
	v5 =	vadd.f32 v7, v8  }
.LBB2_5:
0x4d: {  	p0 =	sne.s32 s28, $0x7F00  }
0x4e: {  	s29 =	sshra.s32 s26, $0x2;
	v1 =	vadd.f32 v1, v4;
	s26 =	smov.u32 s28;
	s28 =	sadd.s32 $0x100, s28  }
0x4f: {  	v4 =	vld [tilespmem:s29+$0x2120];
	v7 =	vmin.f32 v2, $0.0e+00;
	[tilespmem:s25+$0x120] =	vst v5;
	v3 =	vadd.f32 v6, v3  }
0x50: {  	v5 =	vld [tilespmem:s29+$0x120];
	v6 =	vmin.f32 v1, $0.0e+00;
	v7 =	vmul.f32 $9.999999770e-03, v7  }
0x51: {  	v9 =	vmax.f32 v1, $0.0e+00;
	v1 =	vmax.f32 v2, $0.0e+00;
	v8 =	vld [tilespmem:s29+$0x2130];
	v6 =	vmul.f32 $9.999999770e-03, v6;
	[tilespmem:s25+$0x130] =	vst v3  }
0x52: {  	v2 =	vld [tilespmem:s29+$0x130];
	v3 =	vadd.f32 v7, v1  }
0x53: {  	v1 =	vld [tilespmem:s29+$0x2100];
	v6 =	vadd.f32 v6, v9  }
0x54: {  	v7 =	vld [tilespmem:s29+$0x2110];
	[tilespmem:s25+$0x110] =	vst v3  }
0x55: {  	v9 =	vld [tilespmem:s29+$0x110];
	v3 =	vadd.f32 v4, v5;
	[tilespmem:s25+$0x100] =	vst v6;
	s25 =	smov.u32 s29  }
.Ltmp1:
0x56: {  	v4 =	vld [tilespmem:s25+$0x100];
	(pc) =	sbr.rel @p0 .LBB2_5-.Ltmp1, $4  }
0x57: {  	v5 =	vmin.f32 v3, $0.0e+00;
	v2 =	vadd.f32 v8, v2  }
0x58: {  	v6 =	vmax.f32 v3, $0.0e+00;
	v5 =	vmul.f32 $9.999999770e-03, v5  }
0x59: {  	v3 =	vmax.f32 v2, $0.0e+00;
	v8 =	vmin.f32 v2, $0.0e+00  }
0x5a: {  	v2 =	vadd.f32 v7, v9;
	v5 =	vadd.f32 v5, v6;
	v6 =	vmul.f32 $9.999999770e-03, v8  }
0x5b: {  	s26 =	sshra.s32 s26, $0x2  }
0x5c: {  	v1 =	vadd.f32 v1, v4;
	v7 =	vld [tilespmem:s26+$0x2120];
	[tilespmem:s25+$0x120] =	vst v5;
	v3 =	vadd.f32 v6, v3  }
0x5d: {  	v53 =	vmin.f32 v2, $0.0e+00;
	v5 =	vld [tilespmem:s26+$0x120]  }
0x5e: {  	v54 =	vld [tilespmem:s26+$0x2130];
	v4 =	vmul.f32 $9.999999770e-03, v53;
	[tilespmem:s25+$0x130] =	vst v3;
	v3 =	vmin.f32 v1, $0.0e+00  }
0x5f: {  	v2 =	vmax.f32 v2, $0.0e+00;
	v3 =	vmul.f32 $9.999999770e-03, v3  }
0x60: {  	v1 =	vmax.f32 v1, $0.0e+00;
	v8 =	vld [tilespmem:s26+$0x130];
	v2 =	vadd.f32 v4, v2  }
0x61: {  	v55 =	vld [tilespmem:s26+$0x2100];
	v1 =	vadd.f32 v3, v1  }
0x62: {  	v9 =	vld [tilespmem:s26+$0x2110];
	[tilespmem:s25+$0x110] =	vst v2  }
0x63: {  	v2 =	vld [tilespmem:s26+$0x110];
	[tilespmem:s25+$0x100] =	vst v1  }
0x64: {  	v1 =	vld [tilespmem:s26+$0x100];
	_ =	sdelay $0x1  }
0x65: {  	v3 =	vadd.f32 v7, v5  }
0x66: {  	v56 =	vadd.f32 v54, v8  }
0x67: {  	v57 =	vmin.f32 v3, $0.0e+00;
	v3 =	vmax.f32 v3, $0.0e+00;
	v2 =	vadd.f32 v9, v2  }
0x68: {  	v6 =	vmul.f32 $9.999999770e-03, v57;
	v58 =	vmin.f32 v56, $0.0e+00;
	v1 =	vadd.f32 v55, v1  }
0x69: {  	v59 =	vmax.f32 v56, $0.0e+00;
	v60 =	vmul.f32 $9.999999770e-03, v58;
	v61 =	vmin.f32 v2, $0.0e+00  }
0x6a: {  	v3 =	vadd.f32 v6, v3;
	v7 =	vmul.f32 $9.999999770e-03, v61;
	v62 =	vmin.f32 v1, $0.0e+00  }
0x6b: {  	v4 =	vadd.f32 v60, v59;
	v2 =	vmax.f32 v2, $0.0e+00;
	v63 =	vmul.f32 $9.999999770e-03, v62  }
0x6c: {  	[tilespmem:s26+$0x120] =	vst v3;
	v1 =	vmax.f32 v1, $0.0e+00;
	v2 =	vadd.f32 v7, v2  }
0x6d: {  	s24 =	sadd.s32 $0x1, s24;
	[tilespmem:s26+$0x130] =	vst v4;
	v1 =	vadd.f32 v63, v1  }
0x6e: {  	p0 =	sne.s32 s24, $0x50;
	[tilespmem:s26+$0x110] =	vst v2  }
.Ltmp2:
0x6f: {  	[tilespmem:s26+$0x100] =	vst v1;
	(pc) =	sbr.rel @p0 .LBB2_4-.Ltmp2, $4  }
0x70: {  	[spmem:s1] =	stream.indirect.scatter.add.f32 [tilespmem:s20], [sflag:$0x2], $0x40, s18, s18, $0xb8;
	[tilespmem:$0x10100] =	vst v63  }
0x71: {  	_ =	swait.ge [sflag:s17], $0x2000  }
0x72: {  	[sflag:s17] =	ssyncset.done $0x0  }
0x73: {  	[sflag:s17] =	ssyncadd.s32 $0xFFFFE000  }
0x74: {  	s3 =	sadd.s32 $0x1, s3  }
0x75: {  	s23 =	sshll.u32 s2, $0x6;
	p0 =	sne.s32 s3, s11  }
.Ltmp3:
0x76: {  	[bflag:$0x0] =	sbarrier.arrive $0xFFFF;
	s23 =	sor.u32 $0x1C02, s23;
	(pc) =	sbr.rel @p0 .LBB2_1-.Ltmp3, $4  }
0x77: {  	[hbm:s10], [sflag:s23] =	dma.local [spmem:s22], $0x1400  }
0x78: {  	_ =	swait.ge [sflag:s17], $0x1400  }
0x79: {  	[sflag:s17] =	ssyncset.done $0x0  }
0x7a: {  	[sflag:s17] =	ssyncadd.s32 $0xFFFFEC00  }
0x7b: {  	_ =	sfence.sel $0x180000  }
0x7c: {  	[bflag:$0x0] =	sbarrier.arrive $0xFFFF  }
0x7d: {  	p0 =	sne.s32 s2, $0x0;
	_ =	strace $0x9000004D  }
0x7e: {  	s0 =	sadd.s32 @!p0 $0x100000, s0;
	[bflag:$0x2] =	sbarrier.arrive $0xFFFF  }
0x7f: {  	[sflag:s0] =	ssyncadd.tile.s32 @!p0 $0x1;
	_ =	shalt  }
.Lfunc_end2:
_tile_overlayer_lowered:
.L_overlay_start_2:
0x80: {  	(tag) =	ssettag $0x2  }
0x81: {  	s0 =	rddreg [dreg:$0x0];
	s2 =	stileid.u32  }
0x82: {  	s1 =	rddreg [dreg:$0x1];
	p0 =	sne.s32 s2, $0x0  }
0x83: {  	s3 =	rddreg [dreg:$0x2];
	[bflag:$0x3] =	sbarrier.arrive $0xFFFF;
	s2 =	simm.s32 @!p0 $0x1C02  }
0x84: {  	[timem:s3], [sflag:s2] =	dma.local @!p0 [hbm:s0], s1  }
0x85: {  	s0 =	simm.s32 @!p0 $0x2  }
0x86: {  	_ =	swait.ge @!p0 [sflag:s0], s1  }
0x87: {  	s1 =	ssub.s32 @!p0 $0x0, s1;
	[sflag:s0] =	ssyncset.done @!p0 $0x0  }
0x88: {  	[sflag:s0] =	ssyncadd.s32 @!p0 s1  }
0x89: {  	[bflag:$0x3] =	sbarrier.arrive $0xFFFF  }
0x8a: {  	_ =	shalt  }

// kernel: kernel.23.cloned.1.call-start
scs
__scs_entry_jumppad:
0x0: {  	(pc) =	sbr.rel $0x88, $3  }
0x1: {  	(tag) =	ssettag $0x0;
	lr =	simm.s32 $0x1  }
0x2: {  	[smem:$0x3F90] =	sst lr;
	_ =	strace $0xD0000000  }
0x3: {  	_ = 	snop  }
0x4: {  	_ = 	snop  }
0x5: {  	_ = 	snop  }
0x6: {  	_ = 	snop  }
0x7: {  	_ = 	snop  }
__scs_overlays_trampoline_lowered:
0x8: {  	[smem:$0x3F9F] =	sst s0  }
0x9: {  	[smem:$0x3FA0] =	sst s1  }
0xa: {  	[smem:$0x3FA1] =	sst s2  }
0xb: {  	[smem:$0x3FA2] =	sst s3  }
0xc: {  	[smem:$0x3FA3] =	sst s4  }
0xd: {  	[smem:$0x3FA4] =	sst s5  }
0xe: {  	[smem:$0x3FA5] =	sst s6  }
0xf: {  	[smem:$0x3FA6] =	sst s7  }
0x10: {  	[smem:$0x3FA7] =	sst s8  }
0x11: {  	[smem:$0x3FA8] =	sst s9;
	s0 =	simm.s32 @!p0 $0x0  }
0x12: {  	s1 =	sld [smem:$0x3F8E];
	s0 =	simm.s32 @p0 $0x1  }
0x13: {  	[smem:$0x3FA9] =	sst s0;
	s0 =	simm.s32 @!p1 $0x0  }
0x14: {  	s2 =	sld [smem:$0x3F8D];
	s0 =	simm.s32 @p1 $0x1  }
0x15: {  	[smem:$0x3FAA] =	sst s0;
	s0 =	simm.s32 @!p2 $0x0  }
0x16: {  	s3 =	sld [smem:$0x3FDB];
	s0 =	simm.s32 @p2 $0x1  }
0x17: {  	s4 =	simm.s32 $0x1BF5;
	[smem:$0x3FAC] =	sst s0  }
0x18: {  	s0 =	sld [smem:$0x3F8F];
	_ =	swait.ge [sflag:s4], $0x0  }
0x19: {  	s7 =	sld [smem:$0x3F90]  }
0x1a: {  	s8 =	sadd.s32 $0xFFFFE003, lr  }
0x1b: {  	s9 =	sadd.s32 $0xFFFFFEF7, lr;
	s5 =	simm.s32 $0xFFFFFFFF;
	p2 =	slt.u32 s8, $0xFFFFF086  }
0x1c: {  	p1 =	slt.u32 s9, $0xF7A;
	s5 =	simm.s32 @!p2 $0x0  }
0x1d: {  	s5 =	simm.s32 @p1 $0x1;
	p0 =	seq.s32 s7, s2  }
0x1e: {  	s7 =	smul.u32 @!p0 $0xF7A, s2;
	p2 =	seq.s32 @!p0 s5, $0x0  }
0x1f: {  	s9 =	smul.u32 $0xF7A, s1;
	s8 =	simm.s32 @!p0 $0x1BF5;
	p2 =	por !p2, p0  }
0x20: {  	[sflag:s8] =	ssyncset.s32 @!p0 $0xFFFFF086;
	s6 =	sadd.s32 @!p0 s3, s7;
	s7 =	simm.s32 @!p0 $0x108  }
0x21: {  	s3 =	sadd.s32 s3, s9;
	s6 =	sadd.s32 @!p0 $0x88, s6;
	s7 =	simm.s32 @p2 $0x1082  }
0x22: {  	[simem:s7], [sflag:s8] =	dma.local @!p0 [hbm:s6], $0xF7A  }
0x23: {  	s9 =	sor.u32 $0xD0000000, s2;
	s6 =	simm.s32 $0x108;
	_ =	swait.ge @!p0 [sflag:s8], $0x0  }
0x24: {  	s3 =	sadd.s32 $0x88, s3;
	s6 =	simm.s32 @!p1 $0x1082;
	[sflag:s4] =	ssyncset.s32 $0xFFFFF086  }
0x25: {  	[simem:s6], [sflag:s4] =	dma.local [hbm:s3], $0xF7A  }
0x26: {  	[smem:$0x3F90] =	sst s1;
	(tag) =	ssettag s2;
	_ =	strace s9  }
0x27: {  	s1 =	sld [smem:$0x3FA0]  }
0x28: {  	s2 =	sld [smem:$0x3FA1]  }
0x29: {  	s4 =	sld [smem:$0x3FA3]  }
0x2a: {  	p0 =	seq.s32 s5, $0x0;
	s5 =	sld [smem:$0x3FA4]  }
0x2b: {  	s6 =	sld [smem:$0x3FA5]  }
0x2c: {  	s7 =	sld [smem:$0x3FA6]  }
0x2d: {  	s3 =	simm.s32 $0x108;
	s8 =	sld [smem:$0x3FA7]  }
0x2e: {  	s3 =	simm.s32 @!p0 $0x1082;
	s9 =	sld [smem:$0x3FA8]  }
0x2f: {  	lr =	sadd.s32 s0, s3;
	s0 =	sld [smem:$0x3F9F]  }
0x30: {  	s3 =	sld [smem:$0x3FA2]  }
0x31: {  	[smem:$0x3FAB] =	sst s10  }
0x32: {  	s10 =	sld [smem:$0x3FA9];
	_ =	sdelay $0x3  }
0x33: {  	p0 =	seq.s32 s10, $0x1;
	s10 =	sld [smem:$0x3FAB];
	_ =	sdelay $0x3  }
0x34: {  	[smem:$0x3FAB] =	sst s10  }
0x35: {  	s10 =	sld [smem:$0x3FAA];
	_ =	sdelay $0x3  }
0x36: {  	p1 =	seq.s32 s10, $0x1;
	s10 =	sld [smem:$0x3FAB];
	_ =	sdelay $0x3  }
0x37: {  	[smem:$0x3FAB] =	sst s10  }
0x38: {  	s10 =	sld [smem:$0x3FAC]  }
0x39: {  	_ = 	snop;
	(pc) =	sbr.ind lr, $3  }
0x3a: {  	_ = 	snop  }
0x3b: {  	_ = 	snop  }
0x3c: {  	p2 =	seq.s32 s10, $0x1;
	s10 =	sld [smem:$0x3FAB]  }
0x3d: {  	_ =	shalt  }
0x3e: {  	_ =	shalt  }
0x3f: {  	_ =	shalt  }
0x40: {  	_ =	shalt  }
0x41: {  	_ =	shalt  }
0x42: {  	_ =	shalt  }
0x43: {  	_ =	shalt  }
0x44: {  	_ =	shalt  }
0x45: {  	_ =	shalt  }
0x46: {  	_ =	shalt  }
0x47: {  	_ =	shalt  }
0x48: {  	_ =	shalt  }
0x49: {  	_ =	shalt  }
0x4a: {  	_ =	shalt  }
0x4b: {  	_ =	shalt  }
0x4c: {  	_ =	shalt  }
0x4d: {  	_ =	shalt  }
0x4e: {  	_ =	shalt  }
0x4f: {  	_ =	shalt  }
0x50: {  	_ =	shalt  }
0x51: {  	_ =	shalt  }
0x52: {  	_ =	shalt  }
0x53: {  	_ =	shalt  }
0x54: {  	_ =	shalt  }
0x55: {  	_ =	shalt  }
0x56: {  	_ =	shalt  }
0x57: {  	_ =	shalt  }
0x58: {  	_ =	shalt  }
0x59: {  	_ =	shalt  }
0x5a: {  	_ =	shalt  }
0x5b: {  	_ =	shalt  }
0x5c: {  	_ =	shalt  }
0x5d: {  	_ =	shalt  }
0x5e: {  	_ =	shalt  }
0x5f: {  	_ =	shalt  }
0x60: {  	_ =	shalt  }
0x61: {  	_ =	shalt  }
0x62: {  	_ =	shalt  }
0x63: {  	_ =	shalt  }
0x64: {  	_ =	shalt  }
0x65: {  	_ =	shalt  }
0x66: {  	_ =	shalt  }
0x67: {  	_ =	shalt  }
0x68: {  	_ =	shalt  }
0x69: {  	_ =	shalt  }
0x6a: {  	_ =	shalt  }
0x6b: {  	_ =	shalt  }
0x6c: {  	_ =	shalt  }
0x6d: {  	_ =	shalt  }
0x6e: {  	_ =	shalt  }
0x6f: {  	_ =	shalt  }
0x70: {  	_ =	shalt  }
0x71: {  	_ =	shalt  }
0x72: {  	_ =	shalt  }
0x73: {  	_ =	shalt  }
0x74: {  	_ =	shalt  }
0x75: {  	_ =	shalt  }
0x76: {  	_ =	shalt  }
0x77: {  	_ =	shalt  }
0x78: {  	_ =	shalt  }
0x79: {  	_ =	shalt  }
0x7a: {  	_ =	shalt  }
0x7b: {  	_ =	shalt  }
0x7c: {  	_ =	shalt  }
0x7d: {  	_ =	shalt  }
0x7e: {  	_ =	shalt  }
0x7f: {  	_ =	shalt  }
0x80: {  	_ =	shalt  }
0x81: {  	_ =	shalt  }
0x82: {  	_ =	shalt  }
0x83: {  	_ =	shalt  }
0x84: {  	_ =	shalt  }
0x85: {  	_ =	shalt  }
0x86: {  	_ =	shalt  }
0x87: {  	_ =	shalt  }
.Lfunc_end0:
.L_simem_size_0:
called_computation.3_lowered:
.L_overlay_start_0:
0x88: {  	s2 =	sld [smem:$0x3FD9]  }
0x89: {  	s3 =	sld [smem:$0x3FFE];
	_ =	sdelay $0x1  }
0x8a: {  	s1 =	srdreg.scid  }
0x8b: {  	s0 =	sand.u32 $0x1, s1  }
0x8c: {  	s16 =	sshll.u32 s0, $0xA;
	s2 =	sadd.s32 s3, s2  }
0x8d: {  	s2 =	sadd.s32 s2, s16  }
0x8e: {  	[smem:$0x3FB7] =	sst s2  }
0x8f: {  	_ = 	snop  }
0x90: {  	(tm) =	ssettm $0x1  }
0x91: {  	s17 =	sld [smem:$0x3FFB];
	_ =	sdelay $0x3  }
0x92: {  	_ =	strace s17  }
0x93: {  	s2 =	sld [smem:$0x3FFC];
	_ =	sdelay $0x3  }
0x94: {  	_ =	strace s2  }
0x95: {  	s2 =	sld [smem:$0x3FFD];
	_ =	sdelay $0x3  }
0x96: {  	_ =	strace s2  }
0x97: {  	_ =	strace $0x8FFFFFFF  }
0x98: {  	s18 =	sld [smem:$0x3FDB];
	_ =	sdelay $0x1  }
0x99: {  	s19 =	simm.s32 $_scs_section_size  }
0x9a: {  	s4 =	simm.s32 $_size__tile_overlayer_lowered;
	s5 =	simm.s32 $_tile_overlayer_lowered  }
0x9b: {  	s22 =	simm.s32 $0x1BFF;
	s21 =	sshll.u32 s5, $0x1;
	s2 =	sadd.s32 s19, s18  }
0x9c: {  	s6 =	simm.s32 $0x0;
	s20 =	sshll.u32 s4, $0x1;
	s4 =	sadd.s32 s21, s2  }
0x9d: {  	[timem:s6], [sflag:s22] =	dma.local [hbm:s4], s20  }
0x9e: {  	_ =	swait.ge [sflag:s22], s20  }
0x9f: {  	s3 =	ssub.s32 $0x0, s20;
	[sflag:s22] =	ssyncset.done $0x0  }
0xa0: {  	[sflag:s22] =	ssyncadd.s32 s3;
	_ =	sdelay $0x1  }
0xa1: {  	s23 =	simm.s32 $0x1B8B  }
0xa2: {  	_ =	swait.ge [sflag:s23], $0x1  }
0xa3: {  	[sflag:s23] =	ssyncset.done $0x0  }
0xa4: {  	s25 =	simm.s32 $0x1B8E;
	s24 =	sld [smem:$0x3FFE];
	[sflag:s23] =	ssyncadd.s32 $0xFFFFFFFF  }
0xa5: {  	s26 =	simm.s32 $execute0_lowered;
	[smem:$0x3FD2] =	sst s25  }
0xa6: {  	s4 =	sshll.u32 s26, $0x1;
	_ =	strace $0x8000004F;
	[dreg:$0x1] =	wrdreg $0xFFFFFFFF  }
0xa7: {  	s28 =	simm.s32 $_size_execute0_lowered;
	s2 =	sadd.s32 s2, s4;
	[dreg:$0x0] =	wrdreg $0x0  }
0xa8: {  	s4 =	sshll.u32 s28, $0x1;
	[dreg:$0x2] =	wrdreg s2  }
0xa9: {  	[dreg:$0x3] =	wrdreg s4  }
0xaa: {  	[dreg:$0x4] =	wrdreg $0xC0  }
0xab: {  	_ =	task [dreg:s6], $0x5FFFF  }
0xac: {  	[dreg:$0x1] =	wrdreg $0xFFFFFFFF  }
0xad: {  	[dreg:$0x0] =	wrdreg $0x60  }
0xae: {  	[dreg:$0x2] =	wrdreg s24  }
0xaf: {  	[dreg:$0x3] =	wrdreg $0x61000  }
0xb0: {  	[dreg:$0x4] =	wrdreg $0x9  }
0xb1: {  	_ =	task.clear_ibuf [dreg:s6], $0x5FFFF;
	_ =	strace $0x9000004F  }
0xb2: {  	s29 =	simm.s32 $0x9;
	_ =	strace $0x80000051  }
0xb3: {  	_ =	swait.ge [sflag:s29], $0x1  }
0xb4: {  	[sflag:s29] =	ssyncadd.s32 $0xFFFFFFFF  }
0xb5: {  	_ =	strace $0x90000051  }
0xb6: {  	_ =	sfence  }
0xb7: {  	s30 =	sld [smem:$0x0];
	_ =	sdelay $0x2  }
0xb8: {  	s31 =	sshll.u32 s1, $0xD;
	s1 =	sshrl.u32 s1, $0x2  }
0xb9: {  	s3 =	sand.u32 $0x4000, s31;
	s1 =	sadd.s32 s1, s30  }
0xba: {  	s0 =	sor.u32 s3, s0;
	s1 =	sshll.u32 s1, $0x11  }
0xbb: {  	s0 =	sor.u32 s1, s0  }
0xbc: {  	s0 =	sadd.s32 $0x8F2B, s0  }
0xbd: {  	[sflag:s0] =	ssyncadd.remote.s32 $0x1  }
0xbe: {  	_ =	sfence.sel $0xFFFF  }
0xbf: {  	[dreg:$0x0] =	wrdreg $0xFFFFFFFF;
	(pc) =	sbr.abs _section_cstart, $3  }
0xc0: {  	[dreg:$0x1] =	wrdreg $0xFFFFFFFF  }
0xc1: {  	_ =	task.clear_ibuf [dreg:s6], $0x2FFFF;
	_ =	strace $0x9FFFFFFF  }
0xc2: {  	(tm) =	ssettm $0x7FFFFFFF  }
0xc3: {  	_ =	shalt  }
tec
execute0_lowered:
.L_overlay_start_1:
0x0: {  	(tag) =	ssettag $0x1  }
0x1: {  	s8 =	rddreg [dreg:$0x0]  }
0x2: {  	s1 =	rddreg [dreg:$0x1]  }
0x3: {  	s2 =	srdreg.scid;
	s0 =	rddreg [dreg:$0x2];
	s3 =	simm.s32 $0x0  }
0x4: {  	s16 =	simm.s32 $0x4100;
	s17 =	simm.s32 $0x2;
	s18 =	simm.s32 $0x80  }
0x5: {  	s19 =	simm.s32 $0x2100;
	s20 =	simm.s32 $0x100;
	s21 =	simm.s32 $0x1  }
0x6: {  	s9 =	sand.u32 $0x1, s2;
	s2 =	stileid.u32;
	[smem:$0x7FF] =	sst s3  }
0x7: {  	s4 =	sadd.s32 $0x55E00, s8;
	s5 =	sadd.s32 $0x7DE00, s8;
	s6 =	smul.u32 $0xA0000, s9  }
0x8: {  	s11 =	smul.u32 $0xA000, s2;
	_ =	strace $0x80000050;
	s31 =	ssub.s32 $0x2, s9  }
0x9: {  	s12 =	smul.u32 $0x28000, s2;
	s14 =	sshll.u32 s2, $0x1;
	s13 =	sshrl.u32 s31, $0x1  }
0xa: {  	s9 =	sor.u32 s9, s14;
	s7 =	sadd.s32 s11, s6;
	s6 =	sadd.s32 $0x41E00, s8  }
0xb: {  	s12 =	sshrl.u32 s12, $0x2;
	s13 =	ssub.s32 s31, s13;
	s9 =	smul.u32 $0x2800, s9  }
0xc: {  	s22 =	sadd.s32 s11, s1;
	s10 =	sshrl.u32 s7, $0x3;
	s7 =	sadd.s32 $0x4BE00, s8  }
0xd: {  	s11 =	smax.u32 s13, $0x1;
	s10 =	sadd.s32 s10, s8;
	s8 =	sadd.s32 s12, s1  }
0xe: {  	s22 =	sshrl.u32 s22, $0x3;
	s10 =	sadd.s32 $0x5E00, s10;
	s12 =	sadd.s32 $0x2000, s8  }
0xf: {  	v0 =	vimm.f32 $0.0e+00;
	s13 =	sadd.s32 $0x4000, s8;
	s14 =	sadd.s32 $0x6000, s8;
	s15 =	sadd.s32 $0x8000, s8  }
.LBB2_1:
0x10: {  	s24 =	simm.s32 $0x100;
	s23 =	simm.s32 $0x0  }
.LBB2_2:
0x11: {  	p0 =	sne.s32 s24, $0x7F00;
	[tilespmem:s23+$0x4130] =	vst v0;
	s25 =	smov.u32 s24;
	s24 =	sadd.s32 $0x100, s24  }
.Ltmp0:
0x12: {  	[tilespmem:s23+$0x4120] =	vst v0;
	(pc) =	sbr.rel @p0 .LBB2_2-.Ltmp0, $3  }
0x13: {  	[tilespmem:s23+$0x4100] =	vst v0  }
0x14: {  	[tilespmem:s23+$0x4110] =	vst v0;
	_ =	sdelay $0x1  }
0x15: {  	s23 =	sshra.s32 s25, $0x2  }
0x16: {  	[tilespmem:s23+$0x4130] =	vst v0  }
0x17: {  	[tilespmem:s23+$0x4120] =	vst v0  }
0x18: {  	[tilespmem:s23+$0x4100] =	vst v0  }
0x19: {  	[tilespmem:s23+$0x4110] =	vst v0  }
0x1a: {  	[spmem:s8] =	stream.linear.scatter [tilespmem:s16], [sflag:$0x2], $0x2000, $0x38;
	[tilespmem:$0x10100] =	vst v63  }
0x1b: {  	_ =	swait.ge [sflag:s17], $0x2000  }
0x1c: {  	[sflag:s17] =	ssyncset.done $0x0  }
0x1d: {  	[sflag:s17] =	ssyncadd.s32 $0xFFFFE000  }
0x1e: {  	[spmem:s12] =	stream.linear.scatter [tilespmem:s16], [sflag:$0x2], $0x2000, $0x38;
	[tilespmem:$0x10100] =	vst v63  }
0x1f: {  	_ =	swait.ge [sflag:s17], $0x2000  }
0x20: {  	[sflag:s17] =	ssyncset.done $0x0  }
0x21: {  	[sflag:s17] =	ssyncadd.s32 $0xFFFFE000  }
0x22: {  	[spmem:s13] =	stream.linear.scatter [tilespmem:s16], [sflag:$0x2], $0x2000, $0x38;
	[tilespmem:$0x10100] =	vst v63  }
0x23: {  	_ =	swait.ge [sflag:s17], $0x2000  }
0x24: {  	[sflag:s17] =	ssyncset.done $0x0  }
0x25: {  	[sflag:s17] =	ssyncadd.s32 $0xFFFFE000  }
0x26: {  	[spmem:s14] =	stream.linear.scatter [tilespmem:s16], [sflag:$0x2], $0x2000, $0x38;
	[tilespmem:$0x10100] =	vst v63  }
0x27: {  	_ =	swait.ge [sflag:s17], $0x2000  }
0x28: {  	[sflag:s17] =	ssyncset.done $0x0  }
0x29: {  	[sflag:s17] =	ssyncadd.s32 $0xFFFFE000  }
0x2a: {  	[spmem:s15] =	stream.linear.scatter [tilespmem:s16], [sflag:$0x2], $0x2000, $0x38;
	[tilespmem:$0x10100] =	vst v63  }
0x2b: {  	_ =	swait.ge [sflag:s17], $0x2000  }
0x2c: {  	[sflag:s17] =	ssyncset.done $0x0  }
0x2d: {  	[sflag:s17] =	ssyncadd.s32 $0xFFFFE000  }
0x2e: {  	s23 =	simm.s32 $0x0;
	s24 =	simm.s32 $0x0;
	[bflag:$0x0] =	sbarrier.arrive $0xFFFF  }
.LBB2_4:
0x2f: {  	s25 =	sshll.u32 s24, $0x7  }
0x30: {  	s25 =	sadd.s32 s9, s25  }
0x31: {  	s26 =	sshrl.u32 s25, $0x3  }
0x32: {  	s28 =	sadd.s32 s6, s26  }
0x33: {  	[tilespmem:s23], [sflag:$0x2] =	stream.linear.gather [hbm4b:s28+s23], $0x80, $0x38;
	[tilespmem:$0x10100] =	vst v63  }
0x34: {  	_ =	swait.ge [sflag:s17], $0x80  }
0x35: {  	[sflag:s17] =	ssyncset.done $0x0  }
0x36: {  	s26 =	sadd.s32 s7, s26;
	[sflag:s17] =	ssyncadd.s32 $0xFFFFFF80  }
0x37: {  	[tilespmem:s18], [sflag:$0x2] =	stream.linear.gather [hbm4b:s26+s23], $0x80, $0x38;
	[tilespmem:$0x10100] =	vst v63  }
0x38: {  	_ =	swait.ge [sflag:s17], $0x80  }
0x39: {  	s25 =	sshll.u32 s25, $0x3;
	[sflag:s17] =	ssyncset.done $0x0  }
0x3a: {  	s25 =	sadd.s32 s5, s25;
	[sflag:s17] =	ssyncadd.s32 $0xFFFFFF80  }
0x3b: {  	[tilespmem:s19], [sflag:$0x2] =	stream.linear.gather [hbm4b:s25+s23], $0x2000, $0x38;
	[tilespmem:$0x10100] =	vst v63  }
0x3c: {  	_ =	swait.ge [sflag:s17], $0x2000  }
0x3d: {  	[sflag:s17] =	ssyncset.done $0x0  }
0x3e: {  	[sflag:s17] =	ssyncadd.s32 $0xFFFFE000  }
0x3f: {  	[tilespmem:s20], [sflag:$0x1] =	stream.indirect.gather [hbm4b:s4+s18], $0x40, s23, s18, $0xb8;
	[tilespmem:$0x10100] =	vst v63  }
0x40: {  	_ =	swait.ge [sflag:s21], $0x2000  }
0x41: {  	[sflag:s21] =	ssyncset.done $0x0  }
0x42: {  	s25 =	simm.s32 $0x0;
	[sflag:s21] =	ssyncadd.s32 $0xFFFFE000  }
0x43: {  	v1 =	vld [tilespmem:s25+$0x2120]  }
0x44: {  	v2 =	vld [tilespmem:s25+$0x120]  }
0x45: {  	v3 =	vld [tilespmem:s25+$0x2130]  }
0x46: {  	v4 =	vld [tilespmem:s25+$0x130];
	_ =	sdelay $0x4  }
0x47: {  	v5 =	vld [tilespmem:s25+$0x2110];
	v2 =	vadd.f32 v1, v2;
	v4 =	vadd.f32 v3, v4  }
0x48: {  	v6 =	vld [tilespmem:s25+$0x110]  }
0x49: {  	v1 =	vmin.f32 v2, $0.0e+00;
	v3 =	vmax.f32 v4, $0.0e+00;
	v9 =	vmin.f32 v4, $0.0e+00;
	v4 =	vld [tilespmem:s25+$0x100]  }
0x4a: {  	v7 =	vmul.f32 $9.999999770e-03, v1;
	v1 =	vld [tilespmem:s25+$0x2100];
	_ =	sdelay $0x1  }
0x4b: {  	v8 =	vmax.f32 v2, $0.0e+00  }
0x4c: {  	s28 =	simm.s32 $0x200;
	s26 =	simm.s32 $0x100;
	v2 =	vadd.f32 v5, v6;
	v6 =	vmul.f32 $9.999999770e-03, v9;
	v5 =	vadd.f32 v7, v8  }
.LBB2_5:
0x4d: {  	p0 =	sne.s32 s28, $0x7F00  }
0x4e: {  	s29 =	sshra.s32 s26, $0x2;
	v1 =	vadd.f32 v1, v4;
	s26 =	smov.u32 s28;
	s28 =	sadd.s32 $0x100, s28  }
0x4f: {  	v4 =	vld [tilespmem:s29+$0x2120];
	v7 =	vmin.f32 v2, $0.0e+00;
	[tilespmem:s25+$0x120] =	vst v5;
	v3 =	vadd.f32 v6, v3  }
0x50: {  	v5 =	vld [tilespmem:s29+$0x120];
	v6 =	vmin.f32 v1, $0.0e+00;
	v7 =	vmul.f32 $9.999999770e-03, v7  }
0x51: {  	v9 =	vmax.f32 v1, $0.0e+00;
	v1 =	vmax.f32 v2, $0.0e+00;
	v8 =	vld [tilespmem:s29+$0x2130];
	v6 =	vmul.f32 $9.999999770e-03, v6;
	[tilespmem:s25+$0x130] =	vst v3  }
0x52: {  	v2 =	vld [tilespmem:s29+$0x130];
	v3 =	vadd.f32 v7, v1  }
0x53: {  	v1 =	vld [tilespmem:s29+$0x2100];
	v6 =	vadd.f32 v6, v9  }
0x54: {  	v7 =	vld [tilespmem:s29+$0x2110];
	[tilespmem:s25+$0x110] =	vst v3  }
0x55: {  	v9 =	vld [tilespmem:s29+$0x110];
	v3 =	vadd.f32 v4, v5;
	[tilespmem:s25+$0x100] =	vst v6;
	s25 =	smov.u32 s29  }
.Ltmp1:
0x56: {  	v4 =	vld [tilespmem:s25+$0x100];
	(pc) =	sbr.rel @p0 .LBB2_5-.Ltmp1, $4  }
0x57: {  	v5 =	vmin.f32 v3, $0.0e+00;
	v2 =	vadd.f32 v8, v2  }
0x58: {  	v6 =	vmax.f32 v3, $0.0e+00;
	v5 =	vmul.f32 $9.999999770e-03, v5  }
0x59: {  	v3 =	vmax.f32 v2, $0.0e+00;
	v8 =	vmin.f32 v2, $0.0e+00  }
0x5a: {  	v2 =	vadd.f32 v7, v9;
	v5 =	vadd.f32 v5, v6;
	v6 =	vmul.f32 $9.999999770e-03, v8  }
0x5b: {  	s26 =	sshra.s32 s26, $0x2  }
0x5c: {  	v1 =	vadd.f32 v1, v4;
	v7 =	vld [tilespmem:s26+$0x2120];
	[tilespmem:s25+$0x120] =	vst v5;
	v3 =	vadd.f32 v6, v3  }
0x5d: {  	v53 =	vmin.f32 v2, $0.0e+00;
	v5 =	vld [tilespmem:s26+$0x120]  }
0x5e: {  	v54 =	vld [tilespmem:s26+$0x2130];
	v4 =	vmul.f32 $9.999999770e-03, v53;
	[tilespmem:s25+$0x130] =	vst v3;
	v3 =	vmin.f32 v1, $0.0e+00  }
0x5f: {  	v2 =	vmax.f32 v2, $0.0e+00;
	v3 =	vmul.f32 $9.999999770e-03, v3  }
0x60: {  	v1 =	vmax.f32 v1, $0.0e+00;
	v8 =	vld [tilespmem:s26+$0x130];
	v2 =	vadd.f32 v4, v2  }
0x61: {  	v55 =	vld [tilespmem:s26+$0x2100];
	v1 =	vadd.f32 v3, v1  }
0x62: {  	v9 =	vld [tilespmem:s26+$0x2110];
	[tilespmem:s25+$0x110] =	vst v2  }
0x63: {  	v2 =	vld [tilespmem:s26+$0x110];
	[tilespmem:s25+$0x100] =	vst v1  }
0x64: {  	v1 =	vld [tilespmem:s26+$0x100];
	_ =	sdelay $0x1  }
0x65: {  	v3 =	vadd.f32 v7, v5  }
0x66: {  	v56 =	vadd.f32 v54, v8  }
0x67: {  	v57 =	vmin.f32 v3, $0.0e+00;
	v3 =	vmax.f32 v3, $0.0e+00;
	v2 =	vadd.f32 v9, v2  }
0x68: {  	v6 =	vmul.f32 $9.999999770e-03, v57;
	v58 =	vmin.f32 v56, $0.0e+00;
	v1 =	vadd.f32 v55, v1  }
0x69: {  	v59 =	vmax.f32 v56, $0.0e+00;
	v60 =	vmul.f32 $9.999999770e-03, v58;
	v61 =	vmin.f32 v2, $0.0e+00  }
0x6a: {  	v3 =	vadd.f32 v6, v3;
	v7 =	vmul.f32 $9.999999770e-03, v61;
	v62 =	vmin.f32 v1, $0.0e+00  }
0x6b: {  	v4 =	vadd.f32 v60, v59;
	v2 =	vmax.f32 v2, $0.0e+00;
	v63 =	vmul.f32 $9.999999770e-03, v62  }
0x6c: {  	[tilespmem:s26+$0x120] =	vst v3;
	v1 =	vmax.f32 v1, $0.0e+00;
	v2 =	vadd.f32 v7, v2  }
0x6d: {  	s24 =	sadd.s32 $0x1, s24;
	[tilespmem:s26+$0x130] =	vst v4;
	v1 =	vadd.f32 v63, v1  }
0x6e: {  	p0 =	sne.s32 s24, $0x50;
	[tilespmem:s26+$0x110] =	vst v2  }
.Ltmp2:
0x6f: {  	[tilespmem:s26+$0x100] =	vst v1;
	(pc) =	sbr.rel @p0 .LBB2_4-.Ltmp2, $4  }
0x70: {  	[spmem:s1] =	stream.indirect.scatter.add.f32 [tilespmem:s20], [sflag:$0x2], $0x40, s18, s18, $0xb8;
	[tilespmem:$0x10100] =	vst v63  }
0x71: {  	_ =	swait.ge [sflag:s17], $0x2000  }
0x72: {  	[sflag:s17] =	ssyncset.done $0x0  }
0x73: {  	[sflag:s17] =	ssyncadd.s32 $0xFFFFE000  }
0x74: {  	s3 =	sadd.s32 $0x1, s3  }
0x75: {  	s23 =	sshll.u32 s2, $0x6;
	p0 =	sne.s32 s3, s11  }
.Ltmp3:
0x76: {  	[bflag:$0x0] =	sbarrier.arrive $0xFFFF;
	s23 =	sor.u32 $0x1C02, s23;
	(pc) =	sbr.rel @p0 .LBB2_1-.Ltmp3, $4  }
0x77: {  	[hbm:s10], [sflag:s23] =	dma.local [spmem:s22], $0x1400  }
0x78: {  	_ =	swait.ge [sflag:s17], $0x1400  }
0x79: {  	[sflag:s17] =	ssyncset.done $0x0  }
0x7a: {  	[sflag:s17] =	ssyncadd.s32 $0xFFFFEC00  }
0x7b: {  	_ =	sfence.sel $0x180000  }
0x7c: {  	[bflag:$0x0] =	sbarrier.arrive $0xFFFF  }
0x7d: {  	p0 =	sne.s32 s2, $0x0;
	_ =	strace $0x90000050  }
0x7e: {  	s0 =	sadd.s32 @!p0 $0x100000, s0;
	[bflag:$0x2] =	sbarrier.arrive $0xFFFF  }
0x7f: {  	[sflag:s0] =	ssyncadd.tile.s32 @!p0 $0x1;
	_ =	shalt  }
.Lfunc_end2:
_tile_overlayer_lowered:
.L_overlay_start_2:
0x80: {  	(tag) =	ssettag $0x2  }
0x81: {  	s0 =	rddreg [dreg:$0x0];
	s2 =	stileid.u32  }
0x82: {  	s1 =	rddreg [dreg:$0x1];
	p0 =	sne.s32 s2, $0x0  }
0x83: {  	s3 =	rddreg [dreg:$0x2];
	[bflag:$0x3] =	sbarrier.arrive $0xFFFF;
	s2 =	simm.s32 @!p0 $0x1C02  }
0x84: {  	[timem:s3], [sflag:s2] =	dma.local @!p0 [hbm:s0], s1  }
0x85: {  	s0 =	simm.s32 @!p0 $0x2  }
0x86: {  	_ =	swait.ge @!p0 [sflag:s0], s1  }
0x87: {  	s1 =	ssub.s32 @!p0 $0x0, s1;
	[sflag:s0] =	ssyncset.done @!p0 $0x0  }
0x88: {  	[sflag:s0] =	ssyncadd.s32 @!p0 s1  }
0x89: {  	[bflag:$0x3] =	sbarrier.arrive $0xFFFF  }
0x8a: {  	_ =	shalt  }

// kernel: kernel.26.cloned.1.call-start
scs
__scs_entry_jumppad:
0x0: {  	(pc) =	sbr.rel $0x88, $3  }
0x1: {  	(tag) =	ssettag $0x0;
	lr =	simm.s32 $0x1  }
0x2: {  	[smem:$0x3F90] =	sst lr;
	_ =	strace $0xD0000000  }
0x3: {  	_ = 	snop  }
0x4: {  	_ = 	snop  }
0x5: {  	_ = 	snop  }
0x6: {  	_ = 	snop  }
0x7: {  	_ = 	snop  }
__scs_overlays_trampoline_lowered:
0x8: {  	[smem:$0x3F9F] =	sst s0  }
0x9: {  	[smem:$0x3FA0] =	sst s1  }
0xa: {  	[smem:$0x3FA1] =	sst s2  }
0xb: {  	[smem:$0x3FA2] =	sst s3  }
0xc: {  	[smem:$0x3FA3] =	sst s4  }
0xd: {  	[smem:$0x3FA4] =	sst s5  }
0xe: {  	[smem:$0x3FA5] =	sst s6  }
0xf: {  	[smem:$0x3FA6] =	sst s7  }
0x10: {  	[smem:$0x3FA7] =	sst s8  }
0x11: {  	[smem:$0x3FA8] =	sst s9;
	s0 =	simm.s32 @!p0 $0x0  }
0x12: {  	s1 =	sld [smem:$0x3F8E];
	s0 =	simm.s32 @p0 $0x1  }
0x13: {  	[smem:$0x3FA9] =	sst s0;
	s0 =	simm.s32 @!p1 $0x0  }
0x14: {  	s2 =	sld [smem:$0x3F8D];
	s0 =	simm.s32 @p1 $0x1  }
0x15: {  	[smem:$0x3FAA] =	sst s0;
	s0 =	simm.s32 @!p2 $0x0  }
0x16: {  	s3 =	sld [smem:$0x3FDB];
	s0 =	simm.s32 @p2 $0x1  }
0x17: {  	s4 =	simm.s32 $0x1BF5;
	[smem:$0x3FAC] =	sst s0  }
0x18: {  	s0 =	sld [smem:$0x3F8F];
	_ =	swait.ge [sflag:s4], $0x0  }
0x19: {  	s7 =	sld [smem:$0x3F90]  }
0x1a: {  	s8 =	sadd.s32 $0xFFFFE003, lr  }
0x1b: {  	s9 =	sadd.s32 $0xFFFFFEF7, lr;
	s5 =	simm.s32 $0xFFFFFFFF;
	p2 =	slt.u32 s8, $0xFFFFF086  }
0x1c: {  	p1 =	slt.u32 s9, $0xF7A;
	s5 =	simm.s32 @!p2 $0x0  }
0x1d: {  	s5 =	simm.s32 @p1 $0x1;
	p0 =	seq.s32 s7, s2  }
0x1e: {  	s7 =	smul.u32 @!p0 $0xF7A, s2;
	p2 =	seq.s32 @!p0 s5, $0x0  }
0x1f: {  	s9 =	smul.u32 $0xF7A, s1;
	s8 =	simm.s32 @!p0 $0x1BF5;
	p2 =	por !p2, p0  }
0x20: {  	[sflag:s8] =	ssyncset.s32 @!p0 $0xFFFFF086;
	s6 =	sadd.s32 @!p0 s3, s7;
	s7 =	simm.s32 @!p0 $0x108  }
0x21: {  	s3 =	sadd.s32 s3, s9;
	s6 =	sadd.s32 @!p0 $0x88, s6;
	s7 =	simm.s32 @p2 $0x1082  }
0x22: {  	[simem:s7], [sflag:s8] =	dma.local @!p0 [hbm:s6], $0xF7A  }
0x23: {  	s9 =	sor.u32 $0xD0000000, s2;
	s6 =	simm.s32 $0x108;
	_ =	swait.ge @!p0 [sflag:s8], $0x0  }
0x24: {  	s3 =	sadd.s32 $0x88, s3;
	s6 =	simm.s32 @!p1 $0x1082;
	[sflag:s4] =	ssyncset.s32 $0xFFFFF086  }
0x25: {  	[simem:s6], [sflag:s4] =	dma.local [hbm:s3], $0xF7A  }
0x26: {  	[smem:$0x3F90] =	sst s1;
	(tag) =	ssettag s2;
	_ =	strace s9  }
0x27: {  	s1 =	sld [smem:$0x3FA0]  }
0x28: {  	s2 =	sld [smem:$0x3FA1]  }
0x29: {  	s4 =	sld [smem:$0x3FA3]  }
0x2a: {  	p0 =	seq.s32 s5, $0x0;
	s5 =	sld [smem:$0x3FA4]  }
0x2b: {  	s6 =	sld [smem:$0x3FA5]  }
0x2c: {  	s7 =	sld [smem:$0x3FA6]  }
0x2d: {  	s3 =	simm.s32 $0x108;
	s8 =	sld [smem:$0x3FA7]  }
0x2e: {  	s3 =	simm.s32 @!p0 $0x1082;
	s9 =	sld [smem:$0x3FA8]  }
0x2f: {  	lr =	sadd.s32 s0, s3;
	s0 =	sld [smem:$0x3F9F]  }
0x30: {  	s3 =	sld [smem:$0x3FA2]  }
0x31: {  	[smem:$0x3FAB] =	sst s10  }
0x32: {  	s10 =	sld [smem:$0x3FA9];
	_ =	sdelay $0x3  }
0x33: {  	p0 =	seq.s32 s10, $0x1;
	s10 =	sld [smem:$0x3FAB];
	_ =	sdelay $0x3  }
0x34: {  	[smem:$0x3FAB] =	sst s10  }
0x35: {  	s10 =	sld [smem:$0x3FAA];
	_ =	sdelay $0x3  }
0x36: {  	p1 =	seq.s32 s10, $0x1;
	s10 =	sld [smem:$0x3FAB];
	_ =	sdelay $0x3  }
0x37: {  	[smem:$0x3FAB] =	sst s10  }
0x38: {  	s10 =	sld [smem:$0x3FAC]  }
0x39: {  	_ = 	snop;
	(pc) =	sbr.ind lr, $3  }
0x3a: {  	_ = 	snop  }
0x3b: {  	_ = 	snop  }
0x3c: {  	p2 =	seq.s32 s10, $0x1;
	s10 =	sld [smem:$0x3FAB]  }
0x3d: {  	_ =	shalt  }
0x3e: {  	_ =	shalt  }
0x3f: {  	_ =	shalt  }
0x40: {  	_ =	shalt  }
0x41: {  	_ =	shalt  }
0x42: {  	_ =	shalt  }
0x43: {  	_ =	shalt  }
0x44: {  	_ =	shalt  }
0x45: {  	_ =	shalt  }
0x46: {  	_ =	shalt  }
0x47: {  	_ =	shalt  }
0x48: {  	_ =	shalt  }
0x49: {  	_ =	shalt  }
0x4a: {  	_ =	shalt  }
0x4b: {  	_ =	shalt  }
0x4c: {  	_ =	shalt  }
0x4d: {  	_ =	shalt  }
0x4e: {  	_ =	shalt  }
0x4f: {  	_ =	shalt  }
0x50: {  	_ =	shalt  }
0x51: {  	_ =	shalt  }
0x52: {  	_ =	shalt  }
0x53: {  	_ =	shalt  }
0x54: {  	_ =	shalt  }
0x55: {  	_ =	shalt  }
0x56: {  	_ =	shalt  }
0x57: {  	_ =	shalt  }
0x58: {  	_ =	shalt  }
0x59: {  	_ =	shalt  }
0x5a: {  	_ =	shalt  }
0x5b: {  	_ =	shalt  }
0x5c: {  	_ =	shalt  }
0x5d: {  	_ =	shalt  }
0x5e: {  	_ =	shalt  }
0x5f: {  	_ =	shalt  }
0x60: {  	_ =	shalt  }
0x61: {  	_ =	shalt  }
0x62: {  	_ =	shalt  }
0x63: {  	_ =	shalt  }
0x64: {  	_ =	shalt  }
0x65: {  	_ =	shalt  }
0x66: {  	_ =	shalt  }
0x67: {  	_ =	shalt  }
0x68: {  	_ =	shalt  }
0x69: {  	_ =	shalt  }
0x6a: {  	_ =	shalt  }
0x6b: {  	_ =	shalt  }
0x6c: {  	_ =	shalt  }
0x6d: {  	_ =	shalt  }
0x6e: {  	_ =	shalt  }
0x6f: {  	_ =	shalt  }
0x70: {  	_ =	shalt  }
0x71: {  	_ =	shalt  }
0x72: {  	_ =	shalt  }
0x73: {  	_ =	shalt  }
0x74: {  	_ =	shalt  }
0x75: {  	_ =	shalt  }
0x76: {  	_ =	shalt  }
0x77: {  	_ =	shalt  }
0x78: {  	_ =	shalt  }
0x79: {  	_ =	shalt  }
0x7a: {  	_ =	shalt  }
0x7b: {  	_ =	shalt  }
0x7c: {  	_ =	shalt  }
0x7d: {  	_ =	shalt  }
0x7e: {  	_ =	shalt  }
0x7f: {  	_ =	shalt  }
0x80: {  	_ =	shalt  }
0x81: {  	_ =	shalt  }
0x82: {  	_ =	shalt  }
0x83: {  	_ =	shalt  }
0x84: {  	_ =	shalt  }
0x85: {  	_ =	shalt  }
0x86: {  	_ =	shalt  }
0x87: {  	_ =	shalt  }
.Lfunc_end0:
.L_simem_size_0:
called_computation.4_lowered:
.L_overlay_start_0:
0x88: {  	s2 =	sld [smem:$0x3FD9]  }
0x89: {  	s3 =	sld [smem:$0x3FFE];
	_ =	sdelay $0x1  }
0x8a: {  	s1 =	srdreg.scid  }
0x8b: {  	s0 =	sand.u32 $0x1, s1  }
0x8c: {  	s16 =	sshll.u32 s0, $0xA;
	s2 =	sadd.s32 s3, s2  }
0x8d: {  	s2 =	sadd.s32 s2, s16  }
0x8e: {  	[smem:$0x3FB7] =	sst s2  }
0x8f: {  	_ = 	snop  }
0x90: {  	(tm) =	ssettm $0x1  }
0x91: {  	s17 =	sld [smem:$0x3FFB];
	_ =	sdelay $0x3  }
0x92: {  	_ =	strace s17  }
0x93: {  	s2 =	sld [smem:$0x3FFC];
	_ =	sdelay $0x3  }
0x94: {  	_ =	strace s2  }
0x95: {  	s2 =	sld [smem:$0x3FFD];
	_ =	sdelay $0x3  }
0x96: {  	_ =	strace s2  }
0x97: {  	_ =	strace $0x8FFFFFFF  }
0x98: {  	s18 =	sld [smem:$0x3FDB];
	_ =	sdelay $0x1  }
0x99: {  	s19 =	simm.s32 $_scs_section_size  }
0x9a: {  	s4 =	simm.s32 $_size__tile_overlayer_lowered;
	s5 =	simm.s32 $_tile_overlayer_lowered  }
0x9b: {  	s22 =	simm.s32 $0x1BFF;
	s21 =	sshll.u32 s5, $0x1;
	s2 =	sadd.s32 s19, s18  }
0x9c: {  	s6 =	simm.s32 $0x0;
	s20 =	sshll.u32 s4, $0x1;
	s4 =	sadd.s32 s21, s2  }
0x9d: {  	[timem:s6], [sflag:s22] =	dma.local [hbm:s4], s20  }
0x9e: {  	_ =	swait.ge [sflag:s22], s20  }
0x9f: {  	s3 =	ssub.s32 $0x0, s20;
	[sflag:s22] =	ssyncset.done $0x0  }
0xa0: {  	[sflag:s22] =	ssyncadd.s32 s3;
	_ =	sdelay $0x1  }
0xa1: {  	s23 =	simm.s32 $0x1B8B  }
0xa2: {  	_ =	swait.ge [sflag:s23], $0x1  }
0xa3: {  	[sflag:s23] =	ssyncset.done $0x0  }
0xa4: {  	s25 =	simm.s32 $0x1B8E;
	s24 =	sld [smem:$0x3FFE];
	[sflag:s23] =	ssyncadd.s32 $0xFFFFFFFF  }
0xa5: {  	s26 =	simm.s32 $execute0_lowered;
	[smem:$0x3FD2] =	sst s25  }
0xa6: {  	s4 =	sshll.u32 s26, $0x1;
	_ =	strace $0x80000052;
	[dreg:$0x1] =	wrdreg $0xFFFFFFFF  }
0xa7: {  	s28 =	simm.s32 $_size_execute0_lowered;
	s2 =	sadd.s32 s2, s4;
	[dreg:$0x0] =	wrdreg $0x0  }
0xa8: {  	s4 =	sshll.u32 s28, $0x1;
	[dreg:$0x2] =	wrdreg s2  }
0xa9: {  	[dreg:$0x3] =	wrdreg s4  }
0xaa: {  	[dreg:$0x4] =	wrdreg $0xC0  }
0xab: {  	_ =	task [dreg:s6], $0x5FFFF  }
0xac: {  	[dreg:$0x1] =	wrdreg $0xFFFFFFFF  }
0xad: {  	[dreg:$0x0] =	wrdreg $0x60  }
0xae: {  	[dreg:$0x2] =	wrdreg s24  }
0xaf: {  	[dreg:$0x3] =	wrdreg $0x9  }
0xb0: {  	_ =	task.clear_ibuf [dreg:s6], $0x4FFFF;
	_ =	strace $0x90000052  }
0xb1: {  	s29 =	simm.s32 $0x9;
	_ =	strace $0x80000054  }
0xb2: {  	_ =	swait.ge [sflag:s29], $0x1  }
0xb3: {  	[sflag:s29] =	ssyncadd.s32 $0xFFFFFFFF  }
0xb4: {  	_ =	strace $0x90000054  }
0xb5: {  	_ =	sfence  }
0xb6: {  	s30 =	sld [smem:$0x0];
	_ =	sdelay $0x2  }
0xb7: {  	s31 =	sshll.u32 s1, $0xD;
	s1 =	sshrl.u32 s1, $0x2  }
0xb8: {  	s3 =	sand.u32 $0x4000, s31;
	s1 =	sadd.s32 s1, s30  }
0xb9: {  	s0 =	sor.u32 s3, s0;
	s1 =	sshll.u32 s1, $0x11  }
0xba: {  	s0 =	sor.u32 s1, s0  }
0xbb: {  	s0 =	sadd.s32 $0x8F2B, s0  }
0xbc: {  	[sflag:s0] =	ssyncadd.remote.s32 $0x1  }
0xbd: {  	_ =	sfence.sel $0xFFFF  }
0xbe: {  	[dreg:$0x0] =	wrdreg $0xFFFFFFFF;
	(pc) =	sbr.abs _section_cstart, $3  }
0xbf: {  	[dreg:$0x1] =	wrdreg $0xFFFFFFFF  }
0xc0: {  	_ =	task.clear_ibuf [dreg:s6], $0x2FFFF;
	_ =	strace $0x9FFFFFFF  }
0xc1: {  	(tm) =	ssettm $0x7FFFFFFF  }
tec
execute0_lowered:
.L_overlay_start_1:
0x0: {  	(tag) =	ssettag $0x1  }
0x1: {  	s1 =	srdreg.scid  }
0x2: {  	s0 =	stileid.u32;
	s4 =	rddreg [dreg:$0x0];
	s2 =	simm.s32 $0x0  }
0x3: {  	s11 =	simm.s32 $0x2940;
	s12 =	simm.s32 $0x2A80;
	s13 =	simm.s32 $0x0  }
0x4: {  	s5 =	sand.u32 $0x1, s1;
	s30 =	sshll.u32 s0, $0x1;
	s1 =	rddreg [dreg:$0x1]  }
0x5: {  	[smem:$0x7FF] =	sst s2;
	s9 =	smul.u32 $0x280, s0;
	s6 =	sor.u32 s5, s30  }
0x6: {  	s3 =	sadd.s32 $0x4200, s4;
	_ =	strace $0x80000053;
	s7 =	smul.u32 $0x140, s6  }
0x7: {  	s8 =	ssub.s32 $0x2, s5;
	s10 =	smul.u32 $0x140, s5;
	s6 =	sshll.u32 s6, $0x5  }
0x8: {  	s31 =	sshrl.u32 s8, $0x1;
	s6 =	sadd.s32 s6, s4;
	s7 =	sshrl.u32 s7, $0x3  }
0x9: {  	s8 =	ssub.s32 s8, s31;
	s6 =	sadd.s32 $0x5400, s6;
	s7 =	sadd.s32 s7, s4  }
0xa: {  	s4 =	sadd.s32 $0x4800, s7;
	s5 =	sadd.s32 $0x4E00, s7;
	s7 =	smax.u32 s8, $0x1  }
0xb: {  	v0 =	vimm.f32 $0.0e+00;
	vm0 =	vmxor vm0, vm0;
	v1 =	vlaneseq.u32;
	s8 =	sadd.s32 s10, s9;
	s9 =	simm.s32 $0x1;
	s10 =	simm.s32 $0x2800  }
.LBB2_1:
0xc: {  	[tilespmem:s2], [sflag:$0x1] =	stream.linear.gather [hbm4b:s3+s2], $0x2800, $0x38;
	[tilespmem:$0x2B80] =	vst v63  }
0xd: {  	_ =	swait.ge [sflag:s9], $0x2800  }
0xe: {  	[sflag:s9] =	ssyncset.done $0x0  }
0xf: {  	[sflag:s9] =	ssyncadd.s32 $0xFFFFD800  }
0x10: {  	[tilespmem:s10], [sflag:$0x1] =	stream.linear.gather [hbm4b:s4+s2], $0x140, $0x38;
	[tilespmem:$0x2B80] =	vst v63  }
0x11: {  	_ =	swait.ge [sflag:s9], $0x140  }
0x12: {  	[sflag:s9] =	ssyncset.done $0x0  }
0x13: {  	[sflag:s9] =	ssyncadd.s32 $0xFFFFFEC0  }
0x14: {  	[tilespmem:s11], [sflag:$0x1] =	stream.linear.gather [hbm4b:s5+s2], $0x140, $0x38;
	[tilespmem:$0x2B80] =	vst v63  }
0x15: {  	_ =	swait.ge [sflag:s9], $0x140  }
0x16: {  	[sflag:s9] =	ssyncset.done $0x0  }
0x17: {  	[sflag:s9] =	ssyncadd.s32 $0xFFFFFEC0  }
0x18: {  	[tilespmem:$0x2A80] =	vst v0  }
0x19: {  	[tilespmem:$0x2A90] =	vst v0  }
0x1a: {  	[tilespmem:$0x2AA0] =	vst v0  }
0x1b: {  	[tilespmem:$0x2AB0] =	vst v0  }
0x1c: {  	[tilespmem:$0x2AC0] =	vst v0  }
0x1d: {  	[tilespmem:$0x2AD0] =	vst v0  }
0x1e: {  	[tilespmem:$0x2AE0] =	vst v0  }
0x1f: {  	[tilespmem:$0x2AF0] =	vst v0  }
0x20: {  	[tilespmem:$0x2B00] =	vst v0  }
0x21: {  	[tilespmem:$0x2B10] =	vst v0  }
0x22: {  	[tilespmem:$0x2B20] =	vst v0  }
0x23: {  	[tilespmem:$0x2B30] =	vst v0  }
0x24: {  	[tilespmem:$0x2B40] =	vst v0  }
0x25: {  	[tilespmem:$0x2B50] =	vst v0  }
0x26: {  	[tilespmem:$0x2B60] =	vst v0  }
0x27: {  	s14 =	smov.u32 s8;
	s15 =	simm.s32 $0x0;
	[tilespmem:$0x2B70] =	vst v0  }
.LBB2_2:
0x28: {  	s16 =	sshra.s32 s15, $0x2  }
0x29: {  	v2 =	vld [tilespmem:s16+$0x2800];
	_ =	sdelay $0x7  }
0x2a: {  	v2 =	vld.idx.msk [tilespmem:v2+s2+$0x0], $0xffff;
	_ =	sdelay $0x3  }
0x2b: {  	p0 =	slt.u32 s14, $0x2710;
	vm1 =	vmmov vm0  }
0x2c: {  	vm1 =	vmneg @p0 vm1;
	v2 =	vshll.u32 v2, $0x4  }
0x2d: {  	v3 =	vld [tilespmem:s16+$0x2940];
	p0 =	sne.s32 s15, $0x4C0;
	v2 =	vor.u32 v1, v2  }
.Ltmp0:
0x2e: {  	_ = 	snop;
	(pc) =	sbr.rel @p0 .LBB2_2-.Ltmp0, $2  }
0x2f: {  	_ =	sdelay $0x2  }
0x30: {  	s14 =	sadd.s32 $0x10, s14;
	s15 =	sadd.s32 $0x40, s15;
	[tilespmem:v2+s12+$0x0] =	vst.idx.add.f32.msk vm1, v3  }
0x31: {  	s13 =	sadd.s32 $0x1, s13  }
0x32: {  	p0 =	sne.s32 s13, s7  }
.Ltmp1:
0x33: {  	_ = 	snop;
	(pc) =	sbr.rel @p0 .LBB2_1-.Ltmp1, $4  }
0x34: {  	[hbm4b:s6+s2] =	stream.linear.scatter [tilespmem:s12], [sflag:$0x1], $0x100, $0x38;
	[tilespmem:$0x2B80] =	vst v63  }
0x35: {  	_ =	swait.ge [sflag:s9], $0x100  }
0x36: {  	[sflag:s9] =	ssyncset.done $0x0  }
0x37: {  	[sflag:s9] =	ssyncadd.s32 $0xFFFFFF00  }
0x38: {  	_ =	sfence.sel $0x180000  }
0x39: {  	[bflag:$0x0] =	sbarrier.arrive $0xFFFF  }
0x3a: {  	p0 =	sne.s32 s0, $0x0;
	_ =	strace $0x90000053  }
0x3b: {  	s0 =	sadd.s32 @!p0 $0x100000, s1;
	[bflag:$0x2] =	sbarrier.arrive $0xFFFF  }
0x3c: {  	[sflag:s0] =	ssyncadd.tile.s32 @!p0 $0x1;
	_ =	shalt  }
.Lfunc_end2:
_tile_overlayer_lowered:
.L_overlay_start_2:
0x3d: {  	(tag) =	ssettag $0x2  }
0x3e: {  	s0 =	rddreg [dreg:$0x0];
	s2 =	stileid.u32  }
0x3f: {  	s1 =	rddreg [dreg:$0x1];
	p0 =	sne.s32 s2, $0x0  }
0x40: {  	s3 =	rddreg [dreg:$0x2];
	[bflag:$0x3] =	sbarrier.arrive $0xFFFF;
	s2 =	simm.s32 @!p0 $0x1C01  }
0x41: {  	[timem:s3], [sflag:s2] =	dma.local @!p0 [hbm:s0], s1  }
0x42: {  	s0 =	simm.s32 @!p0 $0x1  }
0x43: {  	_ =	swait.ge @!p0 [sflag:s0], s1  }
0x44: {  	s1 =	ssub.s32 @!p0 $0x0, s1;
	[sflag:s0] =	ssyncset.done @!p0 $0x0  }
0x45: {  	[sflag:s0] =	ssyncadd.s32 @!p0 s1  }
0x46: {  	[bflag:$0x3] =	sbarrier.arrive $0xFFFF  }
0x47: {  	_ =	shalt  }

</sc_bundles>
